<compile_context>
chip_gen: v7x
topology: tpu7x:2x2x1
jax: 0.10.2.dev20260603
libtpu: 0.0.44.dev20260713+nightly
codegen_flags: <defaults>
</compile_context>

<pallas_src>
import functools

import jax
import jax.numpy as jnp
from jax import lax
from jax.experimental import pallas as pl
from jax.experimental.pallas import tpu as pltpu
from jax.experimental.pallas import tpu_sc as plsc

_B, _Cin, _C, _H, _W = 2, 64, 64, 224, 224
_HW = _H * _W
_NS, _K = 12544, 9
_HID = (2 * _C + 3) // 2
_NW = 32
_CH = 112
_NB = 128
_NKB = _NB * _K


def _conv(x, w, b):
    y = lax.conv_general_dilated(x.astype(jnp.bfloat16), w.astype(jnp.bfloat16),
                                 (1, 1), ((1, 1), (1, 1)),
                                 dimension_numbers=('NCHW', 'OIHW', 'NCHW'),
                                 preferred_element_type=jnp.float32)
    return y + b[None, :, None, None]


def _conv_to_rows(x, w, b):
    y = lax.conv_general_dilated(x.astype(jnp.bfloat16), w.astype(jnp.bfloat16),
                                 (1, 1), ((1, 1), (1, 1)),
                                 dimension_numbers=('NCHW', 'OIHW', 'NHWC'),
                                 preferred_element_type=jnp.float32)
    return y + b[None, None, None, :]


def _conv_from_rows(x, w, b):
    y = lax.conv_general_dilated(x.astype(jnp.bfloat16), w.astype(jnp.bfloat16),
                                 (1, 1), ((1, 1), (1, 1)),
                                 dimension_numbers=('NHWC', 'OIHW', 'NCHW'),
                                 preferred_element_type=jnp.float32)
    return y + b[None, :, None, None]


_NBUF = 7


@functools.lru_cache(maxsize=None)
def _sc_gather(n_rows, n_idx):
    per_w = n_idx // _NW
    n_chunks = per_w // _CH
    assert per_w % _CH == 0 and n_chunks % _NBUF == 0, (n_rows, n_idx)
    n_groups = n_chunks // _NBUF
    mesh = plsc.VectorSubcoreMesh(core_axis_name="c", subcore_axis_name="s")

    @functools.partial(
        pl.kernel, mesh=mesh,
        out_type=jax.ShapeDtypeStruct((n_idx, _C), jnp.float32),
        scratch_types=[
            [pltpu.VMEM((_CH,), jnp.int32) for _ in range(_NBUF)],
            [pltpu.VMEM((_CH, _C), jnp.float32) for _ in range(_NBUF)],
            pltpu.SemaphoreType.DMA,
        ],
        compiler_params=pltpu.CompilerParams(use_tc_tiling_on_sc=False),
    )
    def k(tab, idx, out, idx_vs, rows_vs, sem):
        wid = lax.axis_index("s") * 2 + lax.axis_index("c")
        base = wid * per_w

        def body(g, c):
            off = base + g * (_CH * _NBUF)
            copies = []
            for j in range(_NBUF):
                pltpu.sync_copy(idx.at[pl.ds(off + j * _CH, _CH)], idx_vs[j])
                copies.append(
                    pltpu.async_copy(tab.at[idx_vs[j]], rows_vs[j], sem))
            for j in range(_NBUF):
                copies[j].wait()
                pltpu.sync_copy(rows_vs[j],
                                out.at[pl.ds(off + j * _CH, _CH)])
            return c

        lax.fori_loop(0, n_groups, body, 0)

    return k


def _attn_body(nn_ref, ds_ref, rs_ref, disp_ref,
               wnn_d_ref, was_d_ref, wbs_d_ref, wcs_d_ref, b1_d_ref, w2_d_ref,
               wnn_r_ref, was_r_ref, wbs_r_ref, wcs_r_ref, b1_r_ref, w2_r_ref,
               dbias_ref, rbias_ref, wd_ref, wr_ref):
    nn = nn_ref[...]
    ds = ds_ref[...]
    rs = rs_ref[...]
    disp = disp_ref[...]
    nn3 = nn.reshape(_NB, _K, _C)
    colmask = lax.broadcasted_iota(jnp.int32, (1, _C), 1) > 0

    def branch(wnn_ref, was_ref, wbs_ref, wcs_ref, b1_ref, w2_ref, bias_ref, sfeat):
        h = jnp.dot(nn, wnn_ref[...], preferred_element_type=jnp.float32)
        h = h + jnp.dot(disp, wcs_ref[...], preferred_element_type=jnp.float32)
        hs = (jnp.dot(ds, was_ref[...], preferred_element_type=jnp.float32)
              + jnp.dot(rs, wbs_ref[...], preferred_element_type=jnp.float32)
              - b1_ref[...])
        h = h - jnp.broadcast_to(hs.reshape(_NB, 1, _HID),
                                 (_NB, _K, _HID)).reshape(_NKB, _HID)
        h = jnp.where(h >= 0, h, 0.2 * h)
        logit = jnp.dot(h, w2_ref[...], preferred_element_type=jnp.float32)
        logit = logit.reshape(_NB, _K)
        m = jnp.max(logit, axis=1, keepdims=True)
        e = jnp.exp(logit - m)
        a = e / jnp.sum(e, axis=1, keepdims=True)
        acc = jnp.zeros((_NB, _C), jnp.float32)
        for kk in range(_K):
            acc = acc + a[:, kk:kk + 1] * nn3[:, kk, :]
        out = acc + bias_ref[...]
        return out + jnp.where(colmask, sfeat, 0.0)

    wd_ref[...] = branch(wnn_d_ref, was_d_ref, wbs_d_ref, wcs_d_ref,
                         b1_d_ref, w2_d_ref, dbias_ref, ds)
    wr_ref[...] = branch(wnn_r_ref, was_r_ref, wbs_r_ref, wcs_r_ref,
                         b1_r_ref, w2_r_ref, rbias_ref, rs)


def _attn_call(nn, ds, rs, disp, wd_args, wr_args, dbias, rbias):
    npts = ds.shape[0]
    grid = npts // _NB
    full = lambda shape: pl.BlockSpec(shape, lambda i: (0, 0))
    in_specs = [
        pl.BlockSpec((_NKB, _C), lambda i: (i, 0)),
        pl.BlockSpec((_NB, _C), lambda i: (i, 0)),
        pl.BlockSpec((_NB, _C), lambda i: (i, 0)),
        pl.BlockSpec((_NKB, 3), lambda i: (i, 0)),
    ]
    for args in (wd_args, wr_args):
        for a in args:
            in_specs.append(full(a.shape))
    in_specs.append(full(dbias.shape))
    in_specs.append(full(rbias.shape))
    out_specs = [pl.BlockSpec((_NB, _C), lambda i: (i, 0)),
                 pl.BlockSpec((_NB, _C), lambda i: (i, 0))]
    return pl.pallas_call(
        _attn_body,
        grid=(grid,),
        in_specs=in_specs,
        out_specs=out_specs,
        out_shape=[jax.ShapeDtypeStruct((npts, _C), jnp.float32),
                   jax.ShapeDtypeStruct((npts, _C), jnp.float32)],
        compiler_params=pltpu.CompilerParams(
            vmem_limit_bytes=100 * 1024 * 1024),
    )(nn, ds, rs, disp, *wd_args, *wr_args, dbias, rbias)


def _split_w1(w1):
    wa = w1[:, :_C]
    wb = w1[:, _C:2 * _C]
    wc = w1[:, 2 * _C:]
    return (wa + wb).T, wa.T, wb.T, wc.T


def kernel(rgb, sdepth, pc_idx, nbrs_idx, nbrs_disp,
           d_w0, d_b0, d_w1, d_b1, d_w2, d_b2,
           r_w0, r_b0, r_w1, r_b1, r_w2, r_b2,
           d_mlp_w1, d_mlp_b1, d_mlp_w2, d_mlp_b2,
           r_mlp_w1, r_mlp_b1, r_mlp_w2, r_mlp_b2,
           d_bias, r_bias):
    d_feat1 = _conv(sdepth, d_w1, d_b1)
    r_feat1 = _conv(rgb, r_w1, r_b1)
    d0T = jax.nn.relu(_conv_to_rows(sdepth, d_w0, d_b0)).reshape(_B, _HW, _C)
    r0T = jax.nn.relu(_conv_to_rows(rgb, r_w0, r_b0)).reshape(_B, _HW, _C)

    pc = pc_idx[:, 0, :].astype(jnp.int32)
    nbr = nbrs_idx[:, 0].astype(jnp.int32)
    boff = (jnp.arange(_B, dtype=jnp.int32) * _HW)[:, None]
    nbr_g = (nbr.reshape(_B, _NS * _K) + boff).reshape(-1)
    pc_g = (pc + boff).reshape(-1)

    idx_d = jnp.concatenate([nbr_g, pc_g])
    out_a = _sc_gather(_B * _HW, idx_d.shape[0])(
        d0T.reshape(_B * _HW, _C), idx_d)
    nn = out_a[:_B * _NS * _K]
    ds = out_a[_B * _NS * _K:]
    rs = _sc_gather(_B * _HW, pc_g.shape[0])(
        r0T.reshape(_B * _HW, _C), pc_g)

    disp = nbrs_disp.transpose(0, 2, 3, 1).reshape(_B * _NS * _K, 3)
    wd_args = (*_split_w1(d_mlp_w1), d_mlp_b1.reshape(1, _HID),
               d_mlp_w2.T)
    wr_args = (*_split_w1(r_mlp_w1), r_mlp_b1.reshape(1, _HID),
               r_mlp_w2.T)
    write_d, write_r = _attn_call(nn, ds, rs, disp, wd_args, wr_args,
                                  d_bias.reshape(1, _C),
                                  r_bias.reshape(1, _C))

    wmap = jnp.full((_B, _HW), -1, jnp.int32).at[
        jnp.arange(_B)[:, None], pc].max(
        jnp.arange(_NS, dtype=jnp.int32)[None, :])

    t_rows = _HW + _NS
    tab = jnp.concatenate([
        d0T[0], write_d[:_NS], d0T[1], write_d[_NS:],
        r0T[0], write_r[:_NS], r0T[1], write_r[_NS:]], axis=0)
    p_ar = jnp.arange(_HW, dtype=jnp.int32)[None, :]
    src_b = jnp.where(wmap >= 0, _HW + wmap, p_ar)
    g_off = (jnp.arange(4, dtype=jnp.int32) * t_rows)[:, None]
    src = (jnp.stack([src_b[0], src_b[1], src_b[0], src_b[1]]) +
           g_off).reshape(-1)
    out_c = _sc_gather(4 * t_rows, src.shape[0])(tab, src)

    newmaps = out_c.reshape(2, _B, _H, _W, _C)
    d_feat2 = _conv_from_rows(newmaps[0], d_w2, d_b2)
    r_feat2 = _conv_from_rows(newmaps[1], r_w2, r_b2)
    return (jax.nn.relu(d_feat2 + d_feat1), jax.nn.relu(r_feat2 + r_feat1))

# --- scband reference (transcript-rebuilt; emitter-appended) ---
"""Pipeline reference for scband-co-attn-gpblock-17351667876070 (READ-ONLY COPY).

The authoritative reference and input builder live on the scoring server;
editing this copy changes nothing except your own understanding.
"""

import jax, jax.numpy as jnp
import numpy as np

B, Cin, Cout, H, W = 2, 64, 64, 224, 224
Ns, K = 12544, 9
HW = H * W
HID = (2 * Cout + 3) // 2


def _conv(x, w, b):
    y = jax.lax.conv_general_dilated(x, w, (1, 1), ((1, 1), (1, 1)), dimension_numbers=('NCHW', 'OIHW', 'NCHW'))
    return y + b[None, :, None, None]


def _mlp(x, w1, b1, w2, b2):
    h = x @ w1.T + b1
    h = jnp.where(h >= 0, h, 0.2 * h)
    return h @ w2.T + b2


def setup_inputs(seed: int = 0) -> dict:
    key = jax.random.key(seed)
    ks = jax.random.split(key, 32)
    s = 0.05
    inp = {}
    inp['rgb'] = jax.random.normal(ks[0], (B, Cin, H, W), jnp.float32)
    inp['sdepth'] = jax.random.normal(ks[1], (B, Cin, H, W), jnp.float32)
    inp['pc_idx'] = jax.random.randint(ks[2], (B, 1, Ns), 0, HW)
    inp['nbrs_idx'] = jax.random.randint(ks[3], (B, 1, Ns, K), 0, HW)
    inp['nbrs_disp'] = jax.random.normal(ks[4], (B, 3, Ns, K), jnp.float32)
    for i, n in enumerate(['d_w0', 'd_w1', 'd_w2', 'r_w0', 'r_w1', 'r_w2']):
        inp[n] = jax.random.normal(ks[5 + i], (Cout, Cin, 3, 3), jnp.float32) * s
        inp[n.replace('w', 'b')] = jnp.zeros((Cout,), jnp.float32)
    inp['d_mlp_w1'] = jax.random.normal(ks[11], (HID, 2 * Cout + 3), jnp.float32) * s
    inp['d_mlp_b1'] = jnp.zeros((HID,), jnp.float32)
    inp['d_mlp_w2'] = jax.random.normal(ks[12], (1, HID), jnp.float32) * s
    inp['d_mlp_b2'] = jnp.zeros((1,), jnp.float32)
    inp['r_mlp_w1'] = jax.random.normal(ks[13], (HID, 2 * Cout + 3), jnp.float32) * s
    inp['r_mlp_b1'] = jnp.zeros((HID,), jnp.float32)
    inp['r_mlp_w2'] = jax.random.normal(ks[14], (1, HID), jnp.float32) * s
    inp['r_mlp_b2'] = jnp.zeros((1,), jnp.float32)
    inp['d_bias'] = jnp.zeros((Cout,), jnp.float32)
    inp['r_bias'] = jnp.zeros((Cout,), jnp.float32)
    return inp


def reference(rgb, sdepth, pc_idx, nbrs_idx, nbrs_disp,
              d_w0, d_b0, d_w1, d_b1, d_w2, d_b2,
              r_w0, r_b0, r_w1, r_b1, r_w2, r_b2,
              d_mlp_w1, d_mlp_b1, d_mlp_w2, d_mlp_b2,
              r_mlp_w1, r_mlp_b1, r_mlp_w2, r_mlp_b2,
              d_bias, r_bias):
    d_feat0 = jax.nn.relu(_conv(sdepth, d_w0, d_b0))
    d_feat1 = _conv(sdepth, d_w1, d_b1)
    r_feat0 = jax.nn.relu(_conv(rgb, r_w0, r_b0))
    r_feat1 = _conv(rgb, r_w1, r_b1)
    Bn, C, Hn, Wn = r_feat1.shape
    N, Kn = nbrs_idx.shape[2], nbrs_idx.shape[3]
    d_flat = d_feat0.reshape(Bn, C, -1)
    r_flat = r_feat0.reshape(Bn, C, -1)
    idx_p = jnp.broadcast_to(pc_idx, (Bn, C, N))
    idx_n = jnp.broadcast_to(nbrs_idx, (Bn, C, N, Kn)).reshape(Bn, C, -1)
    d_sfeat = jnp.take_along_axis(d_flat, idx_p, axis=2)
    d_nnfeat = jnp.take_along_axis(d_flat, idx_n, axis=2).reshape(Bn, C, N, Kn)
    r_sfeat = jnp.take_along_axis(r_flat, idx_p, axis=2)
    r_nnfeat = jnp.take_along_axis(d_flat, idx_n, axis=2).reshape(Bn, C, N, Kn)
    d_dist = d_nnfeat - d_sfeat[..., None]
    r_dist = r_nnfeat - r_sfeat[..., None]
    feats = jnp.concatenate((d_dist, r_dist, nbrs_disp), axis=1).reshape(Bn, 2 * C + 3, -1).transpose(0, 2, 1)
    d_attn = jax.nn.softmax(_mlp(feats, d_mlp_w1, d_mlp_b1, d_mlp_w2, d_mlp_b2).reshape(Bn, N, Kn, 1), axis=2).transpose(0, 3, 1, 2)
    r_attn = jax.nn.softmax(_mlp(feats, r_mlp_w1, r_mlp_b1, r_mlp_w2, r_mlp_b2).reshape(Bn, N, Kn, 1), axis=2).transpose(0, 3, 1, 2)
    d_feat = jnp.sum(d_attn * d_nnfeat, axis=3) + d_bias[None, :, None]
    r_feat = jnp.sum(r_attn * r_nnfeat, axis=3) + r_bias[None, :, None]
    b_ix = jnp.arange(Bn)[:, None, None]
    c_ix = jnp.arange(C)[None, :, None]
    d_new = jnp.zeros((Bn, C, Hn * Wn), jnp.float32).at[b_ix, c_ix, idx_p].set(d_feat).reshape(Bn, C, Hn, Wn)
    r_new = jnp.zeros((Bn, C, Hn * Wn), jnp.float32).at[b_ix, c_ix, idx_p].set(r_feat).reshape(Bn, C, Hn, Wn)
    masks = jnp.zeros((Bn, C, Hn * Wn), jnp.float32).at[jnp.arange(Bn)[:, None], 0, pc_idx[:, 0, :]].set(1.0).reshape(Bn, C, Hn, Wn)
    d_feat0 = (1 - masks) * d_feat0 + d_new
    r_feat0 = (1 - masks) * r_feat0 + r_new
    d_feat2 = _conv(d_feat0, d_w2, d_b2)
    r_feat2 = _conv(r_feat0, r_w2, r_b2)
    return (jax.nn.relu(d_feat2 + d_feat1), jax.nn.relu(r_feat2 + r_feat1))

if __name__ == "__main__":
    import jax
    _d = setup_inputs()
    print(jax.jit(kernel)(*tuple(_d.values())))

</pallas_src>

<mosaic_0001>
#map = affine_map<(d0, d1) -> (0, 0)>
#map1 = affine_map<(d0, d1) -> (0)>
module attributes {stable_mosaic.version = 14 : i64} {
  func.func @k(%arg0: i32, %arg1: i32, %arg2: memref<250880x64xf32, #tpu.memory_space<hbm>>, %arg3: memref<200704xi32, #tpu.memory_space<hbm>>, %arg4: memref<200704x64xf32, #tpu.memory_space<hbm>>, %arg5: memref<112xi32, #tpu.memory_space<vmem>>, %arg6: memref<112xi32, #tpu.memory_space<vmem>>, %arg7: memref<112xi32, #tpu.memory_space<vmem>>, %arg8: memref<112xi32, #tpu.memory_space<vmem>>, %arg9: memref<112xi32, #tpu.memory_space<vmem>>, %arg10: memref<112xi32, #tpu.memory_space<vmem>>, %arg11: memref<112xi32, #tpu.memory_space<vmem>>, %arg12: memref<112x64xf32, #tpu.memory_space<vmem>>, %arg13: memref<112x64xf32, #tpu.memory_space<vmem>>, %arg14: memref<112x64xf32, #tpu.memory_space<vmem>>, %arg15: memref<112x64xf32, #tpu.memory_space<vmem>>, %arg16: memref<112x64xf32, #tpu.memory_space<vmem>>, %arg17: memref<112x64xf32, #tpu.memory_space<vmem>>, %arg18: memref<112x64xf32, #tpu.memory_space<vmem>>, %arg19: memref<!tpu.dma_semaphore, #tpu.memory_space<semaphore_mem>>) attributes {dimension_semantics = [#tpu.dimension_semantics<core_parallel>, #tpu.dimension_semantics<subcore_parallel>], iteration_bounds = array<i64: 2, 16>, scalar_prefetch = 0 : i64, scratch_operands = 15 : i64, tpu.core_type = #tpu.core_type<sc_vector_subcore>, window_params = [{transform_indices = #map}, {transform_indices = #map1}, {transform_indices = #map}]} {
    %mul3A = arith.constant 2 : i32
    %mul3A_0 = arith.muli %arg1, %mul3A : i32
    %add3A = arith.addi %mul3A_0, %arg0 : i32
    %mul3A_1 = arith.constant 6272 : i32
    %mul3A_2 = arith.muli %add3A, %mul3A_1 : i32
    %scan3A = arith.constant 0 : i32
    %scan3A_3 = arith.constant 0 : i32
    %scan3A_4 = arith.constant 8 : i32
    %scan3A_5 = arith.addi %scan3A_3, %scan3A_4 : i32
    %scan3A_6 = arith.constant 1 : i32
    scf.for %scan3A_8 = %scan3A_3 to %scan3A_5 step %scan3A_6  : i32 {
      %mul3A_9 = arith.constant 784 : i32
      %mul3A_10 = arith.muli %scan3A_8, %mul3A_9 : i32
      %add3A_11 = arith.addi %mul3A_2, %mul3A_10 : i32
      %add3A_12 = arith.constant 0 : i32
      %add3A_13 = arith.addi %add3A_11, %add3A_12 : i32
      "tpu.region"() ({
        %run_scoped3A = tpu.sem_alloc : memref<!tpu.dma_semaphore, #tpu.memory_space<semaphore_mem>>
        %dma_start3A_80 = tpu.memref_slice %arg3[%add3A_13] : memref<200704xi32, #tpu.memory_space<hbm>> -> memref<112xi32, #tpu.memory_space<hbm>>
        %dma_start3A_81 = tpu.memref_slice %arg3[%add3A_13] : memref<200704xi32, #tpu.memory_space<hbm>> -> memref<112xi32, #tpu.memory_space<hbm>>
        tpu.enqueue_dma source(%dma_start3A_81 : memref<112xi32, #tpu.memory_space<hbm>>) target(%arg5 : memref<112xi32, #tpu.memory_space<vmem>>) target_semaphore(%run_scoped3A : memref<!tpu.dma_semaphore, #tpu.memory_space<semaphore_mem>>)
        %dma_wait3A_82 = tpu.memref_slice %arg3[%add3A_13] : memref<200704xi32, #tpu.memory_space<hbm>> -> memref<112xi32, #tpu.memory_space<hbm>>
        %dma_wait3A_83 = tpu.memref_slice %arg3[%add3A_13] : memref<200704xi32, #tpu.memory_space<hbm>> -> memref<112xi32, #tpu.memory_space<hbm>>
        tpu.wait_dma2 semaphore(%run_scoped3A : memref<!tpu.dma_semaphore, #tpu.memory_space<semaphore_mem>>) src(%dma_wait3A_83 : memref<112xi32, #tpu.memory_space<hbm>>) dst(%arg5 : memref<112xi32, #tpu.memory_space<vmem>>)
        tpu.yield
      }) : () -> ()
      %dma_start3A = arith.constant 0 : i32
      %dma_start3A_14 = arith.constant 0 : i32
      %dma_start3A_15 = tpu.memref_slice %arg2[%dma_start3A, %dma_start3A_14] : memref<250880x64xf32, #tpu.memory_space<hbm>> -> memref<250880x64xf32, #tpu.memory_space<hbm>>
      tpu.enqueue_indirect_dma source(%dma_start3A_15 : memref<250880x64xf32, #tpu.memory_space<hbm>>) target(%arg12 : memref<112x64xf32, #tpu.memory_space<vmem>>) offsets(%arg5 : memref<112xi32, #tpu.memory_space<vmem>>) semaphore(%arg19 : memref<!tpu.dma_semaphore, #tpu.memory_space<semaphore_mem>>)
      %add3A_16 = arith.constant 112 : i32
      %add3A_17 = arith.addi %add3A_11, %add3A_16 : i32
      "tpu.region"() ({
        %run_scoped3A = tpu.sem_alloc : memref<!tpu.dma_semaphore, #tpu.memory_space<semaphore_mem>>
        %dma_start3A_80 = tpu.memref_slice %arg3[%add3A_17] : memref<200704xi32, #tpu.memory_space<hbm>> -> memref<112xi32, #tpu.memory_space<hbm>>
        %dma_start3A_81 = tpu.memref_slice %arg3[%add3A_17] : memref<200704xi32, #tpu.memory_space<hbm>> -> memref<112xi32, #tpu.memory_space<hbm>>
        tpu.enqueue_dma source(%dma_start3A_81 : memref<112xi32, #tpu.memory_space<hbm>>) target(%arg6 : memref<112xi32, #tpu.memory_space<vmem>>) target_semaphore(%run_scoped3A : memref<!tpu.dma_semaphore, #tpu.memory_space<semaphore_mem>>)
        %dma_wait3A_82 = tpu.memref_slice %arg3[%add3A_17] : memref<200704xi32, #tpu.memory_space<hbm>> -> memref<112xi32, #tpu.memory_space<hbm>>
        %dma_wait3A_83 = tpu.memref_slice %arg3[%add3A_17] : memref<200704xi32, #tpu.memory_space<hbm>> -> memref<112xi32, #tpu.memory_space<hbm>>
        tpu.wait_dma2 semaphore(%run_scoped3A : memref<!tpu.dma_semaphore, #tpu.memory_space<semaphore_mem>>) src(%dma_wait3A_83 : memref<112xi32, #tpu.memory_space<hbm>>) dst(%arg6 : memref<112xi32, #tpu.memory_space<vmem>>)
        tpu.yield
      }) : () -> ()
      %dma_start3A_18 = arith.constant 0 : i32
      %dma_start3A_19 = arith.constant 0 : i32
      %dma_start3A_20 = tpu.memref_slice %arg2[%dma_start3A_18, %dma_start3A_19] : memref<250880x64xf32, #tpu.memory_space<hbm>> -> memref<250880x64xf32, #tpu.memory_space<hbm>>
      tpu.enqueue_indirect_dma source(%dma_start3A_20 : memref<250880x64xf32, #tpu.memory_space<hbm>>) target(%arg13 : memref<112x64xf32, #tpu.memory_space<vmem>>) offsets(%arg6 : memref<112xi32, #tpu.memory_space<vmem>>) semaphore(%arg19 : memref<!tpu.dma_semaphore, #tpu.memory_space<semaphore_mem>>)
      %add3A_21 = arith.constant 224 : i32
      %add3A_22 = arith.addi %add3A_11, %add3A_21 : i32
      "tpu.region"() ({
        %run_scoped3A = tpu.sem_alloc : memref<!tpu.dma_semaphore, #tpu.memory_space<semaphore_mem>>
        %dma_start3A_80 = tpu.memref_slice %arg3[%add3A_22] : memref<200704xi32, #tpu.memory_space<hbm>> -> memref<112xi32, #tpu.memory_space<hbm>>
        %dma_start3A_81 = tpu.memref_slice %arg3[%add3A_22] : memref<200704xi32, #tpu.memory_space<hbm>> -> memref<112xi32, #tpu.memory_space<hbm>>
        tpu.enqueue_dma source(%dma_start3A_81 : memref<112xi32, #tpu.memory_space<hbm>>) target(%arg7 : memref<112xi32, #tpu.memory_space<vmem>>) target_semaphore(%run_scoped3A : memref<!tpu.dma_semaphore, #tpu.memory_space<semaphore_mem>>)
        %dma_wait3A_82 = tpu.memref_slice %arg3[%add3A_22] : memref<200704xi32, #tpu.memory_space<hbm>> -> memref<112xi32, #tpu.memory_space<hbm>>
        %dma_wait3A_83 = tpu.memref_slice %arg3[%add3A_22] : memref<200704xi32, #tpu.memory_space<hbm>> -> memref<112xi32, #tpu.memory_space<hbm>>
        tpu.wait_dma2 semaphore(%run_scoped3A : memref<!tpu.dma_semaphore, #tpu.memory_space<semaphore_mem>>) src(%dma_wait3A_83 : memref<112xi32, #tpu.memory_space<hbm>>) dst(%arg7 : memref<112xi32, #tpu.memory_space<vmem>>)
        tpu.yield
      }) : () -> ()
      %dma_start3A_23 = arith.constant 0 : i32
      %dma_start3A_24 = arith.constant 0 : i32
      %dma_start3A_25 = tpu.memref_slice %arg2[%dma_start3A_23, %dma_start3A_24] : memref<250880x64xf32, #tpu.memory_space<hbm>> -> memref<250880x64xf32, #tpu.memory_space<hbm>>
      tpu.enqueue_indirect_dma source(%dma_start3A_25 : memref<250880x64xf32, #tpu.memory_space<hbm>>) target(%arg14 : memref<112x64xf32, #tpu.memory_space<vmem>>) offsets(%arg7 : memref<112xi32, #tpu.memory_space<vmem>>) semaphore(%arg19 : memref<!tpu.dma_semaphore, #tpu.memory_space<semaphore_mem>>)
      %add3A_26 = arith.constant 336 : i32
      %add3A_27 = arith.addi %add3A_11, %add3A_26 : i32
      "tpu.region"() ({
        %run_scoped3A = tpu.sem_alloc : memref<!tpu.dma_semaphore, #tpu.memory_space<semaphore_mem>>
        %dma_start3A_80 = tpu.memref_slice %arg3[%add3A_27] : memref<200704xi32, #tpu.memory_space<hbm>> -> memref<112xi32, #tpu.memory_space<hbm>>
        %dma_start3A_81 = tpu.memref_slice %arg3[%add3A_27] : memref<200704xi32, #tpu.memory_space<hbm>> -> memref<112xi32, #tpu.memory_space<hbm>>
        tpu.enqueue_dma source(%dma_start3A_81 : memref<112xi32, #tpu.memory_space<hbm>>) target(%arg8 : memref<112xi32, #tpu.memory_space<vmem>>) target_semaphore(%run_scoped3A : memref<!tpu.dma_semaphore, #tpu.memory_space<semaphore_mem>>)
        %dma_wait3A_82 = tpu.memref_slice %arg3[%add3A_27] : memref<200704xi32, #tpu.memory_space<hbm>> -> memref<112xi32, #tpu.memory_space<hbm>>
        %dma_wait3A_83 = tpu.memref_slice %arg3[%add3A_27] : memref<200704xi32, #tpu.memory_space<hbm>> -> memref<112xi32, #tpu.memory_space<hbm>>
        tpu.wait_dma2 semaphore(%run_scoped3A : memref<!tpu.dma_semaphore, #tpu.memory_space<semaphore_mem>>) src(%dma_wait3A_83 : memref<112xi32, #tpu.memory_space<hbm>>) dst(%arg8 : memref<112xi32, #tpu.memory_space<vmem>>)
        tpu.yield
      }) : () -> ()
      %dma_start3A_28 = arith.constant 0 : i32
      %dma_start3A_29 = arith.constant 0 : i32
      %dma_start3A_30 = tpu.memref_slice %arg2[%dma_start3A_28, %dma_start3A_29] : memref<250880x64xf32, #tpu.memory_space<hbm>> -> memref<250880x64xf32, #tpu.memory_space<hbm>>
      tpu.enqueue_indirect_dma source(%dma_start3A_30 : memref<250880x64xf32, #tpu.memory_space<hbm>>) target(%arg15 : memref<112x64xf32, #tpu.memory_space<vmem>>) offsets(%arg8 : memref<112xi32, #tpu.memory_space<vmem>>) semaphore(%arg19 : memref<!tpu.dma_semaphore, #tpu.memory_space<semaphore_mem>>)
      %add3A_31 = arith.constant 448 : i32
      %add3A_32 = arith.addi %add3A_11, %add3A_31 : i32
      "tpu.region"() ({
        %run_scoped3A = tpu.sem_alloc : memref<!tpu.dma_semaphore, #tpu.memory_space<semaphore_mem>>
        %dma_start3A_80 = tpu.memref_slice %arg3[%add3A_32] : memref<200704xi32, #tpu.memory_space<hbm>> -> memref<112xi32, #tpu.memory_space<hbm>>
        %dma_start3A_81 = tpu.memref_slice %arg3[%add3A_32] : memref<200704xi32, #tpu.memory_space<hbm>> -> memref<112xi32, #tpu.memory_space<hbm>>
        tpu.enqueue_dma source(%dma_start3A_81 : memref<112xi32, #tpu.memory_space<hbm>>) target(%arg9 : memref<112xi32, #tpu.memory_space<vmem>>) target_semaphore(%run_scoped3A : memref<!tpu.dma_semaphore, #tpu.memory_space<semaphore_mem>>)
        %dma_wait3A_82 = tpu.memref_slice %arg3[%add3A_32] : memref<200704xi32, #tpu.memory_space<hbm>> -> memref<112xi32, #tpu.memory_space<hbm>>
        %dma_wait3A_83 = tpu.memref_slice %arg3[%add3A_32] : memref<200704xi32, #tpu.memory_space<hbm>> -> memref<112xi32, #tpu.memory_space<hbm>>
        tpu.wait_dma2 semaphore(%run_scoped3A : memref<!tpu.dma_semaphore, #tpu.memory_space<semaphore_mem>>) src(%dma_wait3A_83 : memref<112xi32, #tpu.memory_space<hbm>>) dst(%arg9 : memref<112xi32, #tpu.memory_space<vmem>>)
        tpu.yield
      }) : () -> ()
      %dma_start3A_33 = arith.constant 0 : i32
      %dma_start3A_34 = arith.constant 0 : i32
      %dma_start3A_35 = tpu.memref_slice %arg2[%dma_start3A_33, %dma_start3A_34] : memref<250880x64xf32, #tpu.memory_space<hbm>> -> memref<250880x64xf32, #tpu.memory_space<hbm>>
      tpu.enqueue_indirect_dma source(%dma_start3A_35 : memref<250880x64xf32, #tpu.memory_space<hbm>>) target(%arg16 : memref<112x64xf32, #tpu.memory_space<vmem>>) offsets(%arg9 : memref<112xi32, #tpu.memory_space<vmem>>) semaphore(%arg19 : memref<!tpu.dma_semaphore, #tpu.memory_space<semaphore_mem>>)
      %add3A_36 = arith.constant 560 : i32
      %add3A_37 = arith.addi %add3A_11, %add3A_36 : i32
      "tpu.region"() ({
        %run_scoped3A = tpu.sem_alloc : memref<!tpu.dma_semaphore, #tpu.memory_space<semaphore_mem>>
        %dma_start3A_80 = tpu.memref_slice %arg3[%add3A_37] : memref<200704xi32, #tpu.memory_space<hbm>> -> memref<112xi32, #tpu.memory_space<hbm>>
        %dma_start3A_81 = tpu.memref_slice %arg3[%add3A_37] : memref<200704xi32, #tpu.memory_space<hbm>> -> memref<112xi32, #tpu.memory_space<hbm>>
        tpu.enqueue_dma source(%dma_start3A_81 : memref<112xi32, #tpu.memory_space<hbm>>) target(%arg10 : memref<112xi32, #tpu.memory_space<vmem>>) target_semaphore(%run_scoped3A : memref<!tpu.dma_semaphore, #tpu.memory_space<semaphore_mem>>)
        %dma_wait3A_82 = tpu.memref_slice %arg3[%add3A_37] : memref<200704xi32, #tpu.memory_space<hbm>> -> memref<112xi32, #tpu.memory_space<hbm>>
        %dma_wait3A_83 = tpu.memref_slice %arg3[%add3A_37] : memref<200704xi32, #tpu.memory_space<hbm>> -> memref<112xi32, #tpu.memory_space<hbm>>
        tpu.wait_dma2 semaphore(%run_scoped3A : memref<!tpu.dma_semaphore, #tpu.memory_space<semaphore_mem>>) src(%dma_wait3A_83 : memref<112xi32, #tpu.memory_space<hbm>>) dst(%arg10 : memref<112xi32, #tpu.memory_space<vmem>>)
        tpu.yield
      }) : () -> ()
      %dma_start3A_38 = arith.constant 0 : i32
      %dma_start3A_39 = arith.constant 0 : i32
      %dma_start3A_40 = tpu.memref_slice %arg2[%dma_start3A_38, %dma_start3A_39] : memref<250880x64xf32, #tpu.memory_space<hbm>> -> memref<250880x64xf32, #tpu.memory_space<hbm>>
      tpu.enqueue_indirect_dma source(%dma_start3A_40 : memref<250880x64xf32, #tpu.memory_space<hbm>>) target(%arg17 : memref<112x64xf32, #tpu.memory_space<vmem>>) offsets(%arg10 : memref<112xi32, #tpu.memory_space<vmem>>) semaphore(%arg19 : memref<!tpu.dma_semaphore, #tpu.memory_space<semaphore_mem>>)
      %add3A_41 = arith.constant 672 : i32
      %add3A_42 = arith.addi %add3A_11, %add3A_41 : i32
      "tpu.region"() ({
        %run_scoped3A = tpu.sem_alloc : memref<!tpu.dma_semaphore, #tpu.memory_space<semaphore_mem>>
        %dma_start3A_80 = tpu.memref_slice %arg3[%add3A_42] : memref<200704xi32, #tpu.memory_space<hbm>> -> memref<112xi32, #tpu.memory_space<hbm>>
        %dma_start3A_81 = tpu.memref_slice %arg3[%add3A_42] : memref<200704xi32, #tpu.memory_space<hbm>> -> memref<112xi32, #tpu.memory_space<hbm>>
        tpu.enqueue_dma source(%dma_start3A_81 : memref<112xi32, #tpu.memory_space<hbm>>) target(%arg11 : memref<112xi32, #tpu.memory_space<vmem>>) target_semaphore(%run_scoped3A : memref<!tpu.dma_semaphore, #tpu.memory_space<semaphore_mem>>)
        %dma_wait3A_82 = tpu.memref_slice %arg3[%add3A_42] : memref<200704xi32, #tpu.memory_space<hbm>> -> memref<112xi32, #tpu.memory_space<hbm>>
        %dma_wait3A_83 = tpu.memref_slice %arg3[%add3A_42] : memref<200704xi32, #tpu.memory_space<hbm>> -> memref<112xi32, #tpu.memory_space<hbm>>
        tpu.wait_dma2 semaphore(%run_scoped3A : memref<!tpu.dma_semaphore, #tpu.memory_space<semaphore_mem>>) src(%dma_wait3A_83 : memref<112xi32, #tpu.memory_space<hbm>>) dst(%arg11 : memref<112xi32, #tpu.memory_space<vmem>>)
        tpu.yield
      }) : () -> ()
      %dma_start3A_43 = arith.constant 0 : i32
      %dma_start3A_44 = arith.constant 0 : i32
      %dma_start3A_45 = tpu.memref_slice %arg2[%dma_start3A_43, %dma_start3A_44] : memref<250880x64xf32, #tpu.memory_space<hbm>> -> memref<250880x64xf32, #tpu.memory_space<hbm>>
      tpu.enqueue_indirect_dma source(%dma_start3A_45 : memref<250880x64xf32, #tpu.memory_space<hbm>>) target(%arg18 : memref<112x64xf32, #tpu.memory_space<vmem>>) offsets(%arg11 : memref<112xi32, #tpu.memory_space<vmem>>) semaphore(%arg19 : memref<!tpu.dma_semaphore, #tpu.memory_space<semaphore_mem>>)
      %dma_wait3A = arith.constant 0 : i32
      %dma_wait3A_46 = arith.constant 0 : i32
      %dma_wait3A_47 = tpu.memref_slice %arg2[%dma_wait3A, %dma_wait3A_46] : memref<250880x64xf32, #tpu.memory_space<hbm>> -> memref<250880x64xf32, #tpu.memory_space<hbm>>
      tpu.wait_indirect_dma semaphore(%arg19 : memref<!tpu.dma_semaphore, #tpu.memory_space<semaphore_mem>>) src(%dma_wait3A_47 : memref<250880x64xf32, #tpu.memory_space<hbm>>) dst(%arg12 : memref<112x64xf32, #tpu.memory_space<vmem>>)
      %add3A_48 = arith.constant 0 : i32
      %add3A_49 = arith.addi %add3A_11, %add3A_48 : i32
      "tpu.region"() ({
        %run_scoped3A = tpu.sem_alloc : memref<!tpu.dma_semaphore, #tpu.memory_space<semaphore_mem>>
        %dma_start3A_80 = arith.constant 0 : i32
        %dma_start3A_81 = tpu.memref_slice %arg4[%add3A_49, %dma_start3A_80] : memref<200704x64xf32, #tpu.memory_space<hbm>> -> memref<112x64xf32, #tpu.memory_space<hbm>>
        %dma_start3A_82 = arith.constant 0 : i32
        %dma_start3A_83 = tpu.memref_slice %arg4[%add3A_49, %dma_start3A_82] : memref<200704x64xf32, #tpu.memory_space<hbm>> -> memref<112x64xf32, #tpu.memory_space<hbm>>
        tpu.enqueue_dma source(%arg12 : memref<112x64xf32, #tpu.memory_space<vmem>>) target(%dma_start3A_83 : memref<112x64xf32, #tpu.memory_space<hbm>>) target_semaphore(%run_scoped3A : memref<!tpu.dma_semaphore, #tpu.memory_space<semaphore_mem>>)
        %dma_wait3A_84 = arith.constant 0 : i32
        %dma_wait3A_85 = tpu.memref_slice %arg4[%add3A_49, %dma_wait3A_84] : memref<200704x64xf32, #tpu.memory_space<hbm>> -> memref<112x64xf32, #tpu.memory_space<hbm>>
        %dma_wait3A_86 = arith.constant 0 : i32
        %dma_wait3A_87 = tpu.memref_slice %arg4[%add3A_49, %dma_wait3A_86] : memref<200704x64xf32, #tpu.memory_space<hbm>> -> memref<112x64xf32, #tpu.memory_space<hbm>>
        tpu.wait_dma2 semaphore(%run_scoped3A : memref<!tpu.dma_semaphore, #tpu.memory_space<semaphore_mem>>) src(%arg12 : memref<112x64xf32, #tpu.memory_space<vmem>>) dst(%dma_wait3A_87 : memref<112x64xf32, #tpu.memory_space<hbm>>)
        tpu.yield
      }) : () -> ()
      %dma_wait3A_50 = arith.constant 0 : i32
      %dma_wait3A_51 = arith.constant 0 : i32
      %dma_wait3A_52 = tpu.memref_slice %arg2[%dma_wait3A_50, %dma_wait3A_51] : memref<250880x64xf32, #tpu.memory_space<hbm>> -> memref<250880x64xf32, #tpu.memory_space<hbm>>
      tpu.wait_indirect_dma semaphore(%arg19 : memref<!tpu.dma_semaphore, #tpu.memory_space<semaphore_mem>>) src(%dma_wait3A_52 : memref<250880x64xf32, #tpu.memory_space<hbm>>) dst(%arg13 : memref<112x64xf32, #tpu.memory_space<vmem>>)
      %add3A_53 = arith.constant 112 : i32
      %add3A_54 = arith.addi %add3A_11, %add3A_53 : i32
      "tpu.region"() ({
        %run_scoped3A = tpu.sem_alloc : memref<!tpu.dma_semaphore, #tpu.memory_space<semaphore_mem>>
        %dma_start3A_80 = arith.constant 0 : i32
        %dma_start3A_81 = tpu.memref_slice %arg4[%add3A_54, %dma_start3A_80] : memref<200704x64xf32, #tpu.memory_space<hbm>> -> memref<112x64xf32, #tpu.memory_space<hbm>>
        %dma_start3A_82 = arith.constant 0 : i32
        %dma_start3A_83 = tpu.memref_slice %arg4[%add3A_54, %dma_start3A_82] : memref<200704x64xf32, #tpu.memory_space<hbm>> -> memref<112x64xf32, #tpu.memory_space<hbm>>
        tpu.enqueue_dma source(%arg13 : memref<112x64xf32, #tpu.memory_space<vmem>>) target(%dma_start3A_83 : memref<112x64xf32, #tpu.memory_space<hbm>>) target_semaphore(%run_scoped3A : memref<!tpu.dma_semaphore, #tpu.memory_space<semaphore_mem>>)
        %dma_wait3A_84 = arith.constant 0 : i32
        %dma_wait3A_85 = tpu.memref_slice %arg4[%add3A_54, %dma_wait3A_84] : memref<200704x64xf32, #tpu.memory_space<hbm>> -> memref<112x64xf32, #tpu.memory_space<hbm>>
        %dma_wait3A_86 = arith.constant 0 : i32
        %dma_wait3A_87 = tpu.memref_slice %arg4[%add3A_54, %dma_wait3A_86] : memref<200704x64xf32, #tpu.memory_space<hbm>> -> memref<112x64xf32, #tpu.memory_space<hbm>>
        tpu.wait_dma2 semaphore(%run_scoped3A : memref<!tpu.dma_semaphore, #tpu.memory_space<semaphore_mem>>) src(%arg13 : memref<112x64xf32, #tpu.memory_space<vmem>>) dst(%dma_wait3A_87 : memref<112x64xf32, #tpu.memory_space<hbm>>)
        tpu.yield
      }) : () -> ()
      %dma_wait3A_55 = arith.constant 0 : i32
      %dma_wait3A_56 = arith.constant 0 : i32
      %dma_wait3A_57 = tpu.memref_slice %arg2[%dma_wait3A_55, %dma_wait3A_56] : memref<250880x64xf32, #tpu.memory_space<hbm>> -> memref<250880x64xf32, #tpu.memory_space<hbm>>
      tpu.wait_indirect_dma semaphore(%arg19 : memref<!tpu.dma_semaphore, #tpu.memory_space<semaphore_mem>>) src(%dma_wait3A_57 : memref<250880x64xf32, #tpu.memory_space<hbm>>) dst(%arg14 : memref<112x64xf32, #tpu.memory_space<vmem>>)
      %add3A_58 = arith.constant 224 : i32
      %add3A_59 = arith.addi %add3A_11, %add3A_58 : i32
      "tpu.region"() ({
        %run_scoped3A = tpu.sem_alloc : memref<!tpu.dma_semaphore, #tpu.memory_space<semaphore_mem>>
        %dma_start3A_80 = arith.constant 0 : i32
        %dma_start3A_81 = tpu.memref_slice %arg4[%add3A_59, %dma_start3A_80] : memref<200704x64xf32, #tpu.memory_space<hbm>> -> memref<112x64xf32, #tpu.memory_space<hbm>>
        %dma_start3A_82 = arith.constant 0 : i32
        %dma_start3A_83 = tpu.memref_slice %arg4[%add3A_59, %dma_start3A_82] : memref<200704x64xf32, #tpu.memory_space<hbm>> -> memref<112x64xf32, #tpu.memory_space<hbm>>
        tpu.enqueue_dma source(%arg14 : memref<112x64xf32, #tpu.memory_space<vmem>>) target(%dma_start3A_83 : memref<112x64xf32, #tpu.memory_space<hbm>>) target_semaphore(%run_scoped3A : memref<!tpu.dma_semaphore, #tpu.memory_space<semaphore_mem>>)
        %dma_wait3A_84 = arith.constant 0 : i32
        %dma_wait3A_85 = tpu.memref_slice %arg4[%add3A_59, %dma_wait3A_84] : memref<200704x64xf32, #tpu.memory_space<hbm>> -> memref<112x64xf32, #tpu.memory_space<hbm>>
        %dma_wait3A_86 = arith.constant 0 : i32
        %dma_wait3A_87 = tpu.memref_slice %arg4[%add3A_59, %dma_wait3A_86] : memref<200704x64xf32, #tpu.memory_space<hbm>> -> memref<112x64xf32, #tpu.memory_space<hbm>>
        tpu.wait_dma2 semaphore(%run_scoped3A : memref<!tpu.dma_semaphore, #tpu.memory_space<semaphore_mem>>) src(%arg14 : memref<112x64xf32, #tpu.memory_space<vmem>>) dst(%dma_wait3A_87 : memref<112x64xf32, #tpu.memory_space<hbm>>)
        tpu.yield
      }) : () -> ()
      %dma_wait3A_60 = arith.constant 0 : i32
      %dma_wait3A_61 = arith.constant 0 : i32
      %dma_wait3A_62 = tpu.memref_slice %arg2[%dma_wait3A_60, %dma_wait3A_61] : memref<250880x64xf32, #tpu.memory_space<hbm>> -> memref<250880x64xf32, #tpu.memory_space<hbm>>
      tpu.wait_indirect_dma semaphore(%arg19 : memref<!tpu.dma_semaphore, #tpu.memory_space<semaphore_mem>>) src(%dma_wait3A_62 : memref<250880x64xf32, #tpu.memory_space<hbm>>) dst(%arg15 : memref<112x64xf32, #tpu.memory_space<vmem>>)
      %add3A_63 = arith.constant 336 : i32
      %add3A_64 = arith.addi %add3A_11, %add3A_63 : i32
      "tpu.region"() ({
        %run_scoped3A = tpu.sem_alloc : memref<!tpu.dma_semaphore, #tpu.memory_space<semaphore_mem>>
        %dma_start3A_80 = arith.constant 0 : i32
        %dma_start3A_81 = tpu.memref_slice %arg4[%add3A_64, %dma_start3A_80] : memref<200704x64xf32, #tpu.memory_space<hbm>> -> memref<112x64xf32, #tpu.memory_space<hbm>>
        %dma_start3A_82 = arith.constant 0 : i32
        %dma_start3A_83 = tpu.memref_slice %arg4[%add3A_64, %dma_start3A_82] : memref<200704x64xf32, #tpu.memory_space<hbm>> -> memref<112x64xf32, #tpu.memory_space<hbm>>
        tpu.enqueue_dma source(%arg15 : memref<112x64xf32, #tpu.memory_space<vmem>>) target(%dma_start3A_83 : memref<112x64xf32, #tpu.memory_space<hbm>>) target_semaphore(%run_scoped3A : memref<!tpu.dma_semaphore, #tpu.memory_space<semaphore_mem>>)
        %dma_wait3A_84 = arith.constant 0 : i32
        %dma_wait3A_85 = tpu.memref_slice %arg4[%add3A_64, %dma_wait3A_84] : memref<200704x64xf32, #tpu.memory_space<hbm>> -> memref<112x64xf32, #tpu.memory_space<hbm>>
        %dma_wait3A_86 = arith.constant 0 : i32
        %dma_wait3A_87 = tpu.memref_slice %arg4[%add3A_64, %dma_wait3A_86] : memref<200704x64xf32, #tpu.memory_space<hbm>> -> memref<112x64xf32, #tpu.memory_space<hbm>>
        tpu.wait_dma2 semaphore(%run_scoped3A : memref<!tpu.dma_semaphore, #tpu.memory_space<semaphore_mem>>) src(%arg15 : memref<112x64xf32, #tpu.memory_space<vmem>>) dst(%dma_wait3A_87 : memref<112x64xf32, #tpu.memory_space<hbm>>)
        tpu.yield
      }) : () -> ()
      %dma_wait3A_65 = arith.constant 0 : i32
      %dma_wait3A_66 = arith.constant 0 : i32
      %dma_wait3A_67 = tpu.memref_slice %arg2[%dma_wait3A_65, %dma_wait3A_66] : memref<250880x64xf32, #tpu.memory_space<hbm>> -> memref<250880x64xf32, #tpu.memory_space<hbm>>
      tpu.wait_indirect_dma semaphore(%arg19 : memref<!tpu.dma_semaphore, #tpu.memory_space<semaphore_mem>>) src(%dma_wait3A_67 : memref<250880x64xf32, #tpu.memory_space<hbm>>) dst(%arg16 : memref<112x64xf32, #tpu.memory_space<vmem>>)
      %add3A_68 = arith.constant 448 : i32
      %add3A_69 = arith.addi %add3A_11, %add3A_68 : i32
      "tpu.region"() ({
        %run_scoped3A = tpu.sem_alloc : memref<!tpu.dma_semaphore, #tpu.memory_space<semaphore_mem>>
        %dma_start3A_80 = arith.constant 0 : i32
        %dma_start3A_81 = tpu.memref_slice %arg4[%add3A_69, %dma_start3A_80] : memref<200704x64xf32, #tpu.memory_space<hbm>> -> memref<112x64xf32, #tpu.memory_space<hbm>>
        %dma_start3A_82 = arith.constant 0 : i32
        %dma_start3A_83 = tpu.memref_slice %arg4[%add3A_69, %dma_start3A_82] : memref<200704x64xf32, #tpu.memory_space<hbm>> -> memref<112x64xf32, #tpu.memory_space<hbm>>
        tpu.enqueue_dma source(%arg16 : memref<112x64xf32, #tpu.memory_space<vmem>>) target(%dma_start3A_83 : memref<112x64xf32, #tpu.memory_space<hbm>>) target_semaphore(%run_scoped3A : memref<!tpu.dma_semaphore, #tpu.memory_space<semaphore_mem>>)
        %dma_wait3A_84 = arith.constant 0 : i32
        %dma_wait3A_85 = tpu.memref_slice %arg4[%add3A_69, %dma_wait3A_84] : memref<200704x64xf32, #tpu.memory_space<hbm>> -> memref<112x64xf32, #tpu.memory_space<hbm>>
        %dma_wait3A_86 = arith.constant 0 : i32
        %dma_wait3A_87 = tpu.memref_slice %arg4[%add3A_69, %dma_wait3A_86] : memref<200704x64xf32, #tpu.memory_space<hbm>> -> memref<112x64xf32, #tpu.memory_space<hbm>>
        tpu.wait_dma2 semaphore(%run_scoped3A : memref<!tpu.dma_semaphore, #tpu.memory_space<semaphore_mem>>) src(%arg16 : memref<112x64xf32, #tpu.memory_space<vmem>>) dst(%dma_wait3A_87 : memref<112x64xf32, #tpu.memory_space<hbm>>)
        tpu.yield
      }) : () -> ()
      %dma_wait3A_70 = arith.constant 0 : i32
      %dma_wait3A_71 = arith.constant 0 : i32
      %dma_wait3A_72 = tpu.memref_slice %arg2[%dma_wait3A_70, %dma_wait3A_71] : memref<250880x64xf32, #tpu.memory_space<hbm>> -> memref<250880x64xf32, #tpu.memory_space<hbm>>
      tpu.wait_indirect_dma semaphore(%arg19 : memref<!tpu.dma_semaphore, #tpu.memory_space<semaphore_mem>>) src(%dma_wait3A_72 : memref<250880x64xf32, #tpu.memory_space<hbm>>) dst(%arg17 : memref<112x64xf32, #tpu.memory_space<vmem>>)
      %add3A_73 = arith.constant 560 : i32
      %add3A_74 = arith.addi %add3A_11, %add3A_73 : i32
      "tpu.region"() ({
        %run_scoped3A = tpu.sem_alloc : memref<!tpu.dma_semaphore, #tpu.memory_space<semaphore_mem>>
        %dma_start3A_80 = arith.constant 0 : i32
        %dma_start3A_81 = tpu.memref_slice %arg4[%add3A_74, %dma_start3A_80] : memref<200704x64xf32, #tpu.memory_space<hbm>> -> memref<112x64xf32, #tpu.memory_space<hbm>>
        %dma_start3A_82 = arith.constant 0 : i32
        %dma_start3A_83 = tpu.memref_slice %arg4[%add3A_74, %dma_start3A_82] : memref<200704x64xf32, #tpu.memory_space<hbm>> -> memref<112x64xf32, #tpu.memory_space<hbm>>
        tpu.enqueue_dma source(%arg17 : memref<112x64xf32, #tpu.memory_space<vmem>>) target(%dma_start3A_83 : memref<112x64xf32, #tpu.memory_space<hbm>>) target_semaphore(%run_scoped3A : memref<!tpu.dma_semaphore, #tpu.memory_space<semaphore_mem>>)
        %dma_wait3A_84 = arith.constant 0 : i32
        %dma_wait3A_85 = tpu.memref_slice %arg4[%add3A_74, %dma_wait3A_84] : memref<200704x64xf32, #tpu.memory_space<hbm>> -> memref<112x64xf32, #tpu.memory_space<hbm>>
        %dma_wait3A_86 = arith.constant 0 : i32
        %dma_wait3A_87 = tpu.memref_slice %arg4[%add3A_74, %dma_wait3A_86] : memref<200704x64xf32, #tpu.memory_space<hbm>> -> memref<112x64xf32, #tpu.memory_space<hbm>>
        tpu.wait_dma2 semaphore(%run_scoped3A : memref<!tpu.dma_semaphore, #tpu.memory_space<semaphore_mem>>) src(%arg17 : memref<112x64xf32, #tpu.memory_space<vmem>>) dst(%dma_wait3A_87 : memref<112x64xf32, #tpu.memory_space<hbm>>)
        tpu.yield
      }) : () -> ()
      %dma_wait3A_75 = arith.constant 0 : i32
      %dma_wait3A_76 = arith.constant 0 : i32
      %dma_wait3A_77 = tpu.memref_slice %arg2[%dma_wait3A_75, %dma_wait3A_76] : memref<250880x64xf32, #tpu.memory_space<hbm>> -> memref<250880x64xf32, #tpu.memory_space<hbm>>
      tpu.wait_indirect_dma semaphore(%arg19 : memref<!tpu.dma_semaphore, #tpu.memory_space<semaphore_mem>>) src(%dma_wait3A_77 : memref<250880x64xf32, #tpu.memory_space<hbm>>) dst(%arg18 : memref<112x64xf32, #tpu.memory_space<vmem>>)
      %add3A_78 = arith.constant 672 : i32
      %add3A_79 = arith.addi %add3A_11, %add3A_78 : i32
      "tpu.region"() ({
        %run_scoped3A = tpu.sem_alloc : memref<!tpu.dma_semaphore, #tpu.memory_space<semaphore_mem>>
        %dma_start3A_80 = arith.constant 0 : i32
        %dma_start3A_81 = tpu.memref_slice %arg4[%add3A_79, %dma_start3A_80] : memref<200704x64xf32, #tpu.memory_space<hbm>> -> memref<112x64xf32, #tpu.memory_space<hbm>>
        %dma_start3A_82 = arith.constant 0 : i32
        %dma_start3A_83 = tpu.memref_slice %arg4[%add3A_79, %dma_start3A_82] : memref<200704x64xf32, #tpu.memory_space<hbm>> -> memref<112x64xf32, #tpu.memory_space<hbm>>
        tpu.enqueue_dma source(%arg18 : memref<112x64xf32, #tpu.memory_space<vmem>>) target(%dma_start3A_83 : memref<112x64xf32, #tpu.memory_space<hbm>>) target_semaphore(%run_scoped3A : memref<!tpu.dma_semaphore, #tpu.memory_space<semaphore_mem>>)
        %dma_wait3A_84 = arith.constant 0 : i32
        %dma_wait3A_85 = tpu.memref_slice %arg4[%add3A_79, %dma_wait3A_84] : memref<200704x64xf32, #tpu.memory_space<hbm>> -> memref<112x64xf32, #tpu.memory_space<hbm>>
        %dma_wait3A_86 = arith.constant 0 : i32
        %dma_wait3A_87 = tpu.memref_slice %arg4[%add3A_79, %dma_wait3A_86] : memref<200704x64xf32, #tpu.memory_space<hbm>> -> memref<112x64xf32, #tpu.memory_space<hbm>>
        tpu.wait_dma2 semaphore(%run_scoped3A : memref<!tpu.dma_semaphore, #tpu.memory_space<semaphore_mem>>) src(%arg18 : memref<112x64xf32, #tpu.memory_space<vmem>>) dst(%dma_wait3A_87 : memref<112x64xf32, #tpu.memory_space<hbm>>)
        tpu.yield
      }) : () -> ()
    }
    %scan3A_7 = arith.constant 8 : i32
    return
  }
}

#map = affine_map<(d0, d1) -> (0, 0)>
#map1 = affine_map<(d0, d1) -> (0)>
module attributes {stable_mosaic.version = 14 : i64} {
  func.func @k(%arg0: i32, %arg1: i32, %arg2: memref<100352x64xf32, #tpu.memory_space<hbm>>, %arg3: memref<25088xi32, #tpu.memory_space<hbm>>, %arg4: memref<25088x64xf32, #tpu.memory_space<hbm>>, %arg5: memref<112xi32, #tpu.memory_space<vmem>>, %arg6: memref<112xi32, #tpu.memory_space<vmem>>, %arg7: memref<112xi32, #tpu.memory_space<vmem>>, %arg8: memref<112xi32, #tpu.memory_space<vmem>>, %arg9: memref<112xi32, #tpu.memory_space<vmem>>, %arg10: memref<112xi32, #tpu.memory_space<vmem>>, %arg11: memref<112xi32, #tpu.memory_space<vmem>>, %arg12: memref<112x64xf32, #tpu.memory_space<vmem>>, %arg13: memref<112x64xf32, #tpu.memory_space<vmem>>, %arg14: memref<112x64xf32, #tpu.memory_space<vmem>>, %arg15: memref<112x64xf32, #tpu.memory_space<vmem>>, %arg16: memref<112x64xf32, #tpu.memory_space<vmem>>, %arg17: memref<112x64xf32, #tpu.memory_space<vmem>>, %arg18: memref<112x64xf32, #tpu.memory_space<vmem>>, %arg19: memref<!tpu.dma_semaphore, #tpu.memory_space<semaphore_mem>>) attributes {dimension_semantics = [#tpu.dimension_semantics<core_parallel>, #tpu.dimension_semantics<subcore_parallel>], iteration_bounds = array<i64: 2, 16>, scalar_prefetch = 0 : i64, scratch_operands = 15 : i64, tpu.core_type = #tpu.core_type<sc_vector_subcore>, window_params = [{transform_indices = #map}, {transform_indices = #map1}, {transform_indices = #map}]} {
    %mul3A = arith.constant 2 : i32
    %mul3A_0 = arith.muli %arg1, %mul3A : i32
    %add3A = arith.addi %mul3A_0, %arg0 : i32
    %mul3A_1 = arith.constant 784 : i32
    %mul3A_2 = arith.muli %add3A, %mul3A_1 : i32
    %scan3A = arith.constant 0 : i32
    %scan3A_3 = arith.constant 0 : i32
    %mul3A_4 = arith.constant 784 : i32
    %mul3A_5 = arith.muli %scan3A_3, %mul3A_4 : i32
    %add3A_6 = arith.addi %mul3A_2, %mul3A_5 : i32
    %add3A_7 = arith.constant 0 : i32
    %add3A_8 = arith.addi %add3A_6, %add3A_7 : i32
    "tpu.region"() ({
      %run_scoped3A = tpu.sem_alloc : memref<!tpu.dma_semaphore, #tpu.memory_space<semaphore_mem>>
      %dma_start3A_76 = tpu.memref_slice %arg3[%add3A_8] : memref<25088xi32, #tpu.memory_space<hbm>> -> memref<112xi32, #tpu.memory_space<hbm>>
      %dma_start3A_77 = tpu.memref_slice %arg3[%add3A_8] : memref<25088xi32, #tpu.memory_space<hbm>> -> memref<112xi32, #tpu.memory_space<hbm>>
      tpu.enqueue_dma source(%dma_start3A_77 : memref<112xi32, #tpu.memory_space<hbm>>) target(%arg5 : memref<112xi32, #tpu.memory_space<vmem>>) target_semaphore(%run_scoped3A : memref<!tpu.dma_semaphore, #tpu.memory_space<semaphore_mem>>)
      %dma_wait3A_78 = tpu.memref_slice %arg3[%add3A_8] : memref<25088xi32, #tpu.memory_space<hbm>> -> memref<112xi32, #tpu.memory_space<hbm>>
      %dma_wait3A_79 = tpu.memref_slice %arg3[%add3A_8] : memref<25088xi32, #tpu.memory_space<hbm>> -> memref<112xi32, #tpu.memory_space<hbm>>
      tpu.wait_dma2 semaphore(%run_scoped3A : memref<!tpu.dma_semaphore, #tpu.memory_space<semaphore_mem>>) src(%dma_wait3A_79 : memref<112xi32, #tpu.memory_space<hbm>>) dst(%arg5 : memref<112xi32, #tpu.memory_space<vmem>>)
      tpu.yield
    }) : () -> ()
    %dma_start3A = arith.constant 0 : i32
    %dma_start3A_9 = arith.constant 0 : i32
    %dma_start3A_10 = tpu.memref_slice %arg2[%dma_start3A, %dma_start3A_9] : memref<100352x64xf32, #tpu.memory_space<hbm>> -> memref<100352x64xf32, #tpu.memory_space<hbm>>
    tpu.enqueue_indirect_dma source(%dma_start3A_10 : memref<100352x64xf32, #tpu.memory_space<hbm>>) target(%arg12 : memref<112x64xf32, #tpu.memory_space<vmem>>) offsets(%arg5 : memref<112xi32, #tpu.memory_space<vmem>>) semaphore(%arg19 : memref<!tpu.dma_semaphore, #tpu.memory_space<semaphore_mem>>)
    %add3A_11 = arith.constant 112 : i32
    %add3A_12 = arith.addi %add3A_6, %add3A_11 : i32
    "tpu.region"() ({
      %run_scoped3A = tpu.sem_alloc : memref<!tpu.dma_semaphore, #tpu.memory_space<semaphore_mem>>
      %dma_start3A_76 = tpu.memref_slice %arg3[%add3A_12] : memref<25088xi32, #tpu.memory_space<hbm>> -> memref<112xi32, #tpu.memory_space<hbm>>
      %dma_start3A_77 = tpu.memref_slice %arg3[%add3A_12] : memref<25088xi32, #tpu.memory_space<hbm>> -> memref<112xi32, #tpu.memory_space<hbm>>
      tpu.enqueue_dma source(%dma_start3A_77 : memref<112xi32, #tpu.memory_space<hbm>>) target(%arg6 : memref<112xi32, #tpu.memory_space<vmem>>) target_semaphore(%run_scoped3A : memref<!tpu.dma_semaphore, #tpu.memory_space<semaphore_mem>>)
      %dma_wait3A_78 = tpu.memref_slice %arg3[%add3A_12] : memref<25088xi32, #tpu.memory_space<hbm>> -> memref<112xi32, #tpu.memory_space<hbm>>
      %dma_wait3A_79 = tpu.memref_slice %arg3[%add3A_12] : memref<25088xi32, #tpu.memory_space<hbm>> -> memref<112xi32, #tpu.memory_space<hbm>>
      tpu.wait_dma2 semaphore(%run_scoped3A : memref<!tpu.dma_semaphore, #tpu.memory_space<semaphore_mem>>) src(%dma_wait3A_79 : memref<112xi32, #tpu.memory_space<hbm>>) dst(%arg6 : memref<112xi32, #tpu.memory_space<vmem>>)
      tpu.yield
    }) : () -> ()
    %dma_start3A_13 = arith.constant 0 : i32
    %dma_start3A_14 = arith.constant 0 : i32
    %dma_start3A_15 = tpu.memref_slice %arg2[%dma_start3A_13, %dma_start3A_14] : memref<100352x64xf32, #tpu.memory_space<hbm>> -> memref<100352x64xf32, #tpu.memory_space<hbm>>
    tpu.enqueue_indirect_dma source(%dma_start3A_15 : memref<100352x64xf32, #tpu.memory_space<hbm>>) target(%arg13 : memref<112x64xf32, #tpu.memory_space<vmem>>) offsets(%arg6 : memref<112xi32, #tpu.memory_space<vmem>>) semaphore(%arg19 : memref<!tpu.dma_semaphore, #tpu.memory_space<semaphore_mem>>)
    %add3A_16 = arith.constant 224 : i32
    %add3A_17 = arith.addi %add3A_6, %add3A_16 : i32
    "tpu.region"() ({
      %run_scoped3A = tpu.sem_alloc : memref<!tpu.dma_semaphore, #tpu.memory_space<semaphore_mem>>
      %dma_start3A_76 = tpu.memref_slice %arg3[%add3A_17] : memref<25088xi32, #tpu.memory_space<hbm>> -> memref<112xi32, #tpu.memory_space<hbm>>
      %dma_start3A_77 = tpu.memref_slice %arg3[%add3A_17] : memref<25088xi32, #tpu.memory_space<hbm>> -> memref<112xi32, #tpu.memory_space<hbm>>
      tpu.enqueue_dma source(%dma_start3A_77 : memref<112xi32, #tpu.memory_space<hbm>>) target(%arg7 : memref<112xi32, #tpu.memory_space<vmem>>) target_semaphore(%run_scoped3A : memref<!tpu.dma_semaphore, #tpu.memory_space<semaphore_mem>>)
      %dma_wait3A_78 = tpu.memref_slice %arg3[%add3A_17] : memref<25088xi32, #tpu.memory_space<hbm>> -> memref<112xi32, #tpu.memory_space<hbm>>
      %dma_wait3A_79 = tpu.memref_slice %arg3[%add3A_17] : memref<25088xi32, #tpu.memory_space<hbm>> -> memref<112xi32, #tpu.memory_space<hbm>>
      tpu.wait_dma2 semaphore(%run_scoped3A : memref<!tpu.dma_semaphore, #tpu.memory_space<semaphore_mem>>) src(%dma_wait3A_79 : memref<112xi32, #tpu.memory_space<hbm>>) dst(%arg7 : memref<112xi32, #tpu.memory_space<vmem>>)
      tpu.yield
    }) : () -> ()
    %dma_start3A_18 = arith.constant 0 : i32
    %dma_start3A_19 = arith.constant 0 : i32
    %dma_start3A_20 = tpu.memref_slice %arg2[%dma_start3A_18, %dma_start3A_19] : memref<100352x64xf32, #tpu.memory_space<hbm>> -> memref<100352x64xf32, #tpu.memory_space<hbm>>
    tpu.enqueue_indirect_dma source(%dma_start3A_20 : memref<100352x64xf32, #tpu.memory_space<hbm>>) target(%arg14 : memref<112x64xf32, #tpu.memory_space<vmem>>) offsets(%arg7 : memref<112xi32, #tpu.memory_space<vmem>>) semaphore(%arg19 : memref<!tpu.dma_semaphore, #tpu.memory_space<semaphore_mem>>)
    %add3A_21 = arith.constant 336 : i32
    %add3A_22 = arith.addi %add3A_6, %add3A_21 : i32
    "tpu.region"() ({
      %run_scoped3A = tpu.sem_alloc : memref<!tpu.dma_semaphore, #tpu.memory_space<semaphore_mem>>
      %dma_start3A_76 = tpu.memref_slice %arg3[%add3A_22] : memref<25088xi32, #tpu.memory_space<hbm>> -> memref<112xi32, #tpu.memory_space<hbm>>
      %dma_start3A_77 = tpu.memref_slice %arg3[%add3A_22] : memref<25088xi32, #tpu.memory_space<hbm>> -> memref<112xi32, #tpu.memory_space<hbm>>
      tpu.enqueue_dma source(%dma_start3A_77 : memref<112xi32, #tpu.memory_space<hbm>>) target(%arg8 : memref<112xi32, #tpu.memory_space<vmem>>) target_semaphore(%run_scoped3A : memref<!tpu.dma_semaphore, #tpu.memory_space<semaphore_mem>>)
      %dma_wait3A_78 = tpu.memref_slice %arg3[%add3A_22] : memref<25088xi32, #tpu.memory_space<hbm>> -> memref<112xi32, #tpu.memory_space<hbm>>
      %dma_wait3A_79 = tpu.memref_slice %arg3[%add3A_22] : memref<25088xi32, #tpu.memory_space<hbm>> -> memref<112xi32, #tpu.memory_space<hbm>>
      tpu.wait_dma2 semaphore(%run_scoped3A : memref<!tpu.dma_semaphore, #tpu.memory_space<semaphore_mem>>) src(%dma_wait3A_79 : memref<112xi32, #tpu.memory_space<hbm>>) dst(%arg8 : memref<112xi32, #tpu.memory_space<vmem>>)
      tpu.yield
    }) : () -> ()
    %dma_start3A_23 = arith.constant 0 : i32
    %dma_start3A_24 = arith.constant 0 : i32
    %dma_start3A_25 = tpu.memref_slice %arg2[%dma_start3A_23, %dma_start3A_24] : memref<100352x64xf32, #tpu.memory_space<hbm>> -> memref<100352x64xf32, #tpu.memory_space<hbm>>
    tpu.enqueue_indirect_dma source(%dma_start3A_25 : memref<100352x64xf32, #tpu.memory_space<hbm>>) target(%arg15 : memref<112x64xf32, #tpu.memory_space<vmem>>) offsets(%arg8 : memref<112xi32, #tpu.memory_space<vmem>>) semaphore(%arg19 : memref<!tpu.dma_semaphore, #tpu.memory_space<semaphore_mem>>)
    %add3A_26 = arith.constant 448 : i32
    %add3A_27 = arith.addi %add3A_6, %add3A_26 : i32
    "tpu.region"() ({
      %run_scoped3A = tpu.sem_alloc : memref<!tpu.dma_semaphore, #tpu.memory_space<semaphore_mem>>
      %dma_start3A_76 = tpu.memref_slice %arg3[%add3A_27] : memref<25088xi32, #tpu.memory_space<hbm>> -> memref<112xi32, #tpu.memory_space<hbm>>
      %dma_start3A_77 = tpu.memref_slice %arg3[%add3A_27] : memref<25088xi32, #tpu.memory_space<hbm>> -> memref<112xi32, #tpu.memory_space<hbm>>
      tpu.enqueue_dma source(%dma_start3A_77 : memref<112xi32, #tpu.memory_space<hbm>>) target(%arg9 : memref<112xi32, #tpu.memory_space<vmem>>) target_semaphore(%run_scoped3A : memref<!tpu.dma_semaphore, #tpu.memory_space<semaphore_mem>>)
      %dma_wait3A_78 = tpu.memref_slice %arg3[%add3A_27] : memref<25088xi32, #tpu.memory_space<hbm>> -> memref<112xi32, #tpu.memory_space<hbm>>
      %dma_wait3A_79 = tpu.memref_slice %arg3[%add3A_27] : memref<25088xi32, #tpu.memory_space<hbm>> -> memref<112xi32, #tpu.memory_space<hbm>>
      tpu.wait_dma2 semaphore(%run_scoped3A : memref<!tpu.dma_semaphore, #tpu.memory_space<semaphore_mem>>) src(%dma_wait3A_79 : memref<112xi32, #tpu.memory_space<hbm>>) dst(%arg9 : memref<112xi32, #tpu.memory_space<vmem>>)
      tpu.yield
    }) : () -> ()
    %dma_start3A_28 = arith.constant 0 : i32
    %dma_start3A_29 = arith.constant 0 : i32
    %dma_start3A_30 = tpu.memref_slice %arg2[%dma_start3A_28, %dma_start3A_29] : memref<100352x64xf32, #tpu.memory_space<hbm>> -> memref<100352x64xf32, #tpu.memory_space<hbm>>
    tpu.enqueue_indirect_dma source(%dma_start3A_30 : memref<100352x64xf32, #tpu.memory_space<hbm>>) target(%arg16 : memref<112x64xf32, #tpu.memory_space<vmem>>) offsets(%arg9 : memref<112xi32, #tpu.memory_space<vmem>>) semaphore(%arg19 : memref<!tpu.dma_semaphore, #tpu.memory_space<semaphore_mem>>)
    %add3A_31 = arith.constant 560 : i32
    %add3A_32 = arith.addi %add3A_6, %add3A_31 : i32
    "tpu.region"() ({
      %run_scoped3A = tpu.sem_alloc : memref<!tpu.dma_semaphore, #tpu.memory_space<semaphore_mem>>
      %dma_start3A_76 = tpu.memref_slice %arg3[%add3A_32] : memref<25088xi32, #tpu.memory_space<hbm>> -> memref<112xi32, #tpu.memory_space<hbm>>
      %dma_start3A_77 = tpu.memref_slice %arg3[%add3A_32] : memref<25088xi32, #tpu.memory_space<hbm>> -> memref<112xi32, #tpu.memory_space<hbm>>
      tpu.enqueue_dma source(%dma_start3A_77 : memref<112xi32, #tpu.memory_space<hbm>>) target(%arg10 : memref<112xi32, #tpu.memory_space<vmem>>) target_semaphore(%run_scoped3A : memref<!tpu.dma_semaphore, #tpu.memory_space<semaphore_mem>>)
      %dma_wait3A_78 = tpu.memref_slice %arg3[%add3A_32] : memref<25088xi32, #tpu.memory_space<hbm>> -> memref<112xi32, #tpu.memory_space<hbm>>
      %dma_wait3A_79 = tpu.memref_slice %arg3[%add3A_32] : memref<25088xi32, #tpu.memory_space<hbm>> -> memref<112xi32, #tpu.memory_space<hbm>>
      tpu.wait_dma2 semaphore(%run_scoped3A : memref<!tpu.dma_semaphore, #tpu.memory_space<semaphore_mem>>) src(%dma_wait3A_79 : memref<112xi32, #tpu.memory_space<hbm>>) dst(%arg10 : memref<112xi32, #tpu.memory_space<vmem>>)
      tpu.yield
    }) : () -> ()
    %dma_start3A_33 = arith.constant 0 : i32
    %dma_start3A_34 = arith.constant 0 : i32
    %dma_start3A_35 = tpu.memref_slice %arg2[%dma_start3A_33, %dma_start3A_34] : memref<100352x64xf32, #tpu.memory_space<hbm>> -> memref<100352x64xf32, #tpu.memory_space<hbm>>
    tpu.enqueue_indirect_dma source(%dma_start3A_35 : memref<100352x64xf32, #tpu.memory_space<hbm>>) target(%arg17 : memref<112x64xf32, #tpu.memory_space<vmem>>) offsets(%arg10 : memref<112xi32, #tpu.memory_space<vmem>>) semaphore(%arg19 : memref<!tpu.dma_semaphore, #tpu.memory_space<semaphore_mem>>)
    %add3A_36 = arith.constant 672 : i32
    %add3A_37 = arith.addi %add3A_6, %add3A_36 : i32
    "tpu.region"() ({
      %run_scoped3A = tpu.sem_alloc : memref<!tpu.dma_semaphore, #tpu.memory_space<semaphore_mem>>
      %dma_start3A_76 = tpu.memref_slice %arg3[%add3A_37] : memref<25088xi32, #tpu.memory_space<hbm>> -> memref<112xi32, #tpu.memory_space<hbm>>
      %dma_start3A_77 = tpu.memref_slice %arg3[%add3A_37] : memref<25088xi32, #tpu.memory_space<hbm>> -> memref<112xi32, #tpu.memory_space<hbm>>
      tpu.enqueue_dma source(%dma_start3A_77 : memref<112xi32, #tpu.memory_space<hbm>>) target(%arg11 : memref<112xi32, #tpu.memory_space<vmem>>) target_semaphore(%run_scoped3A : memref<!tpu.dma_semaphore, #tpu.memory_space<semaphore_mem>>)
      %dma_wait3A_78 = tpu.memref_slice %arg3[%add3A_37] : memref<25088xi32, #tpu.memory_space<hbm>> -> memref<112xi32, #tpu.memory_space<hbm>>
      %dma_wait3A_79 = tpu.memref_slice %arg3[%add3A_37] : memref<25088xi32, #tpu.memory_space<hbm>> -> memref<112xi32, #tpu.memory_space<hbm>>
      tpu.wait_dma2 semaphore(%run_scoped3A : memref<!tpu.dma_semaphore, #tpu.memory_space<semaphore_mem>>) src(%dma_wait3A_79 : memref<112xi32, #tpu.memory_space<hbm>>) dst(%arg11 : memref<112xi32, #tpu.memory_space<vmem>>)
      tpu.yield
    }) : () -> ()
    %dma_start3A_38 = arith.constant 0 : i32
    %dma_start3A_39 = arith.constant 0 : i32
    %dma_start3A_40 = tpu.memref_slice %arg2[%dma_start3A_38, %dma_start3A_39] : memref<100352x64xf32, #tpu.memory_space<hbm>> -> memref<100352x64xf32, #tpu.memory_space<hbm>>
    tpu.enqueue_indirect_dma source(%dma_start3A_40 : memref<100352x64xf32, #tpu.memory_space<hbm>>) target(%arg18 : memref<112x64xf32, #tpu.memory_space<vmem>>) offsets(%arg11 : memref<112xi32, #tpu.memory_space<vmem>>) semaphore(%arg19 : memref<!tpu.dma_semaphore, #tpu.memory_space<semaphore_mem>>)
    %dma_wait3A = arith.constant 0 : i32
    %dma_wait3A_41 = arith.constant 0 : i32
    %dma_wait3A_42 = tpu.memref_slice %arg2[%dma_wait3A, %dma_wait3A_41] : memref<100352x64xf32, #tpu.memory_space<hbm>> -> memref<100352x64xf32, #tpu.memory_space<hbm>>
    tpu.wait_indirect_dma semaphore(%arg19 : memref<!tpu.dma_semaphore, #tpu.memory_space<semaphore_mem>>) src(%dma_wait3A_42 : memref<100352x64xf32, #tpu.memory_space<hbm>>) dst(%arg12 : memref<112x64xf32, #tpu.memory_space<vmem>>)
    %add3A_43 = arith.constant 0 : i32
    %add3A_44 = arith.addi %add3A_6, %add3A_43 : i32
    "tpu.region"() ({
      %run_scoped3A = tpu.sem_alloc : memref<!tpu.dma_semaphore, #tpu.memory_space<semaphore_mem>>
      %dma_start3A_76 = arith.constant 0 : i32
      %dma_start3A_77 = tpu.memref_slice %arg4[%add3A_44, %dma_start3A_76] : memref<25088x64xf32, #tpu.memory_space<hbm>> -> memref<112x64xf32, #tpu.memory_space<hbm>>
      %dma_start3A_78 = arith.constant 0 : i32
      %dma_start3A_79 = tpu.memref_slice %arg4[%add3A_44, %dma_start3A_78] : memref<25088x64xf32, #tpu.memory_space<hbm>> -> memref<112x64xf32, #tpu.memory_space<hbm>>
      tpu.enqueue_dma source(%arg12 : memref<112x64xf32, #tpu.memory_space<vmem>>) target(%dma_start3A_79 : memref<112x64xf32, #tpu.memory_space<hbm>>) target_semaphore(%run_scoped3A : memref<!tpu.dma_semaphore, #tpu.memory_space<semaphore_mem>>)
      %dma_wait3A_80 = arith.constant 0 : i32
      %dma_wait3A_81 = tpu.memref_slice %arg4[%add3A_44, %dma_wait3A_80] : memref<25088x64xf32, #tpu.memory_space<hbm>> -> memref<112x64xf32, #tpu.memory_space<hbm>>
      %dma_wait3A_82 = arith.constant 0 : i32
      %dma_wait3A_83 = tpu.memref_slice %arg4[%add3A_44, %dma_wait3A_82] : memref<25088x64xf32, #tpu.memory_space<hbm>> -> memref<112x64xf32, #tpu.memory_space<hbm>>
      tpu.wait_dma2 semaphore(%run_scoped3A : memref<!tpu.dma_semaphore, #tpu.memory_space<semaphore_mem>>) src(%arg12 : memref<112x64xf32, #tpu.memory_space<vmem>>) dst(%dma_wait3A_83 : memref<112x64xf32, #tpu.memory_space<hbm>>)
      tpu.yield
    }) : () -> ()
    %dma_wait3A_45 = arith.constant 0 : i32
    %dma_wait3A_46 = arith.constant 0 : i32
    %dma_wait3A_47 = tpu.memref_slice %arg2[%dma_wait3A_45, %dma_wait3A_46] : memref<100352x64xf32, #tpu.memory_space<hbm>> -> memref<100352x64xf32, #tpu.memory_space<hbm>>
    tpu.wait_indirect_dma semaphore(%arg19 : memref<!tpu.dma_semaphore, #tpu.memory_space<semaphore_mem>>) src(%dma_wait3A_47 : memref<100352x64xf32, #tpu.memory_space<hbm>>) dst(%arg13 : memref<112x64xf32, #tpu.memory_space<vmem>>)
    %add3A_48 = arith.constant 112 : i32
    %add3A_49 = arith.addi %add3A_6, %add3A_48 : i32
    "tpu.region"() ({
      %run_scoped3A = tpu.sem_alloc : memref<!tpu.dma_semaphore, #tpu.memory_space<semaphore_mem>>
      %dma_start3A_76 = arith.constant 0 : i32
      %dma_start3A_77 = tpu.memref_slice %arg4[%add3A_49, %dma_start3A_76] : memref<25088x64xf32, #tpu.memory_space<hbm>> -> memref<112x64xf32, #tpu.memory_space<hbm>>
      %dma_start3A_78 = arith.constant 0 : i32
      %dma_start3A_79 = tpu.memref_slice %arg4[%add3A_49, %dma_start3A_78] : memref<25088x64xf32, #tpu.memory_space<hbm>> -> memref<112x64xf32, #tpu.memory_space<hbm>>
      tpu.enqueue_dma source(%arg13 : memref<112x64xf32, #tpu.memory_space<vmem>>) target(%dma_start3A_79 : memref<112x64xf32, #tpu.memory_space<hbm>>) target_semaphore(%run_scoped3A : memref<!tpu.dma_semaphore, #tpu.memory_space<semaphore_mem>>)
      %dma_wait3A_80 = arith.constant 0 : i32
      %dma_wait3A_81 = tpu.memref_slice %arg4[%add3A_49, %dma_wait3A_80] : memref<25088x64xf32, #tpu.memory_space<hbm>> -> memref<112x64xf32, #tpu.memory_space<hbm>>
      %dma_wait3A_82 = arith.constant 0 : i32
      %dma_wait3A_83 = tpu.memref_slice %arg4[%add3A_49, %dma_wait3A_82] : memref<25088x64xf32, #tpu.memory_space<hbm>> -> memref<112x64xf32, #tpu.memory_space<hbm>>
      tpu.wait_dma2 semaphore(%run_scoped3A : memref<!tpu.dma_semaphore, #tpu.memory_space<semaphore_mem>>) src(%arg13 : memref<112x64xf32, #tpu.memory_space<vmem>>) dst(%dma_wait3A_83 : memref<112x64xf32, #tpu.memory_space<hbm>>)
      tpu.yield
    }) : () -> ()
    %dma_wait3A_50 = arith.constant 0 : i32
    %dma_wait3A_51 = arith.constant 0 : i32
    %dma_wait3A_52 = tpu.memref_slice %arg2[%dma_wait3A_50, %dma_wait3A_51] : memref<100352x64xf32, #tpu.memory_space<hbm>> -> memref<100352x64xf32, #tpu.memory_space<hbm>>
    tpu.wait_indirect_dma semaphore(%arg19 : memref<!tpu.dma_semaphore, #tpu.memory_space<semaphore_mem>>) src(%dma_wait3A_52 : memref<100352x64xf32, #tpu.memory_space<hbm>>) dst(%arg14 : memref<112x64xf32, #tpu.memory_space<vmem>>)
    %add3A_53 = arith.constant 224 : i32
    %add3A_54 = arith.addi %add3A_6, %add3A_53 : i32
    "tpu.region"() ({
      %run_scoped3A = tpu.sem_alloc : memref<!tpu.dma_semaphore, #tpu.memory_space<semaphore_mem>>
      %dma_start3A_76 = arith.constant 0 : i32
      %dma_start3A_77 = tpu.memref_slice %arg4[%add3A_54, %dma_start3A_76] : memref<25088x64xf32, #tpu.memory_space<hbm>> -> memref<112x64xf32, #tpu.memory_space<hbm>>
      %dma_start3A_78 = arith.constant 0 : i32
      %dma_start3A_79 = tpu.memref_slice %arg4[%add3A_54, %dma_start3A_78] : memref<25088x64xf32, #tpu.memory_space<hbm>> -> memref<112x64xf32, #tpu.memory_space<hbm>>
      tpu.enqueue_dma source(%arg14 : memref<112x64xf32, #tpu.memory_space<vmem>>) target(%dma_start3A_79 : memref<112x64xf32, #tpu.memory_space<hbm>>) target_semaphore(%run_scoped3A : memref<!tpu.dma_semaphore, #tpu.memory_space<semaphore_mem>>)
      %dma_wait3A_80 = arith.constant 0 : i32
      %dma_wait3A_81 = tpu.memref_slice %arg4[%add3A_54, %dma_wait3A_80] : memref<25088x64xf32, #tpu.memory_space<hbm>> -> memref<112x64xf32, #tpu.memory_space<hbm>>
      %dma_wait3A_82 = arith.constant 0 : i32
      %dma_wait3A_83 = tpu.memref_slice %arg4[%add3A_54, %dma_wait3A_82] : memref<25088x64xf32, #tpu.memory_space<hbm>> -> memref<112x64xf32, #tpu.memory_space<hbm>>
      tpu.wait_dma2 semaphore(%run_scoped3A : memref<!tpu.dma_semaphore, #tpu.memory_space<semaphore_mem>>) src(%arg14 : memref<112x64xf32, #tpu.memory_space<vmem>>) dst(%dma_wait3A_83 : memref<112x64xf32, #tpu.memory_space<hbm>>)
      tpu.yield
    }) : () -> ()
    %dma_wait3A_55 = arith.constant 0 : i32
    %dma_wait3A_56 = arith.constant 0 : i32
    %dma_wait3A_57 = tpu.memref_slice %arg2[%dma_wait3A_55, %dma_wait3A_56] : memref<100352x64xf32, #tpu.memory_space<hbm>> -> memref<100352x64xf32, #tpu.memory_space<hbm>>
    tpu.wait_indirect_dma semaphore(%arg19 : memref<!tpu.dma_semaphore, #tpu.memory_space<semaphore_mem>>) src(%dma_wait3A_57 : memref<100352x64xf32, #tpu.memory_space<hbm>>) dst(%arg15 : memref<112x64xf32, #tpu.memory_space<vmem>>)
    %add3A_58 = arith.constant 336 : i32
    %add3A_59 = arith.addi %add3A_6, %add3A_58 : i32
    "tpu.region"() ({
      %run_scoped3A = tpu.sem_alloc : memref<!tpu.dma_semaphore, #tpu.memory_space<semaphore_mem>>
      %dma_start3A_76 = arith.constant 0 : i32
      %dma_start3A_77 = tpu.memref_slice %arg4[%add3A_59, %dma_start3A_76] : memref<25088x64xf32, #tpu.memory_space<hbm>> -> memref<112x64xf32, #tpu.memory_space<hbm>>
      %dma_start3A_78 = arith.constant 0 : i32
      %dma_start3A_79 = tpu.memref_slice %arg4[%add3A_59, %dma_start3A_78] : memref<25088x64xf32, #tpu.memory_space<hbm>> -> memref<112x64xf32, #tpu.memory_space<hbm>>
      tpu.enqueue_dma source(%arg15 : memref<112x64xf32, #tpu.memory_space<vmem>>) target(%dma_start3A_79 : memref<112x64xf32, #tpu.memory_space<hbm>>) target_semaphore(%run_scoped3A : memref<!tpu.dma_semaphore, #tpu.memory_space<semaphore_mem>>)
      %dma_wait3A_80 = arith.constant 0 : i32
      %dma_wait3A_81 = tpu.memref_slice %arg4[%add3A_59, %dma_wait3A_80] : memref<25088x64xf32, #tpu.memory_space<hbm>> -> memref<112x64xf32, #tpu.memory_space<hbm>>
      %dma_wait3A_82 = arith.constant 0 : i32
      %dma_wait3A_83 = tpu.memref_slice %arg4[%add3A_59, %dma_wait3A_82] : memref<25088x64xf32, #tpu.memory_space<hbm>> -> memref<112x64xf32, #tpu.memory_space<hbm>>
      tpu.wait_dma2 semaphore(%run_scoped3A : memref<!tpu.dma_semaphore, #tpu.memory_space<semaphore_mem>>) src(%arg15 : memref<112x64xf32, #tpu.memory_space<vmem>>) dst(%dma_wait3A_83 : memref<112x64xf32, #tpu.memory_space<hbm>>)
      tpu.yield
    }) : () -> ()
    %dma_wait3A_60 = arith.constant 0 : i32
    %dma_wait3A_61 = arith.constant 0 : i32
    %dma_wait3A_62 = tpu.memref_slice %arg2[%dma_wait3A_60, %dma_wait3A_61] : memref<100352x64xf32, #tpu.memory_space<hbm>> -> memref<100352x64xf32, #tpu.memory_space<hbm>>
    tpu.wait_indirect_dma semaphore(%arg19 : memref<!tpu.dma_semaphore, #tpu.memory_space<semaphore_mem>>) src(%dma_wait3A_62 : memref<100352x64xf32, #tpu.memory_space<hbm>>) dst(%arg16 : memref<112x64xf32, #tpu.memory_space<vmem>>)
    %add3A_63 = arith.constant 448 : i32
    %add3A_64 = arith.addi %add3A_6, %add3A_63 : i32
    "tpu.region"() ({
      %run_scoped3A = tpu.sem_alloc : memref<!tpu.dma_semaphore, #tpu.memory_space<semaphore_mem>>
      %dma_start3A_76 = arith.constant 0 : i32
      %dma_start3A_77 = tpu.memref_slice %arg4[%add3A_64, %dma_start3A_76] : memref<25088x64xf32, #tpu.memory_space<hbm>> -> memref<112x64xf32, #tpu.memory_space<hbm>>
      %dma_start3A_78 = arith.constant 0 : i32
      %dma_start3A_79 = tpu.memref_slice %arg4[%add3A_64, %dma_start3A_78] : memref<25088x64xf32, #tpu.memory_space<hbm>> -> memref<112x64xf32, #tpu.memory_space<hbm>>
      tpu.enqueue_dma source(%arg16 : memref<112x64xf32, #tpu.memory_space<vmem>>) target(%dma_start3A_79 : memref<112x64xf32, #tpu.memory_space<hbm>>) target_semaphore(%run_scoped3A : memref<!tpu.dma_semaphore, #tpu.memory_space<semaphore_mem>>)
      %dma_wait3A_80 = arith.constant 0 : i32
      %dma_wait3A_81 = tpu.memref_slice %arg4[%add3A_64, %dma_wait3A_80] : memref<25088x64xf32, #tpu.memory_space<hbm>> -> memref<112x64xf32, #tpu.memory_space<hbm>>
      %dma_wait3A_82 = arith.constant 0 : i32
      %dma_wait3A_83 = tpu.memref_slice %arg4[%add3A_64, %dma_wait3A_82] : memref<25088x64xf32, #tpu.memory_space<hbm>> -> memref<112x64xf32, #tpu.memory_space<hbm>>
      tpu.wait_dma2 semaphore(%run_scoped3A : memref<!tpu.dma_semaphore, #tpu.memory_space<semaphore_mem>>) src(%arg16 : memref<112x64xf32, #tpu.memory_space<vmem>>) dst(%dma_wait3A_83 : memref<112x64xf32, #tpu.memory_space<hbm>>)
      tpu.yield
    }) : () -> ()
    %dma_wait3A_65 = arith.constant 0 : i32
    %dma_wait3A_66 = arith.constant 0 : i32
    %dma_wait3A_67 = tpu.memref_slice %arg2[%dma_wait3A_65, %dma_wait3A_66] : memref<100352x64xf32, #tpu.memory_space<hbm>> -> memref<100352x64xf32, #tpu.memory_space<hbm>>
    tpu.wait_indirect_dma semaphore(%arg19 : memref<!tpu.dma_semaphore, #tpu.memory_space<semaphore_mem>>) src(%dma_wait3A_67 : memref<100352x64xf32, #tpu.memory_space<hbm>>) dst(%arg17 : memref<112x64xf32, #tpu.memory_space<vmem>>)
    %add3A_68 = arith.constant 560 : i32
    %add3A_69 = arith.addi %add3A_6, %add3A_68 : i32
    "tpu.region"() ({
      %run_scoped3A = tpu.sem_alloc : memref<!tpu.dma_semaphore, #tpu.memory_space<semaphore_mem>>
      %dma_start3A_76 = arith.constant 0 : i32
      %dma_start3A_77 = tpu.memref_slice %arg4[%add3A_69, %dma_start3A_76] : memref<25088x64xf32, #tpu.memory_space<hbm>> -> memref<112x64xf32, #tpu.memory_space<hbm>>
      %dma_start3A_78 = arith.constant 0 : i32
      %dma_start3A_79 = tpu.memref_slice %arg4[%add3A_69, %dma_start3A_78] : memref<25088x64xf32, #tpu.memory_space<hbm>> -> memref<112x64xf32, #tpu.memory_space<hbm>>
      tpu.enqueue_dma source(%arg17 : memref<112x64xf32, #tpu.memory_space<vmem>>) target(%dma_start3A_79 : memref<112x64xf32, #tpu.memory_space<hbm>>) target_semaphore(%run_scoped3A : memref<!tpu.dma_semaphore, #tpu.memory_space<semaphore_mem>>)
      %dma_wait3A_80 = arith.constant 0 : i32
      %dma_wait3A_81 = tpu.memref_slice %arg4[%add3A_69, %dma_wait3A_80] : memref<25088x64xf32, #tpu.memory_space<hbm>> -> memref<112x64xf32, #tpu.memory_space<hbm>>
      %dma_wait3A_82 = arith.constant 0 : i32
      %dma_wait3A_83 = tpu.memref_slice %arg4[%add3A_69, %dma_wait3A_82] : memref<25088x64xf32, #tpu.memory_space<hbm>> -> memref<112x64xf32, #tpu.memory_space<hbm>>
      tpu.wait_dma2 semaphore(%run_scoped3A : memref<!tpu.dma_semaphore, #tpu.memory_space<semaphore_mem>>) src(%arg17 : memref<112x64xf32, #tpu.memory_space<vmem>>) dst(%dma_wait3A_83 : memref<112x64xf32, #tpu.memory_space<hbm>>)
      tpu.yield
    }) : () -> ()
    %dma_wait3A_70 = arith.constant 0 : i32
    %dma_wait3A_71 = arith.constant 0 : i32
    %dma_wait3A_72 = tpu.memref_slice %arg2[%dma_wait3A_70, %dma_wait3A_71] : memref<100352x64xf32, #tpu.memory_space<hbm>> -> memref<100352x64xf32, #tpu.memory_space<hbm>>
    tpu.wait_indirect_dma semaphore(%arg19 : memref<!tpu.dma_semaphore, #tpu.memory_space<semaphore_mem>>) src(%dma_wait3A_72 : memref<100352x64xf32, #tpu.memory_space<hbm>>) dst(%arg18 : memref<112x64xf32, #tpu.memory_space<vmem>>)
    %add3A_73 = arith.constant 672 : i32
    %add3A_74 = arith.addi %add3A_6, %add3A_73 : i32
    "tpu.region"() ({
      %run_scoped3A = tpu.sem_alloc : memref<!tpu.dma_semaphore, #tpu.memory_space<semaphore_mem>>
      %dma_start3A_76 = arith.constant 0 : i32
      %dma_start3A_77 = tpu.memref_slice %arg4[%add3A_74, %dma_start3A_76] : memref<25088x64xf32, #tpu.memory_space<hbm>> -> memref<112x64xf32, #tpu.memory_space<hbm>>
      %dma_start3A_78 = arith.constant 0 : i32
      %dma_start3A_79 = tpu.memref_slice %arg4[%add3A_74, %dma_start3A_78] : memref<25088x64xf32, #tpu.memory_space<hbm>> -> memref<112x64xf32, #tpu.memory_space<hbm>>
      tpu.enqueue_dma source(%arg18 : memref<112x64xf32, #tpu.memory_space<vmem>>) target(%dma_start3A_79 : memref<112x64xf32, #tpu.memory_space<hbm>>) target_semaphore(%run_scoped3A : memref<!tpu.dma_semaphore, #tpu.memory_space<semaphore_mem>>)
      %dma_wait3A_80 = arith.constant 0 : i32
      %dma_wait3A_81 = tpu.memref_slice %arg4[%add3A_74, %dma_wait3A_80] : memref<25088x64xf32, #tpu.memory_space<hbm>> -> memref<112x64xf32, #tpu.memory_space<hbm>>
      %dma_wait3A_82 = arith.constant 0 : i32
      %dma_wait3A_83 = tpu.memref_slice %arg4[%add3A_74, %dma_wait3A_82] : memref<25088x64xf32, #tpu.memory_space<hbm>> -> memref<112x64xf32, #tpu.memory_space<hbm>>
      tpu.wait_dma2 semaphore(%run_scoped3A : memref<!tpu.dma_semaphore, #tpu.memory_space<semaphore_mem>>) src(%arg18 : memref<112x64xf32, #tpu.memory_space<vmem>>) dst(%dma_wait3A_83 : memref<112x64xf32, #tpu.memory_space<hbm>>)
      tpu.yield
    }) : () -> ()
    %scan3A_75 = arith.constant 1 : i32
    return
  }
}

#map = affine_map<(d0, d1) -> (0, 0)>
#map1 = affine_map<(d0, d1) -> (0)>
module attributes {stable_mosaic.version = 14 : i64} {
  func.func @k(%arg0: i32, %arg1: i32, %arg2: memref<100352x64xf32, #tpu.memory_space<hbm>>, %arg3: memref<250880xi32, #tpu.memory_space<hbm>>, %arg4: memref<250880x64xf32, #tpu.memory_space<hbm>>, %arg5: memref<112xi32, #tpu.memory_space<vmem>>, %arg6: memref<112xi32, #tpu.memory_space<vmem>>, %arg7: memref<112xi32, #tpu.memory_space<vmem>>, %arg8: memref<112xi32, #tpu.memory_space<vmem>>, %arg9: memref<112xi32, #tpu.memory_space<vmem>>, %arg10: memref<112xi32, #tpu.memory_space<vmem>>, %arg11: memref<112xi32, #tpu.memory_space<vmem>>, %arg12: memref<112x64xf32, #tpu.memory_space<vmem>>, %arg13: memref<112x64xf32, #tpu.memory_space<vmem>>, %arg14: memref<112x64xf32, #tpu.memory_space<vmem>>, %arg15: memref<112x64xf32, #tpu.memory_space<vmem>>, %arg16: memref<112x64xf32, #tpu.memory_space<vmem>>, %arg17: memref<112x64xf32, #tpu.memory_space<vmem>>, %arg18: memref<112x64xf32, #tpu.memory_space<vmem>>, %arg19: memref<!tpu.dma_semaphore, #tpu.memory_space<semaphore_mem>>) attributes {dimension_semantics = [#tpu.dimension_semantics<core_parallel>, #tpu.dimension_semantics<subcore_parallel>], iteration_bounds = array<i64: 2, 16>, scalar_prefetch = 0 : i64, scratch_operands = 15 : i64, tpu.core_type = #tpu.core_type<sc_vector_subcore>, window_params = [{transform_indices = #map}, {transform_indices = #map1}, {transform_indices = #map}]} {
    %mul3A = arith.constant 2 : i32
    %mul3A_0 = arith.muli %arg1, %mul3A : i32
    %add3A = arith.addi %mul3A_0, %arg0 : i32
    %mul3A_1 = arith.constant 7840 : i32
    %mul3A_2 = arith.muli %add3A, %mul3A_1 : i32
    %scan3A = arith.constant 0 : i32
    %scan3A_3 = arith.constant 0 : i32
    %scan3A_4 = arith.constant 10 : i32
    %scan3A_5 = arith.addi %scan3A_3, %scan3A_4 : i32
    %scan3A_6 = arith.constant 1 : i32
    scf.for %scan3A_8 = %scan3A_3 to %scan3A_5 step %scan3A_6  : i32 {
      %mul3A_9 = arith.constant 784 : i32
      %mul3A_10 = arith.muli %scan3A_8, %mul3A_9 : i32
      %add3A_11 = arith.addi %mul3A_2, %mul3A_10 : i32
      %add3A_12 = arith.constant 0 : i32
      %add3A_13 = arith.addi %add3A_11, %add3A_12 : i32
      "tpu.region"() ({
        %run_scoped3A = tpu.sem_alloc : memref<!tpu.dma_semaphore, #tpu.memory_space<semaphore_mem>>
        %dma_start3A_80 = tpu.memref_slice %arg3[%add3A_13] : memref<250880xi32, #tpu.memory_space<hbm>> -> memref<112xi32, #tpu.memory_space<hbm>>
        %dma_start3A_81 = tpu.memref_slice %arg3[%add3A_13] : memref<250880xi32, #tpu.memory_space<hbm>> -> memref<112xi32, #tpu.memory_space<hbm>>
        tpu.enqueue_dma source(%dma_start3A_81 : memref<112xi32, #tpu.memory_space<hbm>>) target(%arg5 : memref<112xi32, #tpu.memory_space<vmem>>) target_semaphore(%run_scoped3A : memref<!tpu.dma_semaphore, #tpu.memory_space<semaphore_mem>>)
        %dma_wait3A_82 = tpu.memref_slice %arg3[%add3A_13] : memref<250880xi32, #tpu.memory_space<hbm>> -> memref<112xi32, #tpu.memory_space<hbm>>
        %dma_wait3A_83 = tpu.memref_slice %arg3[%add3A_13] : memref<250880xi32, #tpu.memory_space<hbm>> -> memref<112xi32, #tpu.memory_space<hbm>>
        tpu.wait_dma2 semaphore(%run_scoped3A : memref<!tpu.dma_semaphore, #tpu.memory_space<semaphore_mem>>) src(%dma_wait3A_83 : memref<112xi32, #tpu.memory_space<hbm>>) dst(%arg5 : memref<112xi32, #tpu.memory_space<vmem>>)
        tpu.yield
      }) : () -> ()
      %dma_start3A = arith.constant 0 : i32
      %dma_start3A_14 = arith.constant 0 : i32
      %dma_start3A_15 = tpu.memref_slice %arg2[%dma_start3A, %dma_start3A_14] : memref<100352x64xf32, #tpu.memory_space<hbm>> -> memref<100352x64xf32, #tpu.memory_space<hbm>>
      tpu.enqueue_indirect_dma source(%dma_start3A_15 : memref<100352x64xf32, #tpu.memory_space<hbm>>) target(%arg12 : memref<112x64xf32, #tpu.memory_space<vmem>>) offsets(%arg5 : memref<112xi32, #tpu.memory_space<vmem>>) semaphore(%arg19 : memref<!tpu.dma_semaphore, #tpu.memory_space<semaphore_mem>>)
      %add3A_16 = arith.constant 112 : i32
      %add3A_17 = arith.addi %add3A_11, %add3A_16 : i32
      "tpu.region"() ({
        %run_scoped3A = tpu.sem_alloc : memref<!tpu.dma_semaphore, #tpu.memory_space<semaphore_mem>>
        %dma_start3A_80 = tpu.memref_slice %arg3[%add3A_17] : memref<250880xi32, #tpu.memory_space<hbm>> -> memref<112xi32, #tpu.memory_space<hbm>>
        %dma_start3A_81 = tpu.memref_slice %arg3[%add3A_17] : memref<250880xi32, #tpu.memory_space<hbm>> -> memref<112xi32, #tpu.memory_space<hbm>>
        tpu.enqueue_dma source(%dma_start3A_81 : memref<112xi32, #tpu.memory_space<hbm>>) target(%arg6 : memref<112xi32, #tpu.memory_space<vmem>>) target_semaphore(%run_scoped3A : memref<!tpu.dma_semaphore, #tpu.memory_space<semaphore_mem>>)
        %dma_wait3A_82 = tpu.memref_slice %arg3[%add3A_17] : memref<250880xi32, #tpu.memory_space<hbm>> -> memref<112xi32, #tpu.memory_space<hbm>>
        %dma_wait3A_83 = tpu.memref_slice %arg3[%add3A_17] : memref<250880xi32, #tpu.memory_space<hbm>> -> memref<112xi32, #tpu.memory_space<hbm>>
        tpu.wait_dma2 semaphore(%run_scoped3A : memref<!tpu.dma_semaphore, #tpu.memory_space<semaphore_mem>>) src(%dma_wait3A_83 : memref<112xi32, #tpu.memory_space<hbm>>) dst(%arg6 : memref<112xi32, #tpu.memory_space<vmem>>)
        tpu.yield
      }) : () -> ()
      %dma_start3A_18 = arith.constant 0 : i32
      %dma_start3A_19 = arith.constant 0 : i32
      %dma_start3A_20 = tpu.memref_slice %arg2[%dma_start3A_18, %dma_start3A_19] : memref<100352x64xf32, #tpu.memory_space<hbm>> -> memref<100352x64xf32, #tpu.memory_space<hbm>>
      tpu.enqueue_indirect_dma source(%dma_start3A_20 : memref<100352x64xf32, #tpu.memory_space<hbm>>) target(%arg13 : memref<112x64xf32, #tpu.memory_space<vmem>>) offsets(%arg6 : memref<112xi32, #tpu.memory_space<vmem>>) semaphore(%arg19 : memref<!tpu.dma_semaphore, #tpu.memory_space<semaphore_mem>>)
      %add3A_21 = arith.constant 224 : i32
      %add3A_22 = arith.addi %add3A_11, %add3A_21 : i32
      "tpu.region"() ({
        %run_scoped3A = tpu.sem_alloc : memref<!tpu.dma_semaphore, #tpu.memory_space<semaphore_mem>>
        %dma_start3A_80 = tpu.memref_slice %arg3[%add3A_22] : memref<250880xi32, #tpu.memory_space<hbm>> -> memref<112xi32, #tpu.memory_space<hbm>>
        %dma_start3A_81 = tpu.memref_slice %arg3[%add3A_22] : memref<250880xi32, #tpu.memory_space<hbm>> -> memref<112xi32, #tpu.memory_space<hbm>>
        tpu.enqueue_dma source(%dma_start3A_81 : memref<112xi32, #tpu.memory_space<hbm>>) target(%arg7 : memref<112xi32, #tpu.memory_space<vmem>>) target_semaphore(%run_scoped3A : memref<!tpu.dma_semaphore, #tpu.memory_space<semaphore_mem>>)
        %dma_wait3A_82 = tpu.memref_slice %arg3[%add3A_22] : memref<250880xi32, #tpu.memory_space<hbm>> -> memref<112xi32, #tpu.memory_space<hbm>>
        %dma_wait3A_83 = tpu.memref_slice %arg3[%add3A_22] : memref<250880xi32, #tpu.memory_space<hbm>> -> memref<112xi32, #tpu.memory_space<hbm>>
        tpu.wait_dma2 semaphore(%run_scoped3A : memref<!tpu.dma_semaphore, #tpu.memory_space<semaphore_mem>>) src(%dma_wait3A_83 : memref<112xi32, #tpu.memory_space<hbm>>) dst(%arg7 : memref<112xi32, #tpu.memory_space<vmem>>)
        tpu.yield
      }) : () -> ()
      %dma_start3A_23 = arith.constant 0 : i32
      %dma_start3A_24 = arith.constant 0 : i32
      %dma_start3A_25 = tpu.memref_slice %arg2[%dma_start3A_23, %dma_start3A_24] : memref<100352x64xf32, #tpu.memory_space<hbm>> -> memref<100352x64xf32, #tpu.memory_space<hbm>>
      tpu.enqueue_indirect_dma source(%dma_start3A_25 : memref<100352x64xf32, #tpu.memory_space<hbm>>) target(%arg14 : memref<112x64xf32, #tpu.memory_space<vmem>>) offsets(%arg7 : memref<112xi32, #tpu.memory_space<vmem>>) semaphore(%arg19 : memref<!tpu.dma_semaphore, #tpu.memory_space<semaphore_mem>>)
      %add3A_26 = arith.constant 336 : i32
      %add3A_27 = arith.addi %add3A_11, %add3A_26 : i32
      "tpu.region"() ({
        %run_scoped3A = tpu.sem_alloc : memref<!tpu.dma_semaphore, #tpu.memory_space<semaphore_mem>>
        %dma_start3A_80 = tpu.memref_slice %arg3[%add3A_27] : memref<250880xi32, #tpu.memory_space<hbm>> -> memref<112xi32, #tpu.memory_space<hbm>>
        %dma_start3A_81 = tpu.memref_slice %arg3[%add3A_27] : memref<250880xi32, #tpu.memory_space<hbm>> -> memref<112xi32, #tpu.memory_space<hbm>>
        tpu.enqueue_dma source(%dma_start3A_81 : memref<112xi32, #tpu.memory_space<hbm>>) target(%arg8 : memref<112xi32, #tpu.memory_space<vmem>>) target_semaphore(%run_scoped3A : memref<!tpu.dma_semaphore, #tpu.memory_space<semaphore_mem>>)
        %dma_wait3A_82 = tpu.memref_slice %arg3[%add3A_27] : memref<250880xi32, #tpu.memory_space<hbm>> -> memref<112xi32, #tpu.memory_space<hbm>>
        %dma_wait3A_83 = tpu.memref_slice %arg3[%add3A_27] : memref<250880xi32, #tpu.memory_space<hbm>> -> memref<112xi32, #tpu.memory_space<hbm>>
        tpu.wait_dma2 semaphore(%run_scoped3A : memref<!tpu.dma_semaphore, #tpu.memory_space<semaphore_mem>>) src(%dma_wait3A_83 : memref<112xi32, #tpu.memory_space<hbm>>) dst(%arg8 : memref<112xi32, #tpu.memory_space<vmem>>)
        tpu.yield
      }) : () -> ()
      %dma_start3A_28 = arith.constant 0 : i32
      %dma_start3A_29 = arith.constant 0 : i32
      %dma_start3A_30 = tpu.memref_slice %arg2[%dma_start3A_28, %dma_start3A_29] : memref<100352x64xf32, #tpu.memory_space<hbm>> -> memref<100352x64xf32, #tpu.memory_space<hbm>>
      tpu.enqueue_indirect_dma source(%dma_start3A_30 : memref<100352x64xf32, #tpu.memory_space<hbm>>) target(%arg15 : memref<112x64xf32, #tpu.memory_space<vmem>>) offsets(%arg8 : memref<112xi32, #tpu.memory_space<vmem>>) semaphore(%arg19 : memref<!tpu.dma_semaphore, #tpu.memory_space<semaphore_mem>>)
      %add3A_31 = arith.constant 448 : i32
      %add3A_32 = arith.addi %add3A_11, %add3A_31 : i32
      "tpu.region"() ({
        %run_scoped3A = tpu.sem_alloc : memref<!tpu.dma_semaphore, #tpu.memory_space<semaphore_mem>>
        %dma_start3A_80 = tpu.memref_slice %arg3[%add3A_32] : memref<250880xi32, #tpu.memory_space<hbm>> -> memref<112xi32, #tpu.memory_space<hbm>>
        %dma_start3A_81 = tpu.memref_slice %arg3[%add3A_32] : memref<250880xi32, #tpu.memory_space<hbm>> -> memref<112xi32, #tpu.memory_space<hbm>>
        tpu.enqueue_dma source(%dma_start3A_81 : memref<112xi32, #tpu.memory_space<hbm>>) target(%arg9 : memref<112xi32, #tpu.memory_space<vmem>>) target_semaphore(%run_scoped3A : memref<!tpu.dma_semaphore, #tpu.memory_space<semaphore_mem>>)
        %dma_wait3A_82 = tpu.memref_slice %arg3[%add3A_32] : memref<250880xi32, #tpu.memory_space<hbm>> -> memref<112xi32, #tpu.memory_space<hbm>>
        %dma_wait3A_83 = tpu.memref_slice %arg3[%add3A_32] : memref<250880xi32, #tpu.memory_space<hbm>> -> memref<112xi32, #tpu.memory_space<hbm>>
        tpu.wait_dma2 semaphore(%run_scoped3A : memref<!tpu.dma_semaphore, #tpu.memory_space<semaphore_mem>>) src(%dma_wait3A_83 : memref<112xi32, #tpu.memory_space<hbm>>) dst(%arg9 : memref<112xi32, #tpu.memory_space<vmem>>)
        tpu.yield
      }) : () -> ()
      %dma_start3A_33 = arith.constant 0 : i32
      %dma_start3A_34 = arith.constant 0 : i32
      %dma_start3A_35 = tpu.memref_slice %arg2[%dma_start3A_33, %dma_start3A_34] : memref<100352x64xf32, #tpu.memory_space<hbm>> -> memref<100352x64xf32, #tpu.memory_space<hbm>>
      tpu.enqueue_indirect_dma source(%dma_start3A_35 : memref<100352x64xf32, #tpu.memory_space<hbm>>) target(%arg16 : memref<112x64xf32, #tpu.memory_space<vmem>>) offsets(%arg9 : memref<112xi32, #tpu.memory_space<vmem>>) semaphore(%arg19 : memref<!tpu.dma_semaphore, #tpu.memory_space<semaphore_mem>>)
      %add3A_36 = arith.constant 560 : i32
      %add3A_37 = arith.addi %add3A_11, %add3A_36 : i32
      "tpu.region"() ({
        %run_scoped3A = tpu.sem_alloc : memref<!tpu.dma_semaphore, #tpu.memory_space<semaphore_mem>>
        %dma_start3A_80 = tpu.memref_slice %arg3[%add3A_37] : memref<250880xi32, #tpu.memory_space<hbm>> -> memref<112xi32, #tpu.memory_space<hbm>>
        %dma_start3A_81 = tpu.memref_slice %arg3[%add3A_37] : memref<250880xi32, #tpu.memory_space<hbm>> -> memref<112xi32, #tpu.memory_space<hbm>>
        tpu.enqueue_dma source(%dma_start3A_81 : memref<112xi32, #tpu.memory_space<hbm>>) target(%arg10 : memref<112xi32, #tpu.memory_space<vmem>>) target_semaphore(%run_scoped3A : memref<!tpu.dma_semaphore, #tpu.memory_space<semaphore_mem>>)
        %dma_wait3A_82 = tpu.memref_slice %arg3[%add3A_37] : memref<250880xi32, #tpu.memory_space<hbm>> -> memref<112xi32, #tpu.memory_space<hbm>>
        %dma_wait3A_83 = tpu.memref_slice %arg3[%add3A_37] : memref<250880xi32, #tpu.memory_space<hbm>> -> memref<112xi32, #tpu.memory_space<hbm>>
        tpu.wait_dma2 semaphore(%run_scoped3A : memref<!tpu.dma_semaphore, #tpu.memory_space<semaphore_mem>>) src(%dma_wait3A_83 : memref<112xi32, #tpu.memory_space<hbm>>) dst(%arg10 : memref<112xi32, #tpu.memory_space<vmem>>)
        tpu.yield
      }) : () -> ()
      %dma_start3A_38 = arith.constant 0 : i32
      %dma_start3A_39 = arith.constant 0 : i32
      %dma_start3A_40 = tpu.memref_slice %arg2[%dma_start3A_38, %dma_start3A_39] : memref<100352x64xf32, #tpu.memory_space<hbm>> -> memref<100352x64xf32, #tpu.memory_space<hbm>>
      tpu.enqueue_indirect_dma source(%dma_start3A_40 : memref<100352x64xf32, #tpu.memory_space<hbm>>) target(%arg17 : memref<112x64xf32, #tpu.memory_space<vmem>>) offsets(%arg10 : memref<112xi32, #tpu.memory_space<vmem>>) semaphore(%arg19 : memref<!tpu.dma_semaphore, #tpu.memory_space<semaphore_mem>>)
      %add3A_41 = arith.constant 672 : i32
      %add3A_42 = arith.addi %add3A_11, %add3A_41 : i32
      "tpu.region"() ({
        %run_scoped3A = tpu.sem_alloc : memref<!tpu.dma_semaphore, #tpu.memory_space<semaphore_mem>>
        %dma_start3A_80 = tpu.memref_slice %arg3[%add3A_42] : memref<250880xi32, #tpu.memory_space<hbm>> -> memref<112xi32, #tpu.memory_space<hbm>>
        %dma_start3A_81 = tpu.memref_slice %arg3[%add3A_42] : memref<250880xi32, #tpu.memory_space<hbm>> -> memref<112xi32, #tpu.memory_space<hbm>>
        tpu.enqueue_dma source(%dma_start3A_81 : memref<112xi32, #tpu.memory_space<hbm>>) target(%arg11 : memref<112xi32, #tpu.memory_space<vmem>>) target_semaphore(%run_scoped3A : memref<!tpu.dma_semaphore, #tpu.memory_space<semaphore_mem>>)
        %dma_wait3A_82 = tpu.memref_slice %arg3[%add3A_42] : memref<250880xi32, #tpu.memory_space<hbm>> -> memref<112xi32, #tpu.memory_space<hbm>>
        %dma_wait3A_83 = tpu.memref_slice %arg3[%add3A_42] : memref<250880xi32, #tpu.memory_space<hbm>> -> memref<112xi32, #tpu.memory_space<hbm>>
        tpu.wait_dma2 semaphore(%run_scoped3A : memref<!tpu.dma_semaphore, #tpu.memory_space<semaphore_mem>>) src(%dma_wait3A_83 : memref<112xi32, #tpu.memory_space<hbm>>) dst(%arg11 : memref<112xi32, #tpu.memory_space<vmem>>)
        tpu.yield
      }) : () -> ()
      %dma_start3A_43 = arith.constant 0 : i32
      %dma_start3A_44 = arith.constant 0 : i32
      %dma_start3A_45 = tpu.memref_slice %arg2[%dma_start3A_43, %dma_start3A_44] : memref<100352x64xf32, #tpu.memory_space<hbm>> -> memref<100352x64xf32, #tpu.memory_space<hbm>>
      tpu.enqueue_indirect_dma source(%dma_start3A_45 : memref<100352x64xf32, #tpu.memory_space<hbm>>) target(%arg18 : memref<112x64xf32, #tpu.memory_space<vmem>>) offsets(%arg11 : memref<112xi32, #tpu.memory_space<vmem>>) semaphore(%arg19 : memref<!tpu.dma_semaphore, #tpu.memory_space<semaphore_mem>>)
      %dma_wait3A = arith.constant 0 : i32
      %dma_wait3A_46 = arith.constant 0 : i32
      %dma_wait3A_47 = tpu.memref_slice %arg2[%dma_wait3A, %dma_wait3A_46] : memref<100352x64xf32, #tpu.memory_space<hbm>> -> memref<100352x64xf32, #tpu.memory_space<hbm>>
      tpu.wait_indirect_dma semaphore(%arg19 : memref<!tpu.dma_semaphore, #tpu.memory_space<semaphore_mem>>) src(%dma_wait3A_47 : memref<100352x64xf32, #tpu.memory_space<hbm>>) dst(%arg12 : memref<112x64xf32, #tpu.memory_space<vmem>>)
      %add3A_48 = arith.constant 0 : i32
      %add3A_49 = arith.addi %add3A_11, %add3A_48 : i32
      "tpu.region"() ({
        %run_scoped3A = tpu.sem_alloc : memref<!tpu.dma_semaphore, #tpu.memory_space<semaphore_mem>>
        %dma_start3A_80 = arith.constant 0 : i32
        %dma_start3A_81 = tpu.memref_slice %arg4[%add3A_49, %dma_start3A_80] : memref<250880x64xf32, #tpu.memory_space<hbm>> -> memref<112x64xf32, #tpu.memory_space<hbm>>
        %dma_start3A_82 = arith.constant 0 : i32
        %dma_start3A_83 = tpu.memref_slice %arg4[%add3A_49, %dma_start3A_82] : memref<250880x64xf32, #tpu.memory_space<hbm>> -> memref<112x64xf32, #tpu.memory_space<hbm>>
        tpu.enqueue_dma source(%arg12 : memref<112x64xf32, #tpu.memory_space<vmem>>) target(%dma_start3A_83 : memref<112x64xf32, #tpu.memory_space<hbm>>) target_semaphore(%run_scoped3A : memref<!tpu.dma_semaphore, #tpu.memory_space<semaphore_mem>>)
        %dma_wait3A_84 = arith.constant 0 : i32
        %dma_wait3A_85 = tpu.memref_slice %arg4[%add3A_49, %dma_wait3A_84] : memref<250880x64xf32, #tpu.memory_space<hbm>> -> memref<112x64xf32, #tpu.memory_space<hbm>>
        %dma_wait3A_86 = arith.constant 0 : i32
        %dma_wait3A_87 = tpu.memref_slice %arg4[%add3A_49, %dma_wait3A_86] : memref<250880x64xf32, #tpu.memory_space<hbm>> -> memref<112x64xf32, #tpu.memory_space<hbm>>
        tpu.wait_dma2 semaphore(%run_scoped3A : memref<!tpu.dma_semaphore, #tpu.memory_space<semaphore_mem>>) src(%arg12 : memref<112x64xf32, #tpu.memory_space<vmem>>) dst(%dma_wait3A_87 : memref<112x64xf32, #tpu.memory_space<hbm>>)
        tpu.yield
      }) : () -> ()
      %dma_wait3A_50 = arith.constant 0 : i32
      %dma_wait3A_51 = arith.constant 0 : i32
      %dma_wait3A_52 = tpu.memref_slice %arg2[%dma_wait3A_50, %dma_wait3A_51] : memref<100352x64xf32, #tpu.memory_space<hbm>> -> memref<100352x64xf32, #tpu.memory_space<hbm>>
      tpu.wait_indirect_dma semaphore(%arg19 : memref<!tpu.dma_semaphore, #tpu.memory_space<semaphore_mem>>) src(%dma_wait3A_52 : memref<100352x64xf32, #tpu.memory_space<hbm>>) dst(%arg13 : memref<112x64xf32, #tpu.memory_space<vmem>>)
      %add3A_53 = arith.constant 112 : i32
      %add3A_54 = arith.addi %add3A_11, %add3A_53 : i32
      "tpu.region"() ({
        %run_scoped3A = tpu.sem_alloc : memref<!tpu.dma_semaphore, #tpu.memory_space<semaphore_mem>>
        %dma_start3A_80 = arith.constant 0 : i32
        %dma_start3A_81 = tpu.memref_slice %arg4[%add3A_54, %dma_start3A_80] : memref<250880x64xf32, #tpu.memory_space<hbm>> -> memref<112x64xf32, #tpu.memory_space<hbm>>
        %dma_start3A_82 = arith.constant 0 : i32
        %dma_start3A_83 = tpu.memref_slice %arg4[%add3A_54, %dma_start3A_82] : memref<250880x64xf32, #tpu.memory_space<hbm>> -> memref<112x64xf32, #tpu.memory_space<hbm>>
        tpu.enqueue_dma source(%arg13 : memref<112x64xf32, #tpu.memory_space<vmem>>) target(%dma_start3A_83 : memref<112x64xf32, #tpu.memory_space<hbm>>) target_semaphore(%run_scoped3A : memref<!tpu.dma_semaphore, #tpu.memory_space<semaphore_mem>>)
        %dma_wait3A_84 = arith.constant 0 : i32
        %dma_wait3A_85 = tpu.memref_slice %arg4[%add3A_54, %dma_wait3A_84] : memref<250880x64xf32, #tpu.memory_space<hbm>> -> memref<112x64xf32, #tpu.memory_space<hbm>>
        %dma_wait3A_86 = arith.constant 0 : i32
        %dma_wait3A_87 = tpu.memref_slice %arg4[%add3A_54, %dma_wait3A_86] : memref<250880x64xf32, #tpu.memory_space<hbm>> -> memref<112x64xf32, #tpu.memory_space<hbm>>
        tpu.wait_dma2 semaphore(%run_scoped3A : memref<!tpu.dma_semaphore, #tpu.memory_space<semaphore_mem>>) src(%arg13 : memref<112x64xf32, #tpu.memory_space<vmem>>) dst(%dma_wait3A_87 : memref<112x64xf32, #tpu.memory_space<hbm>>)
        tpu.yield
      }) : () -> ()
      %dma_wait3A_55 = arith.constant 0 : i32
      %dma_wait3A_56 = arith.constant 0 : i32
      %dma_wait3A_57 = tpu.memref_slice %arg2[%dma_wait3A_55, %dma_wait3A_56] : memref<100352x64xf32, #tpu.memory_space<hbm>> -> memref<100352x64xf32, #tpu.memory_space<hbm>>
      tpu.wait_indirect_dma semaphore(%arg19 : memref<!tpu.dma_semaphore, #tpu.memory_space<semaphore_mem>>) src(%dma_wait3A_57 : memref<100352x64xf32, #tpu.memory_space<hbm>>) dst(%arg14 : memref<112x64xf32, #tpu.memory_space<vmem>>)
      %add3A_58 = arith.constant 224 : i32
      %add3A_59 = arith.addi %add3A_11, %add3A_58 : i32
      "tpu.region"() ({
        %run_scoped3A = tpu.sem_alloc : memref<!tpu.dma_semaphore, #tpu.memory_space<semaphore_mem>>
        %dma_start3A_80 = arith.constant 0 : i32
        %dma_start3A_81 = tpu.memref_slice %arg4[%add3A_59, %dma_start3A_80] : memref<250880x64xf32, #tpu.memory_space<hbm>> -> memref<112x64xf32, #tpu.memory_space<hbm>>
        %dma_start3A_82 = arith.constant 0 : i32
        %dma_start3A_83 = tpu.memref_slice %arg4[%add3A_59, %dma_start3A_82] : memref<250880x64xf32, #tpu.memory_space<hbm>> -> memref<112x64xf32, #tpu.memory_space<hbm>>
        tpu.enqueue_dma source(%arg14 : memref<112x64xf32, #tpu.memory_space<vmem>>) target(%dma_start3A_83 : memref<112x64xf32, #tpu.memory_space<hbm>>) target_semaphore(%run_scoped3A : memref<!tpu.dma_semaphore, #tpu.memory_space<semaphore_mem>>)
        %dma_wait3A_84 = arith.constant 0 : i32
        %dma_wait3A_85 = tpu.memref_slice %arg4[%add3A_59, %dma_wait3A_84] : memref<250880x64xf32, #tpu.memory_space<hbm>> -> memref<112x64xf32, #tpu.memory_space<hbm>>
        %dma_wait3A_86 = arith.constant 0 : i32
        %dma_wait3A_87 = tpu.memref_slice %arg4[%add3A_59, %dma_wait3A_86] : memref<250880x64xf32, #tpu.memory_space<hbm>> -> memref<112x64xf32, #tpu.memory_space<hbm>>
        tpu.wait_dma2 semaphore(%run_scoped3A : memref<!tpu.dma_semaphore, #tpu.memory_space<semaphore_mem>>) src(%arg14 : memref<112x64xf32, #tpu.memory_space<vmem>>) dst(%dma_wait3A_87 : memref<112x64xf32, #tpu.memory_space<hbm>>)
        tpu.yield
      }) : () -> ()
      %dma_wait3A_60 = arith.constant 0 : i32
      %dma_wait3A_61 = arith.constant 0 : i32
      %dma_wait3A_62 = tpu.memref_slice %arg2[%dma_wait3A_60, %dma_wait3A_61] : memref<100352x64xf32, #tpu.memory_space<hbm>> -> memref<100352x64xf32, #tpu.memory_space<hbm>>
      tpu.wait_indirect_dma semaphore(%arg19 : memref<!tpu.dma_semaphore, #tpu.memory_space<semaphore_mem>>) src(%dma_wait3A_62 : memref<100352x64xf32, #tpu.memory_space<hbm>>) dst(%arg15 : memref<112x64xf32, #tpu.memory_space<vmem>>)
      %add3A_63 = arith.constant 336 : i32
      %add3A_64 = arith.addi %add3A_11, %add3A_63 : i32
      "tpu.region"() ({
        %run_scoped3A = tpu.sem_alloc : memref<!tpu.dma_semaphore, #tpu.memory_space<semaphore_mem>>
        %dma_start3A_80 = arith.constant 0 : i32
        %dma_start3A_81 = tpu.memref_slice %arg4[%add3A_64, %dma_start3A_80] : memref<250880x64xf32, #tpu.memory_space<hbm>> -> memref<112x64xf32, #tpu.memory_space<hbm>>
        %dma_start3A_82 = arith.constant 0 : i32
        %dma_start3A_83 = tpu.memref_slice %arg4[%add3A_64, %dma_start3A_82] : memref<250880x64xf32, #tpu.memory_space<hbm>> -> memref<112x64xf32, #tpu.memory_space<hbm>>
        tpu.enqueue_dma source(%arg15 : memref<112x64xf32, #tpu.memory_space<vmem>>) target(%dma_start3A_83 : memref<112x64xf32, #tpu.memory_space<hbm>>) target_semaphore(%run_scoped3A : memref<!tpu.dma_semaphore, #tpu.memory_space<semaphore_mem>>)
        %dma_wait3A_84 = arith.constant 0 : i32
        %dma_wait3A_85 = tpu.memref_slice %arg4[%add3A_64, %dma_wait3A_84] : memref<250880x64xf32, #tpu.memory_space<hbm>> -> memref<112x64xf32, #tpu.memory_space<hbm>>
        %dma_wait3A_86 = arith.constant 0 : i32
        %dma_wait3A_87 = tpu.memref_slice %arg4[%add3A_64, %dma_wait3A_86] : memref<250880x64xf32, #tpu.memory_space<hbm>> -> memref<112x64xf32, #tpu.memory_space<hbm>>
        tpu.wait_dma2 semaphore(%run_scoped3A : memref<!tpu.dma_semaphore, #tpu.memory_space<semaphore_mem>>) src(%arg15 : memref<112x64xf32, #tpu.memory_space<vmem>>) dst(%dma_wait3A_87 : memref<112x64xf32, #tpu.memory_space<hbm>>)
        tpu.yield
      }) : () -> ()
      %dma_wait3A_65 = arith.constant 0 : i32
      %dma_wait3A_66 = arith.constant 0 : i32
      %dma_wait3A_67 = tpu.memref_slice %arg2[%dma_wait3A_65, %dma_wait3A_66] : memref<100352x64xf32, #tpu.memory_space<hbm>> -> memref<100352x64xf32, #tpu.memory_space<hbm>>
      tpu.wait_indirect_dma semaphore(%arg19 : memref<!tpu.dma_semaphore, #tpu.memory_space<semaphore_mem>>) src(%dma_wait3A_67 : memref<100352x64xf32, #tpu.memory_space<hbm>>) dst(%arg16 : memref<112x64xf32, #tpu.memory_space<vmem>>)
      %add3A_68 = arith.constant 448 : i32
      %add3A_69 = arith.addi %add3A_11, %add3A_68 : i32
      "tpu.region"() ({
        %run_scoped3A = tpu.sem_alloc : memref<!tpu.dma_semaphore, #tpu.memory_space<semaphore_mem>>
        %dma_start3A_80 = arith.constant 0 : i32
        %dma_start3A_81 = tpu.memref_slice %arg4[%add3A_69, %dma_start3A_80] : memref<250880x64xf32, #tpu.memory_space<hbm>> -> memref<112x64xf32, #tpu.memory_space<hbm>>
        %dma_start3A_82 = arith.constant 0 : i32
        %dma_start3A_83 = tpu.memref_slice %arg4[%add3A_69, %dma_start3A_82] : memref<250880x64xf32, #tpu.memory_space<hbm>> -> memref<112x64xf32, #tpu.memory_space<hbm>>
        tpu.enqueue_dma source(%arg16 : memref<112x64xf32, #tpu.memory_space<vmem>>) target(%dma_start3A_83 : memref<112x64xf32, #tpu.memory_space<hbm>>) target_semaphore(%run_scoped3A : memref<!tpu.dma_semaphore, #tpu.memory_space<semaphore_mem>>)
        %dma_wait3A_84 = arith.constant 0 : i32
        %dma_wait3A_85 = tpu.memref_slice %arg4[%add3A_69, %dma_wait3A_84] : memref<250880x64xf32, #tpu.memory_space<hbm>> -> memref<112x64xf32, #tpu.memory_space<hbm>>
        %dma_wait3A_86 = arith.constant 0 : i32
        %dma_wait3A_87 = tpu.memref_slice %arg4[%add3A_69, %dma_wait3A_86] : memref<250880x64xf32, #tpu.memory_space<hbm>> -> memref<112x64xf32, #tpu.memory_space<hbm>>
        tpu.wait_dma2 semaphore(%run_scoped3A : memref<!tpu.dma_semaphore, #tpu.memory_space<semaphore_mem>>) src(%arg16 : memref<112x64xf32, #tpu.memory_space<vmem>>) dst(%dma_wait3A_87 : memref<112x64xf32, #tpu.memory_space<hbm>>)
        tpu.yield
      }) : () -> ()
      %dma_wait3A_70 = arith.constant 0 : i32
      %dma_wait3A_71 = arith.constant 0 : i32
      %dma_wait3A_72 = tpu.memref_slice %arg2[%dma_wait3A_70, %dma_wait3A_71] : memref<100352x64xf32, #tpu.memory_space<hbm>> -> memref<100352x64xf32, #tpu.memory_space<hbm>>
      tpu.wait_indirect_dma semaphore(%arg19 : memref<!tpu.dma_semaphore, #tpu.memory_space<semaphore_mem>>) src(%dma_wait3A_72 : memref<100352x64xf32, #tpu.memory_space<hbm>>) dst(%arg17 : memref<112x64xf32, #tpu.memory_space<vmem>>)
      %add3A_73 = arith.constant 560 : i32
      %add3A_74 = arith.addi %add3A_11, %add3A_73 : i32
      "tpu.region"() ({
        %run_scoped3A = tpu.sem_alloc : memref<!tpu.dma_semaphore, #tpu.memory_space<semaphore_mem>>
        %dma_start3A_80 = arith.constant 0 : i32
        %dma_start3A_81 = tpu.memref_slice %arg4[%add3A_74, %dma_start3A_80] : memref<250880x64xf32, #tpu.memory_space<hbm>> -> memref<112x64xf32, #tpu.memory_space<hbm>>
        %dma_start3A_82 = arith.constant 0 : i32
        %dma_start3A_83 = tpu.memref_slice %arg4[%add3A_74, %dma_start3A_82] : memref<250880x64xf32, #tpu.memory_space<hbm>> -> memref<112x64xf32, #tpu.memory_space<hbm>>
        tpu.enqueue_dma source(%arg17 : memref<112x64xf32, #tpu.memory_space<vmem>>) target(%dma_start3A_83 : memref<112x64xf32, #tpu.memory_space<hbm>>) target_semaphore(%run_scoped3A : memref<!tpu.dma_semaphore, #tpu.memory_space<semaphore_mem>>)
        %dma_wait3A_84 = arith.constant 0 : i32
        %dma_wait3A_85 = tpu.memref_slice %arg4[%add3A_74, %dma_wait3A_84] : memref<250880x64xf32, #tpu.memory_space<hbm>> -> memref<112x64xf32, #tpu.memory_space<hbm>>
        %dma_wait3A_86 = arith.constant 0 : i32
        %dma_wait3A_87 = tpu.memref_slice %arg4[%add3A_74, %dma_wait3A_86] : memref<250880x64xf32, #tpu.memory_space<hbm>> -> memref<112x64xf32, #tpu.memory_space<hbm>>
        tpu.wait_dma2 semaphore(%run_scoped3A : memref<!tpu.dma_semaphore, #tpu.memory_space<semaphore_mem>>) src(%arg17 : memref<112x64xf32, #tpu.memory_space<vmem>>) dst(%dma_wait3A_87 : memref<112x64xf32, #tpu.memory_space<hbm>>)
        tpu.yield
      }) : () -> ()
      %dma_wait3A_75 = arith.constant 0 : i32
      %dma_wait3A_76 = arith.constant 0 : i32
      %dma_wait3A_77 = tpu.memref_slice %arg2[%dma_wait3A_75, %dma_wait3A_76] : memref<100352x64xf32, #tpu.memory_space<hbm>> -> memref<100352x64xf32, #tpu.memory_space<hbm>>
      tpu.wait_indirect_dma semaphore(%arg19 : memref<!tpu.dma_semaphore, #tpu.memory_space<semaphore_mem>>) src(%dma_wait3A_77 : memref<100352x64xf32, #tpu.memory_space<hbm>>) dst(%arg18 : memref<112x64xf32, #tpu.memory_space<vmem>>)
      %add3A_78 = arith.constant 672 : i32
      %add3A_79 = arith.addi %add3A_11, %add3A_78 : i32
      "tpu.region"() ({
        %run_scoped3A = tpu.sem_alloc : memref<!tpu.dma_semaphore, #tpu.memory_space<semaphore_mem>>
        %dma_start3A_80 = arith.constant 0 : i32
        %dma_start3A_81 = tpu.memref_slice %arg4[%add3A_79, %dma_start3A_80] : memref<250880x64xf32, #tpu.memory_space<hbm>> -> memref<112x64xf32, #tpu.memory_space<hbm>>
        %dma_start3A_82 = arith.constant 0 : i32
        %dma_start3A_83 = tpu.memref_slice %arg4[%add3A_79, %dma_start3A_82] : memref<250880x64xf32, #tpu.memory_space<hbm>> -> memref<112x64xf32, #tpu.memory_space<hbm>>
        tpu.enqueue_dma source(%arg18 : memref<112x64xf32, #tpu.memory_space<vmem>>) target(%dma_start3A_83 : memref<112x64xf32, #tpu.memory_space<hbm>>) target_semaphore(%run_scoped3A : memref<!tpu.dma_semaphore, #tpu.memory_space<semaphore_mem>>)
        %dma_wait3A_84 = arith.constant 0 : i32
        %dma_wait3A_85 = tpu.memref_slice %arg4[%add3A_79, %dma_wait3A_84] : memref<250880x64xf32, #tpu.memory_space<hbm>> -> memref<112x64xf32, #tpu.memory_space<hbm>>
        %dma_wait3A_86 = arith.constant 0 : i32
        %dma_wait3A_87 = tpu.memref_slice %arg4[%add3A_79, %dma_wait3A_86] : memref<250880x64xf32, #tpu.memory_space<hbm>> -> memref<112x64xf32, #tpu.memory_space<hbm>>
        tpu.wait_dma2 semaphore(%run_scoped3A : memref<!tpu.dma_semaphore, #tpu.memory_space<semaphore_mem>>) src(%arg18 : memref<112x64xf32, #tpu.memory_space<vmem>>) dst(%dma_wait3A_87 : memref<112x64xf32, #tpu.memory_space<hbm>>)
        tpu.yield
      }) : () -> ()
    }
    %scan3A_7 = arith.constant 10 : i32
    return
  }
}

module attributes {stable_mosaic.version = 14 : i64} {
  func.func @_attn_body(%arg0: i32, %arg1: memref<1152x64xf32, #tpu.memory_space<vmem>>, %arg2: memref<128x64xf32, #tpu.memory_space<vmem>>, %arg3: memref<128x64xf32, #tpu.memory_space<vmem>>, %arg4: memref<1152x3xf32, #tpu.memory_space<vmem>>, %arg5: memref<64x65xf32, #tpu.memory_space<vmem>>, %arg6: memref<64x65xf32, #tpu.memory_space<vmem>>, %arg7: memref<64x65xf32, #tpu.memory_space<vmem>>, %arg8: memref<3x65xf32, #tpu.memory_space<vmem>>, %arg9: memref<1x65xf32, #tpu.memory_space<vmem>>, %arg10: memref<65x1xf32, #tpu.memory_space<vmem>>, %arg11: memref<64x65xf32, #tpu.memory_space<vmem>>, %arg12: memref<64x65xf32, #tpu.memory_space<vmem>>, %arg13: memref<64x65xf32, #tpu.memory_space<vmem>>, %arg14: memref<3x65xf32, #tpu.memory_space<vmem>>, %arg15: memref<1x65xf32, #tpu.memory_space<vmem>>, %arg16: memref<65x1xf32, #tpu.memory_space<vmem>>, %arg17: memref<1x64xf32, #tpu.memory_space<vmem>>, %arg18: memref<1x64xf32, #tpu.memory_space<vmem>>, %arg19: memref<128x64xf32, #tpu.memory_space<vmem>>, %arg20: memref<128x64xf32, #tpu.memory_space<vmem>>) attributes {dimension_semantics = [#tpu.dimension_semantics<arbitrary>], iteration_bounds = array<i64: 196>, scalar_prefetch = 0 : i64, scratch_operands = 0 : i64, tpu.core_type = #tpu.core_type<tc>, window_params = [{transform_indices = @transform_0, window_bounds = array<i64: 1152, 64>}, {transform_indices = @transform_1, window_bounds = array<i64: 128, 64>}, {transform_indices = @transform_2, window_bounds = array<i64: 128, 64>}, {transform_indices = @transform_3, window_bounds = array<i64: 1152, 3>}, {pipeline_mode = #tpu.pipeline_mode<synchronous>, transform_indices = @transform_4, window_bounds = array<i64: 64, 65>}, {pipeline_mode = #tpu.pipeline_mode<synchronous>, transform_indices = @transform_5, window_bounds = array<i64: 64, 65>}, {pipeline_mode = #tpu.pipeline_mode<synchronous>, transform_indices = @transform_6, window_bounds = array<i64: 64, 65>}, {pipeline_mode = #tpu.pipeline_mode<synchronous>, transform_indices = @transform_7, window_bounds = array<i64: 3, 65>}, {pipeline_mode = #tpu.pipeline_mode<synchronous>, transform_indices = @transform_8, window_bounds = array<i64: 1, 65>}, {pipeline_mode = #tpu.pipeline_mode<synchronous>, transform_indices = @transform_9, window_bounds = array<i64: 65, 1>}, {pipeline_mode = #tpu.pipeline_mode<synchronous>, transform_indices = @transform_10, window_bounds = array<i64: 64, 65>}, {pipeline_mode = #tpu.pipeline_mode<synchronous>, transform_indices = @transform_11, window_bounds = array<i64: 64, 65>}, {pipeline_mode = #tpu.pipeline_mode<synchronous>, transform_indices = @transform_12, window_bounds = array<i64: 64, 65>}, {pipeline_mode = #tpu.pipeline_mode<synchronous>, transform_indices = @transform_13, window_bounds = array<i64: 3, 65>}, {pipeline_mode = #tpu.pipeline_mode<synchronous>, transform_indices = @transform_14, window_bounds = array<i64: 1, 65>}, {pipeline_mode = #tpu.pipeline_mode<synchronous>, transform_indices = @transform_15, window_bounds = array<i64: 65, 1>}, {pipeline_mode = #tpu.pipeline_mode<synchronous>, transform_indices = @transform_16, window_bounds = array<i64: 1, 64>}, {pipeline_mode = #tpu.pipeline_mode<synchronous>, transform_indices = @transform_17, window_bounds = array<i64: 1, 64>}, {transform_indices = @transform_18, window_bounds = array<i64: 128, 64>}, {transform_indices = @transform_19, window_bounds = array<i64: 128, 64>}]} {
    %get3A = arith.constant 0 : index
    %get3A_0 = arith.constant 0 : index
    %get3A_1 = vector.load %arg1[%get3A, %get3A_0] : memref<1152x64xf32, #tpu.memory_space<vmem>>, vector<1152x64xf32>
    %get3A_2 = arith.constant 0 : index
    %get3A_3 = arith.constant 0 : index
    %get3A_4 = vector.load %arg2[%get3A_2, %get3A_3] : memref<128x64xf32, #tpu.memory_space<vmem>>, vector<128x64xf32>
    %get3A_5 = arith.constant 0 : index
    %get3A_6 = arith.constant 0 : index
    %get3A_7 = vector.load %arg3[%get3A_5, %get3A_6] : memref<128x64xf32, #tpu.memory_space<vmem>>, vector<128x64xf32>
    %get3A_8 = arith.constant 0 : index
    %get3A_9 = arith.constant 0 : index
    %get3A_10 = vector.load %arg4[%get3A_8, %get3A_9] : memref<1152x3xf32, #tpu.memory_space<vmem>>, vector<1152x3xf32>
    %reshape3A = vector.shape_cast %get3A_1 : vector<1152x64xf32> to vector<128x9x64xf32>
    %iota3A = tpu.iota {dimensions = array<i32: 1>} : vector<1x64xi32>
    %gt3A = arith.constant 0 : i32
    %gt3A_11 = vector.broadcast %gt3A : i32 to vector<1x64xi32>
    %gt3A_12 = arith.cmpi sgt, %iota3A, %gt3A_11 : vector<1x64xi32>
    %get3A_13 = arith.constant 0 : index
    %get3A_14 = arith.constant 0 : index
    %get3A_15 = vector.load %arg5[%get3A_13, %get3A_14] : memref<64x65xf32, #tpu.memory_space<vmem>>, vector<64x65xf32>
    %dot_general3A = arith.constant dense<0.000000e+00> : vector<1152x65xf32>
    %dot_general3A_16 = tpu.matmul %get3A_1, %get3A_15, %dot_general3A {dimension_numbers = #tpu.dot_dimension_numbers<[1], [0], [0], [1], [0, 0, 1, 1], [], []>, transpose_lhs_hint = false} : vector<1152x64xf32>, vector<64x65xf32>, vector<1152x65xf32> -> vector<1152x65xf32>
    %get3A_17 = arith.constant 0 : index
    %get3A_18 = arith.constant 0 : index
    %get3A_19 = vector.load %arg8[%get3A_17, %get3A_18] : memref<3x65xf32, #tpu.memory_space<vmem>>, vector<3x65xf32>
    %dot_general3A_20 = arith.constant dense<0.000000e+00> : vector<1152x65xf32>
    %dot_general3A_21 = tpu.matmul %get3A_10, %get3A_19, %dot_general3A_20 {dimension_numbers = #tpu.dot_dimension_numbers<[1], [0], [0], [1], [0, 0, 1, 1], [], []>, transpose_lhs_hint = false} : vector<1152x3xf32>, vector<3x65xf32>, vector<1152x65xf32> -> vector<1152x65xf32>
    %add3A = arith.addf %dot_general3A_16, %dot_general3A_21 : vector<1152x65xf32>
    %get3A_22 = arith.constant 0 : index
    %get3A_23 = arith.constant 0 : index
    %get3A_24 = vector.load %arg6[%get3A_22, %get3A_23] : memref<64x65xf32, #tpu.memory_space<vmem>>, vector<64x65xf32>
    %dot_general3A_25 = arith.constant dense<0.000000e+00> : vector<128x65xf32>
    %dot_general3A_26 = tpu.matmul %get3A_4, %get3A_24, %dot_general3A_25 {dimension_numbers = #tpu.dot_dimension_numbers<[1], [0], [0], [1], [0, 0, 1, 1], [], []>, transpose_lhs_hint = false} : vector<128x64xf32>, vector<64x65xf32>, vector<128x65xf32> -> vector<128x65xf32>
    %get3A_27 = arith.constant 0 : index
    %get3A_28 = arith.constant 0 : index
    %get3A_29 = vector.load %arg7[%get3A_27, %get3A_28] : memref<64x65xf32, #tpu.memory_space<vmem>>, vector<64x65xf32>
    %dot_general3A_30 = arith.constant dense<0.000000e+00> : vector<128x65xf32>
    %dot_general3A_31 = tpu.matmul %get3A_7, %get3A_29, %dot_general3A_30 {dimension_numbers = #tpu.dot_dimension_numbers<[1], [0], [0], [1], [0, 0, 1, 1], [], []>, transpose_lhs_hint = false} : vector<128x64xf32>, vector<64x65xf32>, vector<128x65xf32> -> vector<128x65xf32>
    %add3A_32 = arith.addf %dot_general3A_26, %dot_general3A_31 : vector<128x65xf32>
    %get3A_33 = arith.constant 0 : index
    %get3A_34 = arith.constant 0 : index
    %get3A_35 = vector.load %arg9[%get3A_33, %get3A_34] : memref<1x65xf32, #tpu.memory_space<vmem>>, vector<1x65xf32>
    %sub3A = vector.broadcast %get3A_35 : vector<1x65xf32> to vector<128x65xf32>
    %sub3A_36 = arith.subf %add3A_32, %sub3A : vector<128x65xf32>
    %reshape3A_37 = vector.shape_cast %sub3A_36 : vector<128x65xf32> to vector<128x1x65xf32>
    %broadcast_in_dim3A = vector.shape_cast %reshape3A_37 : vector<128x1x65xf32> to vector<128x1x65xf32>
    %broadcast_in_dim3A_38 = vector.broadcast %broadcast_in_dim3A : vector<128x1x65xf32> to vector<128x9x65xf32>
    %reshape3A_39 = vector.shape_cast %broadcast_in_dim3A_38 : vector<128x9x65xf32> to vector<1152x65xf32>
    %sub3A_40 = arith.subf %add3A, %reshape3A_39 : vector<1152x65xf32>
    %ge3A = arith.constant 0.000000e+00 : f32
    %ge3A_41 = vector.broadcast %ge3A : f32 to vector<1152x65xf32>
    %ge3A_42 = arith.cmpf oge, %sub3A_40, %ge3A_41 : vector<1152x65xf32>
    %mul3A = arith.constant 2.000000e-01 : f32
    %mul3A_43 = vector.broadcast %mul3A : f32 to vector<1152x65xf32>
    %mul3A_44 = arith.mulf %mul3A_43, %sub3A_40 : vector<1152x65xf32>
    %select_n3A = arith.select %ge3A_42, %sub3A_40, %mul3A_44 : vector<1152x65xi1>, vector<1152x65xf32>
    %get3A_45 = arith.constant 0 : index
    %get3A_46 = arith.constant 0 : index
    %get3A_47 = vector.load %arg10[%get3A_45, %get3A_46] : memref<65x1xf32, #tpu.memory_space<vmem>>, vector<65x1xf32>
    %dot_general3A_48 = arith.constant dense<0.000000e+00> : vector<1152x1xf32>
    %dot_general3A_49 = tpu.matmul %select_n3A, %get3A_47, %dot_general3A_48 {dimension_numbers = #tpu.dot_dimension_numbers<[1], [0], [0], [1], [0, 0, 1, 1], [], []>, transpose_lhs_hint = false} : vector<1152x65xf32>, vector<65x1xf32>, vector<1152x1xf32> -> vector<1152x1xf32>
    %reshape3A_50 = vector.shape_cast %dot_general3A_49 : vector<1152x1xf32> to vector<128x9xf32>
    %reduce_max3A = arith.constant dense<0xFF800000> : vector<128xf32>
    %reduce_max3A_51 = vector.multi_reduction <maximumf>, %reshape3A_50, %reduce_max3A [1] : vector<128x9xf32> to vector<128xf32>
    %broadcast_in_dim3A_52 = vector.shape_cast %reduce_max3A_51 : vector<128xf32> to vector<128x1xf32>
    %sub3A_53 = vector.broadcast %broadcast_in_dim3A_52 : vector<128x1xf32> to vector<128x9xf32>
    %sub3A_54 = arith.subf %reshape3A_50, %sub3A_53 : vector<128x9xf32>
    %exp3A = math.exp %sub3A_54 : vector<128x9xf32>
    %reduce_sum3A = arith.constant dense<0.000000e+00> : vector<128xf32>
    %reduce_sum3A_55 = vector.multi_reduction <add>, %exp3A, %reduce_sum3A [1] : vector<128x9xf32> to vector<128xf32>
    %broadcast_in_dim3A_56 = vector.shape_cast %reduce_sum3A_55 : vector<128xf32> to vector<128x1xf32>
    %div3A = vector.broadcast %broadcast_in_dim3A_56 : vector<128x1xf32> to vector<128x9xf32>
    %div3A_57 = arith.divf %exp3A, %div3A : vector<128x9xf32>
    %broadcast_in_dim3A_58 = arith.constant 0.000000e+00 : f32
    %broadcast_in_dim3A_59 = vector.broadcast %broadcast_in_dim3A_58 : f32 to vector<128x64xf32>
    %slice3A = vector.extract_strided_slice %div3A_57 {offsets = [0, 0], sizes = [128, 1], strides = [1, 1]} : vector<128x9xf32> to vector<128x1xf32>
    %slice3A_60 = vector.extract_strided_slice %reshape3A {offsets = [0, 0, 0], sizes = [128, 1, 64], strides = [1, 1, 1]} : vector<128x9x64xf32> to vector<128x1x64xf32>
    %squeeze3A = vector.shape_cast %slice3A_60 : vector<128x1x64xf32> to vector<128x64xf32>
    %mul3A_61 = vector.broadcast %slice3A : vector<128x1xf32> to vector<128x64xf32>
    %mul3A_62 = arith.mulf %mul3A_61, %squeeze3A : vector<128x64xf32>
    %add3A_63 = arith.addf %broadcast_in_dim3A_59, %mul3A_62 : vector<128x64xf32>
    %slice3A_64 = vector.extract_strided_slice %div3A_57 {offsets = [0, 1], sizes = [128, 1], strides = [1, 1]} : vector<128x9xf32> to vector<128x1xf32>
    %slice3A_65 = vector.extract_strided_slice %reshape3A {offsets = [0, 1, 0], sizes = [128, 1, 64], strides = [1, 1, 1]} : vector<128x9x64xf32> to vector<128x1x64xf32>
    %squeeze3A_66 = vector.shape_cast %slice3A_65 : vector<128x1x64xf32> to vector<128x64xf32>
    %mul3A_67 = vector.broadcast %slice3A_64 : vector<128x1xf32> to vector<128x64xf32>
    %mul3A_68 = arith.mulf %mul3A_67, %squeeze3A_66 : vector<128x64xf32>
    %add3A_69 = arith.addf %add3A_63, %mul3A_68 : vector<128x64xf32>
    %slice3A_70 = vector.extract_strided_slice %div3A_57 {offsets = [0, 2], sizes = [128, 1], strides = [1, 1]} : vector<128x9xf32> to vector<128x1xf32>
    %slice3A_71 = vector.extract_strided_slice %reshape3A {offsets = [0, 2, 0], sizes = [128, 1, 64], strides = [1, 1, 1]} : vector<128x9x64xf32> to vector<128x1x64xf32>
    %squeeze3A_72 = vector.shape_cast %slice3A_71 : vector<128x1x64xf32> to vector<128x64xf32>
    %mul3A_73 = vector.broadcast %slice3A_70 : vector<128x1xf32> to vector<128x64xf32>
    %mul3A_74 = arith.mulf %mul3A_73, %squeeze3A_72 : vector<128x64xf32>
    %add3A_75 = arith.addf %add3A_69, %mul3A_74 : vector<128x64xf32>
    %slice3A_76 = vector.extract_strided_slice %div3A_57 {offsets = [0, 3], sizes = [128, 1], strides = [1, 1]} : vector<128x9xf32> to vector<128x1xf32>
    %slice3A_77 = vector.extract_strided_slice %reshape3A {offsets = [0, 3, 0], sizes = [128, 1, 64], strides = [1, 1, 1]} : vector<128x9x64xf32> to vector<128x1x64xf32>
    %squeeze3A_78 = vector.shape_cast %slice3A_77 : vector<128x1x64xf32> to vector<128x64xf32>
    %mul3A_79 = vector.broadcast %slice3A_76 : vector<128x1xf32> to vector<128x64xf32>
    %mul3A_80 = arith.mulf %mul3A_79, %squeeze3A_78 : vector<128x64xf32>
    %add3A_81 = arith.addf %add3A_75, %mul3A_80 : vector<128x64xf32>
    %slice3A_82 = vector.extract_strided_slice %div3A_57 {offsets = [0, 4], sizes = [128, 1], strides = [1, 1]} : vector<128x9xf32> to vector<128x1xf32>
    %slice3A_83 = vector.extract_strided_slice %reshape3A {offsets = [0, 4, 0], sizes = [128, 1, 64], strides = [1, 1, 1]} : vector<128x9x64xf32> to vector<128x1x64xf32>
    %squeeze3A_84 = vector.shape_cast %slice3A_83 : vector<128x1x64xf32> to vector<128x64xf32>
    %mul3A_85 = vector.broadcast %slice3A_82 : vector<128x1xf32> to vector<128x64xf32>
    %mul3A_86 = arith.mulf %mul3A_85, %squeeze3A_84 : vector<128x64xf32>
    %add3A_87 = arith.addf %add3A_81, %mul3A_86 : vector<128x64xf32>
    %slice3A_88 = vector.extract_strided_slice %div3A_57 {offsets = [0, 5], sizes = [128, 1], strides = [1, 1]} : vector<128x9xf32> to vector<128x1xf32>
    %slice3A_89 = vector.extract_strided_slice %reshape3A {offsets = [0, 5, 0], sizes = [128, 1, 64], strides = [1, 1, 1]} : vector<128x9x64xf32> to vector<128x1x64xf32>
    %squeeze3A_90 = vector.shape_cast %slice3A_89 : vector<128x1x64xf32> to vector<128x64xf32>
    %mul3A_91 = vector.broadcast %slice3A_88 : vector<128x1xf32> to vector<128x64xf32>
    %mul3A_92 = arith.mulf %mul3A_91, %squeeze3A_90 : vector<128x64xf32>
    %add3A_93 = arith.addf %add3A_87, %mul3A_92 : vector<128x64xf32>
    %slice3A_94 = vector.extract_strided_slice %div3A_57 {offsets = [0, 6], sizes = [128, 1], strides = [1, 1]} : vector<128x9xf32> to vector<128x1xf32>
    %slice3A_95 = vector.extract_strided_slice %reshape3A {offsets = [0, 6, 0], sizes = [128, 1, 64], strides = [1, 1, 1]} : vector<128x9x64xf32> to vector<128x1x64xf32>
    %squeeze3A_96 = vector.shape_cast %slice3A_95 : vector<128x1x64xf32> to vector<128x64xf32>
    %mul3A_97 = vector.broadcast %slice3A_94 : vector<128x1xf32> to vector<128x64xf32>
    %mul3A_98 = arith.mulf %mul3A_97, %squeeze3A_96 : vector<128x64xf32>
    %add3A_99 = arith.addf %add3A_93, %mul3A_98 : vector<128x64xf32>
    %slice3A_100 = vector.extract_strided_slice %div3A_57 {offsets = [0, 7], sizes = [128, 1], strides = [1, 1]} : vector<128x9xf32> to vector<128x1xf32>
    %slice3A_101 = vector.extract_strided_slice %reshape3A {offsets = [0, 7, 0], sizes = [128, 1, 64], strides = [1, 1, 1]} : vector<128x9x64xf32> to vector<128x1x64xf32>
    %squeeze3A_102 = vector.shape_cast %slice3A_101 : vector<128x1x64xf32> to vector<128x64xf32>
    %mul3A_103 = vector.broadcast %slice3A_100 : vector<128x1xf32> to vector<128x64xf32>
    %mul3A_104 = arith.mulf %mul3A_103, %squeeze3A_102 : vector<128x64xf32>
    %add3A_105 = arith.addf %add3A_99, %mul3A_104 : vector<128x64xf32>
    %slice3A_106 = vector.extract_strided_slice %div3A_57 {offsets = [0, 8], sizes = [128, 1], strides = [1, 1]} : vector<128x9xf32> to vector<128x1xf32>
    %slice3A_107 = vector.extract_strided_slice %reshape3A {offsets = [0, 8, 0], sizes = [128, 1, 64], strides = [1, 1, 1]} : vector<128x9x64xf32> to vector<128x1x64xf32>
    %squeeze3A_108 = vector.shape_cast %slice3A_107 : vector<128x1x64xf32> to vector<128x64xf32>
    %mul3A_109 = vector.broadcast %slice3A_106 : vector<128x1xf32> to vector<128x64xf32>
    %mul3A_110 = arith.mulf %mul3A_109, %squeeze3A_108 : vector<128x64xf32>
    %add3A_111 = arith.addf %add3A_105, %mul3A_110 : vector<128x64xf32>
    %get3A_112 = arith.constant 0 : index
    %get3A_113 = arith.constant 0 : index
    %get3A_114 = vector.load %arg17[%get3A_112, %get3A_113] : memref<1x64xf32, #tpu.memory_space<vmem>>, vector<1x64xf32>
    %add3A_115 = vector.broadcast %get3A_114 : vector<1x64xf32> to vector<128x64xf32>
    %add3A_116 = arith.addf %add3A_111, %add3A_115 : vector<128x64xf32>
    %jit3A = arith.constant 0.000000e+00 : f32
    %broadcast_in_dim3A_117 = vector.shape_cast %gt3A_12 : vector<1x64xi1> to vector<1x64xi1>
    %broadcast_in_dim3A_118 = vector.broadcast %broadcast_in_dim3A_117 : vector<1x64xi1> to vector<128x64xi1>
    %broadcast_in_dim3A_119 = vector.broadcast %jit3A : f32 to vector<128x64xf32>
    %select_n3A_120 = arith.select %broadcast_in_dim3A_118, %get3A_4, %broadcast_in_dim3A_119 : vector<128x64xi1>, vector<128x64xf32>
    %add3A_121 = arith.addf %add3A_116, %select_n3A_120 : vector<128x64xf32>
    %swap3A = arith.constant 0 : index
    %swap3A_122 = arith.constant 0 : index
    %swap3A_123 = vector.load %arg19[%swap3A, %swap3A_122] : memref<128x64xf32, #tpu.memory_space<vmem>>, vector<128x64xf32>
    tpu.vector_store %arg19[%swap3A, %swap3A_122], %add3A_121 {strides = array<i32>} : memref<128x64xf32, #tpu.memory_space<vmem>>, vector<128x64xf32>,
    %get3A_124 = arith.constant 0 : index
    %get3A_125 = arith.constant 0 : index
    %get3A_126 = vector.load %arg11[%get3A_124, %get3A_125] : memref<64x65xf32, #tpu.memory_space<vmem>>, vector<64x65xf32>
    %dot_general3A_127 = arith.constant dense<0.000000e+00> : vector<1152x65xf32>
    %dot_general3A_128 = tpu.matmul %get3A_1, %get3A_126, %dot_general3A_127 {dimension_numbers = #tpu.dot_dimension_numbers<[1], [0], [0], [1], [0, 0, 1, 1], [], []>, transpose_lhs_hint = false} : vector<1152x64xf32>, vector<64x65xf32>, vector<1152x65xf32> -> vector<1152x65xf32>
    %get3A_129 = arith.constant 0 : index
    %get3A_130 = arith.constant 0 : index
    %get3A_131 = vector.load %arg14[%get3A_129, %get3A_130] : memref<3x65xf32, #tpu.memory_space<vmem>>, vector<3x65xf32>
    %dot_general3A_132 = arith.constant dense<0.000000e+00> : vector<1152x65xf32>
    %dot_general3A_133 = tpu.matmul %get3A_10, %get3A_131, %dot_general3A_132 {dimension_numbers = #tpu.dot_dimension_numbers<[1], [0], [0], [1], [0, 0, 1, 1], [], []>, transpose_lhs_hint = false} : vector<1152x3xf32>, vector<3x65xf32>, vector<1152x65xf32> -> vector<1152x65xf32>
    %add3A_134 = arith.addf %dot_general3A_128, %dot_general3A_133 : vector<1152x65xf32>
    %get3A_135 = arith.constant 0 : index
    %get3A_136 = arith.constant 0 : index
    %get3A_137 = vector.load %arg12[%get3A_135, %get3A_136] : memref<64x65xf32, #tpu.memory_space<vmem>>, vector<64x65xf32>
    %dot_general3A_138 = arith.constant dense<0.000000e+00> : vector<128x65xf32>
    %dot_general3A_139 = tpu.matmul %get3A_4, %get3A_137, %dot_general3A_138 {dimension_numbers = #tpu.dot_dimension_numbers<[1], [0], [0], [1], [0, 0, 1, 1], [], []>, transpose_lhs_hint = false} : vector<128x64xf32>, vector<64x65xf32>, vector<128x65xf32> -> vector<128x65xf32>
    %get3A_140 = arith.constant 0 : index
    %get3A_141 = arith.constant 0 : index
    %get3A_142 = vector.load %arg13[%get3A_140, %get3A_141] : memref<64x65xf32, #tpu.memory_space<vmem>>, vector<64x65xf32>
    %dot_general3A_143 = arith.constant dense<0.000000e+00> : vector<128x65xf32>
    %dot_general3A_144 = tpu.matmul %get3A_7, %get3A_142, %dot_general3A_143 {dimension_numbers = #tpu.dot_dimension_numbers<[1], [0], [0], [1], [0, 0, 1, 1], [], []>, transpose_lhs_hint = false} : vector<128x64xf32>, vector<64x65xf32>, vector<128x65xf32> -> vector<128x65xf32>
    %add3A_145 = arith.addf %dot_general3A_139, %dot_general3A_144 : vector<128x65xf32>
    %get3A_146 = arith.constant 0 : index
    %get3A_147 = arith.constant 0 : index
    %get3A_148 = vector.load %arg15[%get3A_146, %get3A_147] : memref<1x65xf32, #tpu.memory_space<vmem>>, vector<1x65xf32>
    %sub3A_149 = vector.broadcast %get3A_148 : vector<1x65xf32> to vector<128x65xf32>
    %sub3A_150 = arith.subf %add3A_145, %sub3A_149 : vector<128x65xf32>
    %reshape3A_151 = vector.shape_cast %sub3A_150 : vector<128x65xf32> to vector<128x1x65xf32>
    %broadcast_in_dim3A_152 = vector.shape_cast %reshape3A_151 : vector<128x1x65xf32> to vector<128x1x65xf32>
    %broadcast_in_dim3A_153 = vector.broadcast %broadcast_in_dim3A_152 : vector<128x1x65xf32> to vector<128x9x65xf32>
    %reshape3A_154 = vector.shape_cast %broadcast_in_dim3A_153 : vector<128x9x65xf32> to vector<1152x65xf32>
    %sub3A_155 = arith.subf %add3A_134, %reshape3A_154 : vector<1152x65xf32>
    %ge3A_156 = arith.constant 0.000000e+00 : f32
    %ge3A_157 = vector.broadcast %ge3A_156 : f32 to vector<1152x65xf32>
    %ge3A_158 = arith.cmpf oge, %sub3A_155, %ge3A_157 : vector<1152x65xf32>
    %mul3A_159 = arith.constant 2.000000e-01 : f32
    %mul3A_160 = vector.broadcast %mul3A_159 : f32 to vector<1152x65xf32>
    %mul3A_161 = arith.mulf %mul3A_160, %sub3A_155 : vector<1152x65xf32>
    %select_n3A_162 = arith.select %ge3A_158, %sub3A_155, %mul3A_161 : vector<1152x65xi1>, vector<1152x65xf32>
    %get3A_163 = arith.constant 0 : index
    %get3A_164 = arith.constant 0 : index
    %get3A_165 = vector.load %arg16[%get3A_163, %get3A_164] : memref<65x1xf32, #tpu.memory_space<vmem>>, vector<65x1xf32>
    %dot_general3A_166 = arith.constant dense<0.000000e+00> : vector<1152x1xf32>
    %dot_general3A_167 = tpu.matmul %select_n3A_162, %get3A_165, %dot_general3A_166 {dimension_numbers = #tpu.dot_dimension_numbers<[1], [0], [0], [1], [0, 0, 1, 1], [], []>, transpose_lhs_hint = false} : vector<1152x65xf32>, vector<65x1xf32>, vector<1152x1xf32> -> vector<1152x1xf32>
    %reshape3A_168 = vector.shape_cast %dot_general3A_167 : vector<1152x1xf32> to vector<128x9xf32>
    %reduce_max3A_169 = arith.constant dense<0xFF800000> : vector<128xf32>
    %reduce_max3A_170 = vector.multi_reduction <maximumf>, %reshape3A_168, %reduce_max3A_169 [1] : vector<128x9xf32> to vector<128xf32>
    %broadcast_in_dim3A_171 = vector.shape_cast %reduce_max3A_170 : vector<128xf32> to vector<128x1xf32>
    %sub3A_172 = vector.broadcast %broadcast_in_dim3A_171 : vector<128x1xf32> to vector<128x9xf32>
    %sub3A_173 = arith.subf %reshape3A_168, %sub3A_172 : vector<128x9xf32>
    %exp3A_174 = math.exp %sub3A_173 : vector<128x9xf32>
    %reduce_sum3A_175 = arith.constant dense<0.000000e+00> : vector<128xf32>
    %reduce_sum3A_176 = vector.multi_reduction <add>, %exp3A_174, %reduce_sum3A_175 [1] : vector<128x9xf32> to vector<128xf32>
    %broadcast_in_dim3A_177 = vector.shape_cast %reduce_sum3A_176 : vector<128xf32> to vector<128x1xf32>
    %div3A_178 = vector.broadcast %broadcast_in_dim3A_177 : vector<128x1xf32> to vector<128x9xf32>
    %div3A_179 = arith.divf %exp3A_174, %div3A_178 : vector<128x9xf32>
    %broadcast_in_dim3A_180 = arith.constant 0.000000e+00 : f32
    %broadcast_in_dim3A_181 = vector.broadcast %broadcast_in_dim3A_180 : f32 to vector<128x64xf32>
    %slice3A_182 = vector.extract_strided_slice %div3A_179 {offsets = [0, 0], sizes = [128, 1], strides = [1, 1]} : vector<128x9xf32> to vector<128x1xf32>
    %slice3A_183 = vector.extract_strided_slice %reshape3A {offsets = [0, 0, 0], sizes = [128, 1, 64], strides = [1, 1, 1]} : vector<128x9x64xf32> to vector<128x1x64xf32>
    %squeeze3A_184 = vector.shape_cast %slice3A_183 : vector<128x1x64xf32> to vector<128x64xf32>
    %mul3A_185 = vector.broadcast %slice3A_182 : vector<128x1xf32> to vector<128x64xf32>
    %mul3A_186 = arith.mulf %mul3A_185, %squeeze3A_184 : vector<128x64xf32>
    %add3A_187 = arith.addf %broadcast_in_dim3A_181, %mul3A_186 : vector<128x64xf32>
    %slice3A_188 = vector.extract_strided_slice %div3A_179 {offsets = [0, 1], sizes = [128, 1], strides = [1, 1]} : vector<128x9xf32> to vector<128x1xf32>
    %slice3A_189 = vector.extract_strided_slice %reshape3A {offsets = [0, 1, 0], sizes = [128, 1, 64], strides = [1, 1, 1]} : vector<128x9x64xf32> to vector<128x1x64xf32>
    %squeeze3A_190 = vector.shape_cast %slice3A_189 : vector<128x1x64xf32> to vector<128x64xf32>
    %mul3A_191 = vector.broadcast %slice3A_188 : vector<128x1xf32> to vector<128x64xf32>
    %mul3A_192 = arith.mulf %mul3A_191, %squeeze3A_190 : vector<128x64xf32>
    %add3A_193 = arith.addf %add3A_187, %mul3A_192 : vector<128x64xf32>
    %slice3A_194 = vector.extract_strided_slice %div3A_179 {offsets = [0, 2], sizes = [128, 1], strides = [1, 1]} : vector<128x9xf32> to vector<128x1xf32>
    %slice3A_195 = vector.extract_strided_slice %reshape3A {offsets = [0, 2, 0], sizes = [128, 1, 64], strides = [1, 1, 1]} : vector<128x9x64xf32> to vector<128x1x64xf32>
    %squeeze3A_196 = vector.shape_cast %slice3A_195 : vector<128x1x64xf32> to vector<128x64xf32>
    %mul3A_197 = vector.broadcast %slice3A_194 : vector<128x1xf32> to vector<128x64xf32>
    %mul3A_198 = arith.mulf %mul3A_197, %squeeze3A_196 : vector<128x64xf32>
    %add3A_199 = arith.addf %add3A_193, %mul3A_198 : vector<128x64xf32>
    %slice3A_200 = vector.extract_strided_slice %div3A_179 {offsets = [0, 3], sizes = [128, 1], strides = [1, 1]} : vector<128x9xf32> to vector<128x1xf32>
    %slice3A_201 = vector.extract_strided_slice %reshape3A {offsets = [0, 3, 0], sizes = [128, 1, 64], strides = [1, 1, 1]} : vector<128x9x64xf32> to vector<128x1x64xf32>
    %squeeze3A_202 = vector.shape_cast %slice3A_201 : vector<128x1x64xf32> to vector<128x64xf32>
    %mul3A_203 = vector.broadcast %slice3A_200 : vector<128x1xf32> to vector<128x64xf32>
    %mul3A_204 = arith.mulf %mul3A_203, %squeeze3A_202 : vector<128x64xf32>
    %add3A_205 = arith.addf %add3A_199, %mul3A_204 : vector<128x64xf32>
    %slice3A_206 = vector.extract_strided_slice %div3A_179 {offsets = [0, 4], sizes = [128, 1], strides = [1, 1]} : vector<128x9xf32> to vector<128x1xf32>
    %slice3A_207 = vector.extract_strided_slice %reshape3A {offsets = [0, 4, 0], sizes = [128, 1, 64], strides = [1, 1, 1]} : vector<128x9x64xf32> to vector<128x1x64xf32>
    %squeeze3A_208 = vector.shape_cast %slice3A_207 : vector<128x1x64xf32> to vector<128x64xf32>
    %mul3A_209 = vector.broadcast %slice3A_206 : vector<128x1xf32> to vector<128x64xf32>
    %mul3A_210 = arith.mulf %mul3A_209, %squeeze3A_208 : vector<128x64xf32>
    %add3A_211 = arith.addf %add3A_205, %mul3A_210 : vector<128x64xf32>
    %slice3A_212 = vector.extract_strided_slice %div3A_179 {offsets = [0, 5], sizes = [128, 1], strides = [1, 1]} : vector<128x9xf32> to vector<128x1xf32>
    %slice3A_213 = vector.extract_strided_slice %reshape3A {offsets = [0, 5, 0], sizes = [128, 1, 64], strides = [1, 1, 1]} : vector<128x9x64xf32> to vector<128x1x64xf32>
    %squeeze3A_214 = vector.shape_cast %slice3A_213 : vector<128x1x64xf32> to vector<128x64xf32>
    %mul3A_215 = vector.broadcast %slice3A_212 : vector<128x1xf32> to vector<128x64xf32>
    %mul3A_216 = arith.mulf %mul3A_215, %squeeze3A_214 : vector<128x64xf32>
    %add3A_217 = arith.addf %add3A_211, %mul3A_216 : vector<128x64xf32>
    %slice3A_218 = vector.extract_strided_slice %div3A_179 {offsets = [0, 6], sizes = [128, 1], strides = [1, 1]} : vector<128x9xf32> to vector<128x1xf32>
    %slice3A_219 = vector.extract_strided_slice %reshape3A {offsets = [0, 6, 0], sizes = [128, 1, 64], strides = [1, 1, 1]} : vector<128x9x64xf32> to vector<128x1x64xf32>
    %squeeze3A_220 = vector.shape_cast %slice3A_219 : vector<128x1x64xf32> to vector<128x64xf32>
    %mul3A_221 = vector.broadcast %slice3A_218 : vector<128x1xf32> to vector<128x64xf32>
    %mul3A_222 = arith.mulf %mul3A_221, %squeeze3A_220 : vector<128x64xf32>
    %add3A_223 = arith.addf %add3A_217, %mul3A_222 : vector<128x64xf32>
    %slice3A_224 = vector.extract_strided_slice %div3A_179 {offsets = [0, 7], sizes = [128, 1], strides = [1, 1]} : vector<128x9xf32> to vector<128x1xf32>
    %slice3A_225 = vector.extract_strided_slice %reshape3A {offsets = [0, 7, 0], sizes = [128, 1, 64], strides = [1, 1, 1]} : vector<128x9x64xf32> to vector<128x1x64xf32>
    %squeeze3A_226 = vector.shape_cast %slice3A_225 : vector<128x1x64xf32> to vector<128x64xf32>
    %mul3A_227 = vector.broadcast %slice3A_224 : vector<128x1xf32> to vector<128x64xf32>
    %mul3A_228 = arith.mulf %mul3A_227, %squeeze3A_226 : vector<128x64xf32>
    %add3A_229 = arith.addf %add3A_223, %mul3A_228 : vector<128x64xf32>
    %slice3A_230 = vector.extract_strided_slice %div3A_179 {offsets = [0, 8], sizes = [128, 1], strides = [1, 1]} : vector<128x9xf32> to vector<128x1xf32>
    %slice3A_231 = vector.extract_strided_slice %reshape3A {offsets = [0, 8, 0], sizes = [128, 1, 64], strides = [1, 1, 1]} : vector<128x9x64xf32> to vector<128x1x64xf32>
    %squeeze3A_232 = vector.shape_cast %slice3A_231 : vector<128x1x64xf32> to vector<128x64xf32>
    %mul3A_233 = vector.broadcast %slice3A_230 : vector<128x1xf32> to vector<128x64xf32>
    %mul3A_234 = arith.mulf %mul3A_233, %squeeze3A_232 : vector<128x64xf32>
    %add3A_235 = arith.addf %add3A_229, %mul3A_234 : vector<128x64xf32>
    %get3A_236 = arith.constant 0 : index
    %get3A_237 = arith.constant 0 : index
    %get3A_238 = vector.load %arg18[%get3A_236, %get3A_237] : memref<1x64xf32, #tpu.memory_space<vmem>>, vector<1x64xf32>
    %add3A_239 = vector.broadcast %get3A_238 : vector<1x64xf32> to vector<128x64xf32>
    %add3A_240 = arith.addf %add3A_235, %add3A_239 : vector<128x64xf32>
    %jit3A_241 = arith.constant 0.000000e+00 : f32
    %broadcast_in_dim3A_242 = vector.shape_cast %gt3A_12 : vector<1x64xi1> to vector<1x64xi1>
    %broadcast_in_dim3A_243 = vector.broadcast %broadcast_in_dim3A_242 : vector<1x64xi1> to vector<128x64xi1>
    %broadcast_in_dim3A_244 = vector.broadcast %jit3A_241 : f32 to vector<128x64xf32>
    %select_n3A_245 = arith.select %broadcast_in_dim3A_243, %get3A_7, %broadcast_in_dim3A_244 : vector<128x64xi1>, vector<128x64xf32>
    %add3A_246 = arith.addf %add3A_240, %select_n3A_245 : vector<128x64xf32>
    %swap3A_247 = arith.constant 0 : index
    %swap3A_248 = arith.constant 0 : index
    %swap3A_249 = vector.load %arg20[%swap3A_247, %swap3A_248] : memref<128x64xf32, #tpu.memory_space<vmem>>, vector<128x64xf32>
    tpu.vector_store %arg20[%swap3A_247, %swap3A_248], %add3A_246 {strides = array<i32>} : memref<128x64xf32, #tpu.memory_space<vmem>>, vector<128x64xf32>,
    return
  }
  func.func @transform_0(%arg0: i32) -> (i32, i32) {
    %c0_i32 = arith.constant 0 : i32
    %c0_i32_0 = arith.constant 0 : i32
    return %arg0, %c0_i32 : i32, i32
  }
  func.func @transform_1(%arg0: i32) -> (i32, i32) {
    %c0_i32 = arith.constant 0 : i32
    %c0_i32_0 = arith.constant 0 : i32
    return %arg0, %c0_i32 : i32, i32
  }
  func.func @transform_2(%arg0: i32) -> (i32, i32) {
    %c0_i32 = arith.constant 0 : i32
    %c0_i32_0 = arith.constant 0 : i32
    return %arg0, %c0_i32 : i32, i32
  }
  func.func @transform_3(%arg0: i32) -> (i32, i32) {
    %c0_i32 = arith.constant 0 : i32
    %c0_i32_0 = arith.constant 0 : i32
    return %arg0, %c0_i32 : i32, i32
  }
  func.func @transform_4(%arg0: i32) -> (i32, i32) {
    %c0_i32 = arith.constant 0 : i32
    %c0_i32_0 = arith.constant 0 : i32
    %c0_i32_1 = arith.constant 0 : i32
    return %c0_i32, %c0_i32_0 : i32, i32
  }
  func.func @transform_5(%arg0: i32) -> (i32, i32) {
    %c0_i32 = arith.constant 0 : i32
    %c0_i32_0 = arith.constant 0 : i32
    %c0_i32_1 = arith.constant 0 : i32
    return %c0_i32, %c0_i32_0 : i32, i32
  }
  func.func @transform_6(%arg0: i32) -> (i32, i32) {
    %c0_i32 = arith.constant 0 : i32
    %c0_i32_0 = arith.constant 0 : i32
    %c0_i32_1 = arith.constant 0 : i32
    return %c0_i32, %c0_i32_0 : i32, i32
  }
  func.func @transform_7(%arg0: i32) -> (i32, i32) {
    %c0_i32 = arith.constant 0 : i32
    %c0_i32_0 = arith.constant 0 : i32
    %c0_i32_1 = arith.constant 0 : i32
    return %c0_i32, %c0_i32_0 : i32, i32
  }
  func.func @transform_8(%arg0: i32) -> (i32, i32) {
    %c0_i32 = arith.constant 0 : i32
    %c0_i32_0 = arith.constant 0 : i32
    %c0_i32_1 = arith.constant 0 : i32
    return %c0_i32, %c0_i32_0 : i32, i32
  }
  func.func @transform_9(%arg0: i32) -> (i32, i32) {
    %c0_i32 = arith.constant 0 : i32
    %c0_i32_0 = arith.constant 0 : i32
    %c0_i32_1 = arith.constant 0 : i32
    return %c0_i32, %c0_i32_0 : i32, i32
  }
  func.func @transform_10(%arg0: i32) -> (i32, i32) {
    %c0_i32 = arith.constant 0 : i32
    %c0_i32_0 = arith.constant 0 : i32
    %c0_i32_1 = arith.constant 0 : i32
    return %c0_i32, %c0_i32_0 : i32, i32
  }
  func.func @transform_11(%arg0: i32) -> (i32, i32) {
    %c0_i32 = arith.constant 0 : i32
    %c0_i32_0 = arith.constant 0 : i32
    %c0_i32_1 = arith.constant 0 : i32
    return %c0_i32, %c0_i32_0 : i32, i32
  }
  func.func @transform_12(%arg0: i32) -> (i32, i32) {
    %c0_i32 = arith.constant 0 : i32
    %c0_i32_0 = arith.constant 0 : i32
    %c0_i32_1 = arith.constant 0 : i32
    return %c0_i32, %c0_i32_0 : i32, i32
  }
  func.func @transform_13(%arg0: i32) -> (i32, i32) {
    %c0_i32 = arith.constant 0 : i32
    %c0_i32_0 = arith.constant 0 : i32
    %c0_i32_1 = arith.constant 0 : i32
    return %c0_i32, %c0_i32_0 : i32, i32
  }
  func.func @transform_14(%arg0: i32) -> (i32, i32) {
    %c0_i32 = arith.constant 0 : i32
    %c0_i32_0 = arith.constant 0 : i32
    %c0_i32_1 = arith.constant 0 : i32
    return %c0_i32, %c0_i32_0 : i32, i32
  }
  func.func @transform_15(%arg0: i32) -> (i32, i32) {
    %c0_i32 = arith.constant 0 : i32
    %c0_i32_0 = arith.constant 0 : i32
    %c0_i32_1 = arith.constant 0 : i32
    return %c0_i32, %c0_i32_0 : i32, i32
  }
  func.func @transform_16(%arg0: i32) -> (i32, i32) {
    %c0_i32 = arith.constant 0 : i32
    %c0_i32_0 = arith.constant 0 : i32
    %c0_i32_1 = arith.constant 0 : i32
    return %c0_i32, %c0_i32_0 : i32, i32
  }
  func.func @transform_17(%arg0: i32) -> (i32, i32) {
    %c0_i32 = arith.constant 0 : i32
    %c0_i32_0 = arith.constant 0 : i32
    %c0_i32_1 = arith.constant 0 : i32
    return %c0_i32, %c0_i32_0 : i32, i32
  }
  func.func @transform_18(%arg0: i32) -> (i32, i32) {
    %c0_i32 = arith.constant 0 : i32
    %c0_i32_0 = arith.constant 0 : i32
    return %arg0, %c0_i32 : i32, i32
  }
  func.func @transform_19(%arg0: i32) -> (i32, i32) {
    %c0_i32 = arith.constant 0 : i32
    %c0_i32_0 = arith.constant 0 : i32
    return %arg0, %c0_i32 : i32, i32
  }
}

</mosaic_0001>

<sc_bundles>
// kernel: kernel.12.cloned.1.call-start
scs
__scs_entry_jumppad:
0x0: {  	(pc) =	sbr.rel $0x88, $3  }
0x1: {  	(tag) =	ssettag $0x0;
	lr =	simm.s32 $0x1  }
0x2: {  	[smem:$0x3F88] =	sst lr;
	_ =	strace $0xD0000000  }
0x3: {  	_ = 	snop  }
0x4: {  	_ = 	snop  }
0x5: {  	_ = 	snop  }
0x6: {  	_ = 	snop  }
0x7: {  	_ = 	snop  }
__scs_overlays_trampoline_lowered:
0x8: {  	[smem:$0x3F97] =	sst s0  }
0x9: {  	[smem:$0x3F98] =	sst s1  }
0xa: {  	[smem:$0x3F99] =	sst s2  }
0xb: {  	[smem:$0x3F9A] =	sst s3  }
0xc: {  	[smem:$0x3F9B] =	sst s4  }
0xd: {  	[smem:$0x3F9C] =	sst s5  }
0xe: {  	[smem:$0x3F9D] =	sst s6  }
0xf: {  	[smem:$0x3F9E] =	sst s7  }
0x10: {  	[smem:$0x3F9F] =	sst s8  }
0x11: {  	[smem:$0x3FA0] =	sst s9;
	s0 =	simm.s32 @!p0 $0x0  }
0x12: {  	s1 =	sld [smem:$0x3F86];
	s0 =	simm.s32 @p0 $0x1  }
0x13: {  	[smem:$0x3FA1] =	sst s0;
	s0 =	simm.s32 @!p1 $0x0  }
0x14: {  	s2 =	sld [smem:$0x3F85];
	s0 =	simm.s32 @p1 $0x1  }
0x15: {  	[smem:$0x3FA2] =	sst s0;
	s0 =	simm.s32 @!p2 $0x0  }
0x16: {  	s3 =	sld [smem:$0x3FDB];
	s0 =	simm.s32 @p2 $0x1  }
0x17: {  	s4 =	simm.s32 $0x1BF5;
	[smem:$0x3FA4] =	sst s0  }
0x18: {  	s0 =	sld [smem:$0x3F87];
	_ =	swait.ge [sflag:s4], $0x0  }
0x19: {  	s7 =	sld [smem:$0x3F88]  }
0x1a: {  	s8 =	sadd.s32 $0xFFFFE003, lr  }
0x1b: {  	s9 =	sadd.s32 $0xFFFFFEF7, lr;
	s5 =	simm.s32 $0xFFFFFFFF;
	p2 =	slt.u32 s8, $0xFFFFF086  }
0x1c: {  	p1 =	slt.u32 s9, $0xF7A;
	s5 =	simm.s32 @!p2 $0x0  }
0x1d: {  	s5 =	simm.s32 @p1 $0x1;
	p0 =	seq.s32 s7, s2  }
0x1e: {  	s7 =	smul.u32 @!p0 $0xF7A, s2;
	p2 =	seq.s32 @!p0 s5, $0x0  }
0x1f: {  	s9 =	smul.u32 $0xF7A, s1;
	s8 =	simm.s32 @!p0 $0x1BF5;
	p2 =	por !p2, p0  }
0x20: {  	[sflag:s8] =	ssyncset.s32 @!p0 $0xFFFFF086;
	s6 =	sadd.s32 @!p0 s3, s7;
	s7 =	simm.s32 @!p0 $0x108  }
0x21: {  	s3 =	sadd.s32 s3, s9;
	s6 =	sadd.s32 @!p0 $0x88, s6;
	s7 =	simm.s32 @p2 $0x1082  }
0x22: {  	[simem:s7], [sflag:s8] =	dma.local @!p0 [hbm:s6], $0xF7A  }
0x23: {  	s9 =	sor.u32 $0xD0000000, s2;
	s6 =	simm.s32 $0x108;
	_ =	swait.ge @!p0 [sflag:s8], $0x0  }
0x24: {  	s3 =	sadd.s32 $0x88, s3;
	s6 =	simm.s32 @!p1 $0x1082;
	[sflag:s4] =	ssyncset.s32 $0xFFFFF086  }
0x25: {  	[simem:s6], [sflag:s4] =	dma.local [hbm:s3], $0xF7A  }
0x26: {  	[smem:$0x3F88] =	sst s1;
	(tag) =	ssettag s2;
	_ =	strace s9  }
0x27: {  	s1 =	sld [smem:$0x3F98]  }
0x28: {  	s2 =	sld [smem:$0x3F99]  }
0x29: {  	s4 =	sld [smem:$0x3F9B]  }
0x2a: {  	p0 =	seq.s32 s5, $0x0;
	s5 =	sld [smem:$0x3F9C]  }
0x2b: {  	s6 =	sld [smem:$0x3F9D]  }
0x2c: {  	s7 =	sld [smem:$0x3F9E]  }
0x2d: {  	s3 =	simm.s32 $0x108;
	s8 =	sld [smem:$0x3F9F]  }
0x2e: {  	s3 =	simm.s32 @!p0 $0x1082;
	s9 =	sld [smem:$0x3FA0]  }
0x2f: {  	lr =	sadd.s32 s0, s3;
	s0 =	sld [smem:$0x3F97]  }
0x30: {  	s3 =	sld [smem:$0x3F9A]  }
0x31: {  	[smem:$0x3FA3] =	sst s10  }
0x32: {  	s10 =	sld [smem:$0x3FA1];
	_ =	sdelay $0x3  }
0x33: {  	p0 =	seq.s32 s10, $0x1;
	s10 =	sld [smem:$0x3FA3];
	_ =	sdelay $0x3  }
0x34: {  	[smem:$0x3FA3] =	sst s10  }
0x35: {  	s10 =	sld [smem:$0x3FA2];
	_ =	sdelay $0x3  }
0x36: {  	p1 =	seq.s32 s10, $0x1;
	s10 =	sld [smem:$0x3FA3];
	_ =	sdelay $0x3  }
0x37: {  	[smem:$0x3FA3] =	sst s10  }
0x38: {  	s10 =	sld [smem:$0x3FA4]  }
0x39: {  	_ = 	snop;
	(pc) =	sbr.ind lr, $3  }
0x3a: {  	_ = 	snop  }
0x3b: {  	_ = 	snop  }
0x3c: {  	p2 =	seq.s32 s10, $0x1;
	s10 =	sld [smem:$0x3FA3]  }
0x3d: {  	_ =	shalt  }
0x3e: {  	_ =	shalt  }
0x3f: {  	_ =	shalt  }
0x40: {  	_ =	shalt  }
0x41: {  	_ =	shalt  }
0x42: {  	_ =	shalt  }
0x43: {  	_ =	shalt  }
0x44: {  	_ =	shalt  }
0x45: {  	_ =	shalt  }
0x46: {  	_ =	shalt  }
0x47: {  	_ =	shalt  }
0x48: {  	_ =	shalt  }
0x49: {  	_ =	shalt  }
0x4a: {  	_ =	shalt  }
0x4b: {  	_ =	shalt  }
0x4c: {  	_ =	shalt  }
0x4d: {  	_ =	shalt  }
0x4e: {  	_ =	shalt  }
0x4f: {  	_ =	shalt  }
0x50: {  	_ =	shalt  }
0x51: {  	_ =	shalt  }
0x52: {  	_ =	shalt  }
0x53: {  	_ =	shalt  }
0x54: {  	_ =	shalt  }
0x55: {  	_ =	shalt  }
0x56: {  	_ =	shalt  }
0x57: {  	_ =	shalt  }
0x58: {  	_ =	shalt  }
0x59: {  	_ =	shalt  }
0x5a: {  	_ =	shalt  }
0x5b: {  	_ =	shalt  }
0x5c: {  	_ =	shalt  }
0x5d: {  	_ =	shalt  }
0x5e: {  	_ =	shalt  }
0x5f: {  	_ =	shalt  }
0x60: {  	_ =	shalt  }
0x61: {  	_ =	shalt  }
0x62: {  	_ =	shalt  }
0x63: {  	_ =	shalt  }
0x64: {  	_ =	shalt  }
0x65: {  	_ =	shalt  }
0x66: {  	_ =	shalt  }
0x67: {  	_ =	shalt  }
0x68: {  	_ =	shalt  }
0x69: {  	_ =	shalt  }
0x6a: {  	_ =	shalt  }
0x6b: {  	_ =	shalt  }
0x6c: {  	_ =	shalt  }
0x6d: {  	_ =	shalt  }
0x6e: {  	_ =	shalt  }
0x6f: {  	_ =	shalt  }
0x70: {  	_ =	shalt  }
0x71: {  	_ =	shalt  }
0x72: {  	_ =	shalt  }
0x73: {  	_ =	shalt  }
0x74: {  	_ =	shalt  }
0x75: {  	_ =	shalt  }
0x76: {  	_ =	shalt  }
0x77: {  	_ =	shalt  }
0x78: {  	_ =	shalt  }
0x79: {  	_ =	shalt  }
0x7a: {  	_ =	shalt  }
0x7b: {  	_ =	shalt  }
0x7c: {  	_ =	shalt  }
0x7d: {  	_ =	shalt  }
0x7e: {  	_ =	shalt  }
0x7f: {  	_ =	shalt  }
0x80: {  	_ =	shalt  }
0x81: {  	_ =	shalt  }
0x82: {  	_ =	shalt  }
0x83: {  	_ =	shalt  }
0x84: {  	_ =	shalt  }
0x85: {  	_ =	shalt  }
0x86: {  	_ =	shalt  }
0x87: {  	_ =	shalt  }
.Lfunc_end0:
.L_simem_size_0:
called_computation.3_lowered:
.L_overlay_start_0:
0x88: {  	s2 =	sld [smem:$0x3FD9]  }
0x89: {  	s3 =	sld [smem:$0x3FFE];
	_ =	sdelay $0x1  }
0x8a: {  	s1 =	srdreg.scid  }
0x8b: {  	s0 =	sand.u32 $0x1, s1  }
0x8c: {  	s16 =	sshll.u32 s0, $0xA;
	s2 =	sadd.s32 s3, s2  }
0x8d: {  	s2 =	sadd.s32 s2, s16  }
0x8e: {  	[smem:$0x3FAF] =	sst s2  }
0x8f: {  	_ = 	snop  }
0x90: {  	(tm) =	ssettm $0x1  }
0x91: {  	s17 =	sld [smem:$0x3FFB];
	_ =	sdelay $0x3  }
0x92: {  	_ =	strace s17  }
0x93: {  	s2 =	sld [smem:$0x3FFC];
	_ =	sdelay $0x3  }
0x94: {  	_ =	strace s2  }
0x95: {  	s2 =	sld [smem:$0x3FFD];
	_ =	sdelay $0x3  }
0x96: {  	_ =	strace s2  }
0x97: {  	_ =	strace $0x8FFFFFFF  }
0x98: {  	s18 =	sld [smem:$0x3FDB];
	_ =	sdelay $0x1  }
0x99: {  	s19 =	simm.s32 $_scs_section_size  }
0x9a: {  	s4 =	simm.s32 $_size__tile_overlayer_lowered;
	s5 =	simm.s32 $_tile_overlayer_lowered  }
0x9b: {  	s22 =	simm.s32 $0x1BFF;
	s21 =	sshll.u32 s5, $0x1;
	s2 =	sadd.s32 s19, s18  }
0x9c: {  	s6 =	simm.s32 $0x0;
	s20 =	sshll.u32 s4, $0x1;
	s4 =	sadd.s32 s21, s2  }
0x9d: {  	[timem:s6], [sflag:s22] =	dma.local [hbm:s4], s20  }
0x9e: {  	_ =	swait.ge [sflag:s22], s20  }
0x9f: {  	s3 =	ssub.s32 $0x0, s20;
	[sflag:s22] =	ssyncset.done $0x0  }
0xa0: {  	[sflag:s22] =	ssyncadd.s32 s3;
	_ =	sdelay $0x1  }
0xa1: {  	s23 =	simm.s32 $0x1B8B  }
0xa2: {  	_ =	swait.ge [sflag:s23], $0x1  }
0xa3: {  	[sflag:s23] =	ssyncset.done $0x0  }
0xa4: {  	s25 =	simm.s32 $0x1B8E;
	s24 =	sld [smem:$0x3FFE];
	[sflag:s23] =	ssyncadd.s32 $0xFFFFFFFF  }
0xa5: {  	s26 =	simm.s32 $execute0_lowered;
	[smem:$0x3FD2] =	sst s25  }
0xa6: {  	s4 =	sshll.u32 s26, $0x1;
	_ =	strace $0x8000004F;
	[dreg:$0x1] =	wrdreg $0xFFFFFFFF  }
0xa7: {  	s28 =	simm.s32 $_size_execute0_lowered;
	s2 =	sadd.s32 s2, s4;
	[dreg:$0x0] =	wrdreg $0x0  }
0xa8: {  	s4 =	sshll.u32 s28, $0x1;
	[dreg:$0x2] =	wrdreg s2  }
0xa9: {  	[dreg:$0x3] =	wrdreg s4  }
0xaa: {  	[dreg:$0x4] =	wrdreg $0xC0  }
0xab: {  	_ =	task [dreg:s6], $0x5FFFF  }
0xac: {  	[dreg:$0x1] =	wrdreg $0xFFFFFFFF  }
0xad: {  	[dreg:$0x0] =	wrdreg $0x60  }
0xae: {  	[dreg:$0x2] =	wrdreg s24  }
0xaf: {  	[dreg:$0x3] =	wrdreg $0x9  }
0xb0: {  	_ =	task.clear_ibuf [dreg:s6], $0x4FFFF;
	_ =	strace $0x9000004F  }
0xb1: {  	s29 =	simm.s32 $0x9;
	_ =	strace $0x80000051  }
0xb2: {  	_ =	swait.ge [sflag:s29], $0x1  }
0xb3: {  	[sflag:s29] =	ssyncadd.s32 $0xFFFFFFFF  }
0xb4: {  	_ =	strace $0x90000051  }
0xb5: {  	_ =	sfence  }
0xb6: {  	s30 =	sld [smem:$0x0];
	_ =	sdelay $0x2  }
0xb7: {  	s31 =	sshll.u32 s1, $0xD;
	s1 =	sshrl.u32 s1, $0x2  }
0xb8: {  	s3 =	sand.u32 $0x4000, s31;
	s1 =	sadd.s32 s1, s30  }
0xb9: {  	s0 =	sor.u32 s3, s0;
	s1 =	sshll.u32 s1, $0x11  }
0xba: {  	s0 =	sor.u32 s1, s0  }
0xbb: {  	s0 =	sadd.s32 $0x8F2B, s0  }
0xbc: {  	[sflag:s0] =	ssyncadd.remote.s32 $0x1  }
0xbd: {  	_ =	sfence.sel $0xFFFF  }
0xbe: {  	[dreg:$0x0] =	wrdreg $0xFFFFFFFF;
	(pc) =	sbr.abs _section_cstart, $3  }
0xbf: {  	[dreg:$0x1] =	wrdreg $0xFFFFFFFF  }
0xc0: {  	_ =	task.clear_ibuf [dreg:s6], $0x2FFFF;
	_ =	strace $0x9FFFFFFF  }
0xc1: {  	(tm) =	ssettm $0x7FFFFFFF  }
tec
execute0_lowered:
.L_overlay_start_1:
0x0: {  	(tag) =	ssettag $0x1  }
0x1: {  	s4 =	rddreg [dreg:$0x0]  }
0x2: {  	s0 =	rddreg [dreg:$0x1];
	s1 =	stileid.u32  }
0x3: {  	s3 =	srdreg.scid;
	s5 =	smul.u32 $0x18800, s1  }
0x4: {  	s2 =	simm.s32 $0x0;
	s6 =	sand.u32 $0x1, s3;
	s7 =	smul.u32 $0x3100, s1  }
0x5: {  	[smem:$0x7FF] =	sst s2;
	s9 =	sadd.s32 $0x1F0E00, s4;
	s8 =	smul.u32 $0x1880, s6  }
0x6: {  	s3 =	sadd.s32 $0x6E00, s4;
	s4 =	sadd.s32 $0xE0FE00, s4;
	s10 =	smul.u32 $0xC400, s6  }
0x7: {  	_ =	strace $0x80000050;
	s5 =	sadd.s32 s5, s9;
	s7 =	sadd.s32 s8, s7  }
0x8: {  	s6 =	ssub.s32 $0x2, s6;
	s5 =	sadd.s32 s10, s5;
	s8 =	sadd.s32 $0x2A0, s7  }
0x9: {  	[dreg:$0x2] =	wrdreg s5;
	s30 =	sshrl.u32 s7, $0x3;
	s11 =	sadd.s32 $0x230, s7  }
0xa: {  	s15 =	sadd.s32 $0x1C0, s7;
	s19 =	sadd.s32 $0x150, s7;
	s23 =	sadd.s32 $0xE0, s7  }
0xb: {  	s7 =	sor.u32 $0x70, s7;
	s31 =	sshll.u32 s8, $0x3;
	[dreg:$0x3] =	wrdreg s30  }
0xc: {  	s12 =	sshrl.u32 s8, $0x3;
	s13 =	sshll.u32 s11, $0x3;
	s16 =	sshrl.u32 s11, $0x3  }
0xd: {  	s17 =	sshll.u32 s15, $0x3;
	s20 =	sshrl.u32 s15, $0x3;
	s21 =	sshll.u32 s19, $0x3  }
0xe: {  	s24 =	sshrl.u32 s19, $0x3;
	s25 =	sshll.u32 s23, $0x3;
	s28 =	sshrl.u32 s23, $0x3  }
0xf: {  	s29 =	sshll.u32 s7, $0x3;
	s30 =	sshrl.u32 s6, $0x1;
	[dreg:$0x5] =	wrdreg s12  }
0x10: {  	s7 =	sshrl.u32 s7, $0x3;
	s8 =	simm.s32 $0x310;
	[dreg:$0x7] =	wrdreg s16  }
0x11: {  	s11 =	simm.s32 $0x3B10;
	s15 =	simm.s32 $0x7310;
	[dreg:$0x9] =	wrdreg s20  }
0x12: {  	s19 =	simm.s32 $0xAB10;
	s10 =	sadd.s32 s31, s9;
	[dreg:$0xb] =	wrdreg s24  }
0x13: {  	s14 =	sadd.s32 s13, s9;
	s18 =	sadd.s32 s17, s9;
	[dreg:$0xd] =	wrdreg s28  }
0x14: {  	s22 =	sadd.s32 s21, s9;
	s26 =	sadd.s32 s25, s9;
	[dreg:$0xf] =	wrdreg s7  }
0x15: {  	s31 =	sadd.s32 s29, s9;
	s6 =	ssub.s32 s6, s30;
	[dreg:$0x4] =	wrdreg s10  }
0x16: {  	s7 =	simm.s32 $0x70;
	s9 =	simm.s32 $0x1F10;
	[dreg:$0x6] =	wrdreg s14  }
0x17: {  	s12 =	simm.s32 $0x150;
	s13 =	simm.s32 $0x5710;
	[dreg:$0x8] =	wrdreg s18  }
0x18: {  	s16 =	simm.s32 $0x230;
	s17 =	simm.s32 $0x8F10;
	[dreg:$0xa] =	wrdreg s22  }
0x19: {  	s20 =	simm.s32 $0x1;
	s21 =	simm.s32 $0x0;
	[dreg:$0xc] =	wrdreg s26  }
0x1a: {  	[dreg:$0xe] =	wrdreg s31;
	s5 =	smax.u32 s6, $0x1;
	s6 =	simm.s32 $0x2  }
0x1b: {  	s10 =	simm.s32 $0xE0;
	s14 =	simm.s32 $0x1C0;
	s18 =	simm.s32 $0x2A0  }
.LBB2_1:
0x1c: {  	s22 =	rddreg [dreg:$0x3]  }
0x1d: {  	s22 =	sadd.s32 s4, s22  }
0x1e: {  	[tilespmem:s2], [sflag:$0x2] =	stream.linear.gather [hbm4b:s22+s2], $0x70, $0x38;
	[tilespmem:$0xC710] =	vst v63  }
0x1f: {  	_ =	swait.ge [sflag:s6], $0x70  }
0x20: {  	[sflag:s6] =	ssyncset.done $0x0  }
0x21: {  	s26 =	rddreg [dreg:$0xf];
	[sflag:s6] =	ssyncadd.s32 $0xFFFFFF90  }
0x22: {  	[tilespmem:s8], [sflag:$0x1] =	stream.indirect.gather [hbm4b:s3+s7], $0x40, s2, s7, $0xb8;
	[tilespmem:$0xC710] =	vst v63  }
0x23: {  	s22 =	sadd.s32 s4, s26  }
0x24: {  	[tilespmem:s7], [sflag:$0x2] =	stream.linear.gather [hbm4b:s22+s2], $0x70, $0x38;
	[tilespmem:$0xC710] =	vst v63  }
0x25: {  	_ =	swait.ge [sflag:s6], $0x70  }
0x26: {  	[sflag:s6] =	ssyncset.done $0x0  }
0x27: {  	s28 =	rddreg [dreg:$0xd];
	[sflag:s6] =	ssyncadd.s32 $0xFFFFFF90  }
0x28: {  	[tilespmem:s9], [sflag:$0x1] =	stream.indirect.gather [hbm4b:s3+s7], $0x40, s7, s7, $0xb8;
	[tilespmem:$0xC710] =	vst v63  }
0x29: {  	s22 =	sadd.s32 s4, s28  }
0x2a: {  	[tilespmem:s10], [sflag:$0x2] =	stream.linear.gather [hbm4b:s22+s2], $0x70, $0x38;
	[tilespmem:$0xC710] =	vst v63  }
0x2b: {  	_ =	swait.ge [sflag:s6], $0x70  }
0x2c: {  	[sflag:s6] =	ssyncset.done $0x0  }
0x2d: {  	s29 =	rddreg [dreg:$0xb];
	[sflag:s6] =	ssyncadd.s32 $0xFFFFFF90  }
0x2e: {  	[tilespmem:s11], [sflag:$0x1] =	stream.indirect.gather [hbm4b:s3+s7], $0x40, s10, s7, $0xb8;
	[tilespmem:$0xC710] =	vst v63  }
0x2f: {  	s22 =	sadd.s32 s4, s29  }
0x30: {  	[tilespmem:s12], [sflag:$0x2] =	stream.linear.gather [hbm4b:s22+s2], $0x70, $0x38;
	[tilespmem:$0xC710] =	vst v63  }
0x31: {  	_ =	swait.ge [sflag:s6], $0x70  }
0x32: {  	[sflag:s6] =	ssyncset.done $0x0  }
0x33: {  	s30 =	rddreg [dreg:$0x9];
	[sflag:s6] =	ssyncadd.s32 $0xFFFFFF90  }
0x34: {  	[tilespmem:s13], [sflag:$0x1] =	stream.indirect.gather [hbm4b:s3+s7], $0x40, s12, s7, $0xb8;
	[tilespmem:$0xC710] =	vst v63  }
0x35: {  	s22 =	sadd.s32 s4, s30  }
0x36: {  	[tilespmem:s14], [sflag:$0x2] =	stream.linear.gather [hbm4b:s22+s2], $0x70, $0x38;
	[tilespmem:$0xC710] =	vst v63  }
0x37: {  	_ =	swait.ge [sflag:s6], $0x70  }
0x38: {  	[sflag:s6] =	ssyncset.done $0x0  }
0x39: {  	s31 =	rddreg [dreg:$0x7];
	[sflag:s6] =	ssyncadd.s32 $0xFFFFFF90  }
0x3a: {  	[tilespmem:s15], [sflag:$0x1] =	stream.indirect.gather [hbm4b:s3+s7], $0x40, s14, s7, $0xb8;
	[tilespmem:$0xC710] =	vst v63  }
0x3b: {  	s22 =	sadd.s32 s4, s31  }
0x3c: {  	[tilespmem:s16], [sflag:$0x2] =	stream.linear.gather [hbm4b:s22+s2], $0x70, $0x38;
	[tilespmem:$0xC710] =	vst v63  }
0x3d: {  	_ =	swait.ge [sflag:s6], $0x70  }
0x3e: {  	[sflag:s6] =	ssyncset.done $0x0  }
0x3f: {  	s23 =	rddreg [dreg:$0x5];
	[sflag:s6] =	ssyncadd.s32 $0xFFFFFF90  }
0x40: {  	[tilespmem:s17], [sflag:$0x1] =	stream.indirect.gather [hbm4b:s3+s7], $0x40, s16, s7, $0xb8;
	[tilespmem:$0xC710] =	vst v63  }
0x41: {  	s22 =	sadd.s32 s4, s23  }
0x42: {  	[tilespmem:s18], [sflag:$0x2] =	stream.linear.gather [hbm4b:s22+s2], $0x70, $0x38;
	[tilespmem:$0xC710] =	vst v63  }
0x43: {  	_ =	swait.ge [sflag:s6], $0x70  }
0x44: {  	[sflag:s6] =	ssyncset.done $0x0  }
0x45: {  	[sflag:s6] =	ssyncadd.s32 $0xFFFFFF90  }
0x46: {  	[tilespmem:s19], [sflag:$0x1] =	stream.indirect.gather [hbm4b:s3+s7], $0x40, s18, s7, $0xb8;
	[tilespmem:$0xC710] =	vst v63  }
0x47: {  	_ =	swait.ge [sflag:s20], $0x1C00  }
0x48: {  	s24 =	rddreg [dreg:$0x2];
	[sflag:s20] =	ssyncset.done $0x0  }
0x49: {  	[sflag:s20] =	ssyncadd.s32 $0xFFFFE400;
	s22 =	sadd.s32 $0x0, s24  }
0x4a: {  	[hbm4b:s22+s2] =	stream.linear.scatter [tilespmem:s8], [sflag:$0x2], $0x1C00, $0x38;
	[tilespmem:$0xC710] =	vst v63  }
0x4b: {  	_ =	swait.ge [sflag:s6], $0x1C00  }
0x4c: {  	[sflag:s6] =	ssyncset.done $0x0  }
0x4d: {  	[sflag:s6] =	ssyncadd.s32 $0xFFFFE400  }
0x4e: {  	_ =	swait.ge [sflag:s20], $0x1C00  }
0x4f: {  	s25 =	rddreg [dreg:$0xe];
	[sflag:s20] =	ssyncset.done $0x0  }
0x50: {  	[sflag:s20] =	ssyncadd.s32 $0xFFFFE400;
	s22 =	sadd.s32 $0x0, s25  }
0x51: {  	[hbm4b:s22+s2] =	stream.linear.scatter [tilespmem:s9], [sflag:$0x2], $0x1C00, $0x38;
	[tilespmem:$0xC710] =	vst v63  }
0x52: {  	_ =	swait.ge [sflag:s6], $0x1C00  }
0x53: {  	[sflag:s6] =	ssyncset.done $0x0  }
0x54: {  	[sflag:s6] =	ssyncadd.s32 $0xFFFFE400  }
0x55: {  	_ =	swait.ge [sflag:s20], $0x1C00  }
0x56: {  	s26 =	rddreg [dreg:$0xc];
	[sflag:s20] =	ssyncset.done $0x0  }
0x57: {  	[sflag:s20] =	ssyncadd.s32 $0xFFFFE400;
	s22 =	sadd.s32 $0x0, s26  }
0x58: {  	[hbm4b:s22+s2] =	stream.linear.scatter [tilespmem:s11], [sflag:$0x2], $0x1C00, $0x38;
	[tilespmem:$0xC710] =	vst v63  }
0x59: {  	_ =	swait.ge [sflag:s6], $0x1C00  }
0x5a: {  	[sflag:s6] =	ssyncset.done $0x0  }
0x5b: {  	[sflag:s6] =	ssyncadd.s32 $0xFFFFE400  }
0x5c: {  	_ =	swait.ge [sflag:s20], $0x1C00  }
0x5d: {  	s28 =	rddreg [dreg:$0xa];
	[sflag:s20] =	ssyncset.done $0x0  }
0x5e: {  	[sflag:s20] =	ssyncadd.s32 $0xFFFFE400;
	s22 =	sadd.s32 $0x0, s28  }
0x5f: {  	[hbm4b:s22+s2] =	stream.linear.scatter [tilespmem:s13], [sflag:$0x2], $0x1C00, $0x38;
	[tilespmem:$0xC710] =	vst v63  }
0x60: {  	_ =	swait.ge [sflag:s6], $0x1C00  }
0x61: {  	[sflag:s6] =	ssyncset.done $0x0  }
0x62: {  	[sflag:s6] =	ssyncadd.s32 $0xFFFFE400  }
0x63: {  	_ =	swait.ge [sflag:s20], $0x1C00  }
0x64: {  	s29 =	rddreg [dreg:$0x8];
	[sflag:s20] =	ssyncset.done $0x0  }
0x65: {  	[sflag:s20] =	ssyncadd.s32 $0xFFFFE400;
	s22 =	sadd.s32 $0x0, s29  }
0x66: {  	[hbm4b:s22+s2] =	stream.linear.scatter [tilespmem:s15], [sflag:$0x2], $0x1C00, $0x38;
	[tilespmem:$0xC710] =	vst v63  }
0x67: {  	_ =	swait.ge [sflag:s6], $0x1C00  }
0x68: {  	[sflag:s6] =	ssyncset.done $0x0  }
0x69: {  	[sflag:s6] =	ssyncadd.s32 $0xFFFFE400  }
0x6a: {  	_ =	swait.ge [sflag:s20], $0x1C00  }
0x6b: {  	s30 =	rddreg [dreg:$0x6];
	[sflag:s20] =	ssyncset.done $0x0  }
0x6c: {  	[sflag:s20] =	ssyncadd.s32 $0xFFFFE400;
	s22 =	sadd.s32 $0x0, s30  }
0x6d: {  	[hbm4b:s22+s2] =	stream.linear.scatter [tilespmem:s17], [sflag:$0x2], $0x1C00, $0x38;
	[tilespmem:$0xC710] =	vst v63  }
0x6e: {  	_ =	swait.ge [sflag:s6], $0x1C00  }
0x6f: {  	[sflag:s6] =	ssyncset.done $0x0  }
0x70: {  	[sflag:s6] =	ssyncadd.s32 $0xFFFFE400  }
0x71: {  	_ =	swait.ge [sflag:s20], $0x1C00  }
0x72: {  	s31 =	rddreg [dreg:$0x4];
	[sflag:s20] =	ssyncset.done $0x0  }
0x73: {  	[sflag:s20] =	ssyncadd.s32 $0xFFFFE400;
	s22 =	sadd.s32 $0x0, s31  }
0x74: {  	[hbm4b:s22+s2] =	stream.linear.scatter [tilespmem:s19], [sflag:$0x2], $0x1C00, $0x38;
	[tilespmem:$0xC710] =	vst v63  }
0x75: {  	s23 =	simm.s32 $0x3100;
	s24 =	smov.u32 s4;
	_ =	swait.ge [sflag:s6], $0x1C00  }
0x76: {  	s22 =	simm.s32 $0x1880;
	s26 =	rddreg [dreg:$0x3];
	[sflag:s6] =	ssyncset.done $0x0  }
.LBB2_2:
0x77: {  	s24 =	sadd.s32 $0x62, s24  }
0x78: {  	[sflag:s6] =	ssyncadd.s32 $0xFFFFE400;
	s26 =	sadd.s32 s24, s26  }
0x79: {  	[tilespmem:s2], [sflag:$0x2] =	stream.linear.gather [hbm4b:s26+s2], $0x70, $0x38;
	[tilespmem:$0xC710] =	vst v63  }
0x7a: {  	_ =	swait.ge [sflag:s6], $0x70  }
0x7b: {  	[sflag:s6] =	ssyncset.done $0x0  }
0x7c: {  	s31 =	rddreg [dreg:$0xf];
	[sflag:s6] =	ssyncadd.s32 $0xFFFFFF90  }
0x7d: {  	[tilespmem:s8], [sflag:$0x1] =	stream.indirect.gather [hbm4b:s3+s7], $0x40, s2, s7, $0xb8;
	[tilespmem:$0xC710] =	vst v63  }
0x7e: {  	s26 =	sadd.s32 s24, s31  }
0x7f: {  	[tilespmem:s7], [sflag:$0x2] =	stream.linear.gather [hbm4b:s26+s2], $0x70, $0x38;
	[tilespmem:$0xC710] =	vst v63  }
0x80: {  	_ =	swait.ge [sflag:s6], $0x70  }
0x81: {  	[sflag:s6] =	ssyncset.done $0x0  }
0x82: {  	s28 =	rddreg [dreg:$0xd];
	[sflag:s6] =	ssyncadd.s32 $0xFFFFFF90  }
0x83: {  	[tilespmem:s9], [sflag:$0x1] =	stream.indirect.gather [hbm4b:s3+s7], $0x40, s7, s7, $0xb8;
	[tilespmem:$0xC710] =	vst v63  }
0x84: {  	s26 =	sadd.s32 s24, s28  }
0x85: {  	[tilespmem:s10], [sflag:$0x2] =	stream.linear.gather [hbm4b:s26+s2], $0x70, $0x38;
	[tilespmem:$0xC710] =	vst v63  }
0x86: {  	_ =	swait.ge [sflag:s6], $0x70  }
0x87: {  	[sflag:s6] =	ssyncset.done $0x0  }
0x88: {  	s29 =	rddreg [dreg:$0xb];
	[sflag:s6] =	ssyncadd.s32 $0xFFFFFF90  }
0x89: {  	[tilespmem:s11], [sflag:$0x1] =	stream.indirect.gather [hbm4b:s3+s7], $0x40, s10, s7, $0xb8;
	[tilespmem:$0xC710] =	vst v63  }
0x8a: {  	s26 =	sadd.s32 s24, s29  }
0x8b: {  	[tilespmem:s12], [sflag:$0x2] =	stream.linear.gather [hbm4b:s26+s2], $0x70, $0x38;
	[tilespmem:$0xC710] =	vst v63  }
0x8c: {  	_ =	swait.ge [sflag:s6], $0x70  }
0x8d: {  	[sflag:s6] =	ssyncset.done $0x0  }
0x8e: {  	s30 =	rddreg [dreg:$0x9];
	[sflag:s6] =	ssyncadd.s32 $0xFFFFFF90  }
0x8f: {  	[tilespmem:s13], [sflag:$0x1] =	stream.indirect.gather [hbm4b:s3+s7], $0x40, s12, s7, $0xb8;
	[tilespmem:$0xC710] =	vst v63  }
0x90: {  	s26 =	sadd.s32 s24, s30  }
0x91: {  	[tilespmem:s14], [sflag:$0x2] =	stream.linear.gather [hbm4b:s26+s2], $0x70, $0x38;
	[tilespmem:$0xC710] =	vst v63  }
0x92: {  	_ =	swait.ge [sflag:s6], $0x70  }
0x93: {  	[sflag:s6] =	ssyncset.done $0x0  }
0x94: {  	s31 =	rddreg [dreg:$0x7];
	[sflag:s6] =	ssyncadd.s32 $0xFFFFFF90  }
0x95: {  	[tilespmem:s15], [sflag:$0x1] =	stream.indirect.gather [hbm4b:s3+s7], $0x40, s14, s7, $0xb8;
	[tilespmem:$0xC710] =	vst v63  }
0x96: {  	s26 =	sadd.s32 s24, s31  }
0x97: {  	[tilespmem:s16], [sflag:$0x2] =	stream.linear.gather [hbm4b:s26+s2], $0x70, $0x38;
	[tilespmem:$0xC710] =	vst v63  }
0x98: {  	_ =	swait.ge [sflag:s6], $0x70  }
0x99: {  	[sflag:s6] =	ssyncset.done $0x0  }
0x9a: {  	s28 =	rddreg [dreg:$0x5];
	[sflag:s6] =	ssyncadd.s32 $0xFFFFFF90  }
0x9b: {  	[tilespmem:s17], [sflag:$0x1] =	stream.indirect.gather [hbm4b:s3+s7], $0x40, s16, s7, $0xb8;
	[tilespmem:$0xC710] =	vst v63  }
0x9c: {  	s26 =	sadd.s32 s24, s28  }
0x9d: {  	[tilespmem:s18], [sflag:$0x2] =	stream.linear.gather [hbm4b:s26+s2], $0x70, $0x38;
	[tilespmem:$0xC710] =	vst v63  }
0x9e: {  	_ =	swait.ge [sflag:s6], $0x70  }
0x9f: {  	[sflag:s6] =	ssyncset.done $0x0  }
0xa0: {  	[sflag:s6] =	ssyncadd.s32 $0xFFFFFF90  }
0xa1: {  	[tilespmem:s19], [sflag:$0x1] =	stream.indirect.gather [hbm4b:s3+s7], $0x40, s18, s7, $0xb8;
	[tilespmem:$0xC710] =	vst v63  }
0xa2: {  	_ =	swait.ge [sflag:s20], $0x1C00  }
0xa3: {  	s29 =	rddreg [dreg:$0x2];
	[sflag:s20] =	ssyncset.done $0x0  }
0xa4: {  	[sflag:s20] =	ssyncadd.s32 $0xFFFFE400;
	s26 =	sadd.s32 s22, s29  }
0xa5: {  	[hbm4b:s26+s2] =	stream.linear.scatter [tilespmem:s8], [sflag:$0x2], $0x1C00, $0x38;
	[tilespmem:$0xC710] =	vst v63  }
0xa6: {  	_ =	swait.ge [sflag:s6], $0x1C00  }
0xa7: {  	[sflag:s6] =	ssyncset.done $0x0  }
0xa8: {  	[sflag:s6] =	ssyncadd.s32 $0xFFFFE400  }
0xa9: {  	_ =	swait.ge [sflag:s20], $0x1C00  }
0xaa: {  	s30 =	rddreg [dreg:$0xe];
	[sflag:s20] =	ssyncset.done $0x0  }
0xab: {  	[sflag:s20] =	ssyncadd.s32 $0xFFFFE400;
	s26 =	sadd.s32 s22, s30  }
0xac: {  	[hbm4b:s26+s2] =	stream.linear.scatter [tilespmem:s9], [sflag:$0x2], $0x1C00, $0x38;
	[tilespmem:$0xC710] =	vst v63  }
0xad: {  	_ =	swait.ge [sflag:s6], $0x1C00  }
0xae: {  	[sflag:s6] =	ssyncset.done $0x0  }
0xaf: {  	[sflag:s6] =	ssyncadd.s32 $0xFFFFE400  }
0xb0: {  	_ =	swait.ge [sflag:s20], $0x1C00  }
0xb1: {  	s31 =	rddreg [dreg:$0xc];
	[sflag:s20] =	ssyncset.done $0x0  }
0xb2: {  	[sflag:s20] =	ssyncadd.s32 $0xFFFFE400;
	s26 =	sadd.s32 s22, s31  }
0xb3: {  	[hbm4b:s26+s2] =	stream.linear.scatter [tilespmem:s11], [sflag:$0x2], $0x1C00, $0x38;
	[tilespmem:$0xC710] =	vst v63  }
0xb4: {  	_ =	swait.ge [sflag:s6], $0x1C00  }
0xb5: {  	[sflag:s6] =	ssyncset.done $0x0  }
0xb6: {  	[sflag:s6] =	ssyncadd.s32 $0xFFFFE400  }
0xb7: {  	_ =	swait.ge [sflag:s20], $0x1C00  }
0xb8: {  	s28 =	rddreg [dreg:$0xa];
	[sflag:s20] =	ssyncset.done $0x0  }
0xb9: {  	[sflag:s20] =	ssyncadd.s32 $0xFFFFE400;
	s26 =	sadd.s32 s22, s28  }
0xba: {  	[hbm4b:s26+s2] =	stream.linear.scatter [tilespmem:s13], [sflag:$0x2], $0x1C00, $0x38;
	[tilespmem:$0xC710] =	vst v63  }
0xbb: {  	_ =	swait.ge [sflag:s6], $0x1C00  }
0xbc: {  	[sflag:s6] =	ssyncset.done $0x0  }
0xbd: {  	[sflag:s6] =	ssyncadd.s32 $0xFFFFE400  }
0xbe: {  	_ =	swait.ge [sflag:s20], $0x1C00  }
0xbf: {  	s29 =	rddreg [dreg:$0x8];
	[sflag:s20] =	ssyncset.done $0x0  }
0xc0: {  	[sflag:s20] =	ssyncadd.s32 $0xFFFFE400;
	s26 =	sadd.s32 s22, s29  }
0xc1: {  	[hbm4b:s26+s2] =	stream.linear.scatter [tilespmem:s15], [sflag:$0x2], $0x1C00, $0x38;
	[tilespmem:$0xC710] =	vst v63  }
0xc2: {  	_ =	swait.ge [sflag:s6], $0x1C00  }
0xc3: {  	[sflag:s6] =	ssyncset.done $0x0  }
0xc4: {  	[sflag:s6] =	ssyncadd.s32 $0xFFFFE400  }
0xc5: {  	_ =	swait.ge [sflag:s20], $0x1C00  }
0xc6: {  	s30 =	rddreg [dreg:$0x6];
	[sflag:s20] =	ssyncset.done $0x0  }
0xc7: {  	[sflag:s20] =	ssyncadd.s32 $0xFFFFE400;
	s26 =	sadd.s32 s22, s30  }
0xc8: {  	[hbm4b:s26+s2] =	stream.linear.scatter [tilespmem:s17], [sflag:$0x2], $0x1C00, $0x38;
	[tilespmem:$0xC710] =	vst v63  }
0xc9: {  	_ =	swait.ge [sflag:s6], $0x1C00  }
0xca: {  	[sflag:s6] =	ssyncset.done $0x0  }
0xcb: {  	[sflag:s6] =	ssyncadd.s32 $0xFFFFE400  }
0xcc: {  	p0 =	sne.s32 s23, $0xAB80;
	_ =	swait.ge [sflag:s20], $0x1C00  }
.Ltmp0:
0xcd: {  	s31 =	rddreg [dreg:$0x4];
	[sflag:s20] =	ssyncset.done $0x0;
	(pc) =	sbr.rel @p0 .LBB2_2-.Ltmp0, $4  }
0xce: {  	[sflag:s20] =	ssyncadd.s32 $0xFFFFE400;
	s26 =	sadd.s32 s22, s31  }
0xcf: {  	[hbm4b:s26+s2] =	stream.linear.scatter [tilespmem:s19], [sflag:$0x2], $0x1C00, $0x38;
	[tilespmem:$0xC710] =	vst v63  }
0xd0: {  	s25 =	smov.u32 s23;
	s23 =	sadd.s32 $0x1880, s23;
	_ =	swait.ge [sflag:s6], $0x1C00  }
0xd1: {  	s22 =	smov.u32 s25;
	s26 =	rddreg [dreg:$0x3];
	[sflag:s6] =	ssyncset.done $0x0  }
0xd2: {  	s23 =	sadd.s32 $0x62, s24  }
0xd3: {  	[sflag:s6] =	ssyncadd.s32 $0xFFFFE400;
	s24 =	sadd.s32 s23, s26  }
0xd4: {  	[tilespmem:s2], [sflag:$0x2] =	stream.linear.gather [hbm4b:s24+s2], $0x70, $0x38;
	[tilespmem:$0xC710] =	vst v63  }
0xd5: {  	_ =	swait.ge [sflag:s6], $0x70  }
0xd6: {  	[sflag:s6] =	ssyncset.done $0x0  }
0xd7: {  	s31 =	rddreg [dreg:$0xf];
	[sflag:s6] =	ssyncadd.s32 $0xFFFFFF90  }
0xd8: {  	[tilespmem:s8], [sflag:$0x1] =	stream.indirect.gather [hbm4b:s3+s7], $0x40, s2, s7, $0xb8;
	[tilespmem:$0xC710] =	vst v63  }
0xd9: {  	s24 =	sadd.s32 s23, s31  }
0xda: {  	[tilespmem:s7], [sflag:$0x2] =	stream.linear.gather [hbm4b:s24+s2], $0x70, $0x38;
	[tilespmem:$0xC710] =	vst v63  }
0xdb: {  	_ =	swait.ge [sflag:s6], $0x70  }
0xdc: {  	[sflag:s6] =	ssyncset.done $0x0  }
0xdd: {  	s25 =	rddreg [dreg:$0xd];
	[sflag:s6] =	ssyncadd.s32 $0xFFFFFF90  }
0xde: {  	[tilespmem:s9], [sflag:$0x1] =	stream.indirect.gather [hbm4b:s3+s7], $0x40, s7, s7, $0xb8;
	[tilespmem:$0xC710] =	vst v63  }
0xdf: {  	s24 =	sadd.s32 s23, s25  }
0xe0: {  	[tilespmem:s10], [sflag:$0x2] =	stream.linear.gather [hbm4b:s24+s2], $0x70, $0x38;
	[tilespmem:$0xC710] =	vst v63  }
0xe1: {  	_ =	swait.ge [sflag:s6], $0x70  }
0xe2: {  	[sflag:s6] =	ssyncset.done $0x0  }
0xe3: {  	s26 =	rddreg [dreg:$0xb];
	[sflag:s6] =	ssyncadd.s32 $0xFFFFFF90  }
0xe4: {  	[tilespmem:s11], [sflag:$0x1] =	stream.indirect.gather [hbm4b:s3+s7], $0x40, s10, s7, $0xb8;
	[tilespmem:$0xC710] =	vst v63  }
0xe5: {  	s24 =	sadd.s32 s23, s26  }
0xe6: {  	[tilespmem:s12], [sflag:$0x2] =	stream.linear.gather [hbm4b:s24+s2], $0x70, $0x38;
	[tilespmem:$0xC710] =	vst v63  }
0xe7: {  	_ =	swait.ge [sflag:s6], $0x70  }
0xe8: {  	[sflag:s6] =	ssyncset.done $0x0  }
0xe9: {  	s28 =	rddreg [dreg:$0x9];
	[sflag:s6] =	ssyncadd.s32 $0xFFFFFF90  }
0xea: {  	[tilespmem:s13], [sflag:$0x1] =	stream.indirect.gather [hbm4b:s3+s7], $0x40, s12, s7, $0xb8;
	[tilespmem:$0xC710] =	vst v63  }
0xeb: {  	s24 =	sadd.s32 s23, s28  }
0xec: {  	[tilespmem:s14], [sflag:$0x2] =	stream.linear.gather [hbm4b:s24+s2], $0x70, $0x38;
	[tilespmem:$0xC710] =	vst v63  }
0xed: {  	_ =	swait.ge [sflag:s6], $0x70  }
0xee: {  	[sflag:s6] =	ssyncset.done $0x0  }
0xef: {  	s29 =	rddreg [dreg:$0x7];
	[sflag:s6] =	ssyncadd.s32 $0xFFFFFF90  }
0xf0: {  	[tilespmem:s15], [sflag:$0x1] =	stream.indirect.gather [hbm4b:s3+s7], $0x40, s14, s7, $0xb8;
	[tilespmem:$0xC710] =	vst v63  }
0xf1: {  	s24 =	sadd.s32 s23, s29  }
0xf2: {  	[tilespmem:s16], [sflag:$0x2] =	stream.linear.gather [hbm4b:s24+s2], $0x70, $0x38;
	[tilespmem:$0xC710] =	vst v63  }
0xf3: {  	_ =	swait.ge [sflag:s6], $0x70  }
0xf4: {  	[sflag:s6] =	ssyncset.done $0x0  }
0xf5: {  	s30 =	rddreg [dreg:$0x5];
	[sflag:s6] =	ssyncadd.s32 $0xFFFFFF90  }
0xf6: {  	[tilespmem:s17], [sflag:$0x1] =	stream.indirect.gather [hbm4b:s3+s7], $0x40, s16, s7, $0xb8;
	[tilespmem:$0xC710] =	vst v63  }
0xf7: {  	s23 =	sadd.s32 s23, s30  }
0xf8: {  	[tilespmem:s18], [sflag:$0x2] =	stream.linear.gather [hbm4b:s23+s2], $0x70, $0x38;
	[tilespmem:$0xC710] =	vst v63  }
0xf9: {  	_ =	swait.ge [sflag:s6], $0x70  }
0xfa: {  	[sflag:s6] =	ssyncset.done $0x0  }
0xfb: {  	[sflag:s6] =	ssyncadd.s32 $0xFFFFFF90  }
0xfc: {  	[tilespmem:s19], [sflag:$0x1] =	stream.indirect.gather [hbm4b:s3+s7], $0x40, s18, s7, $0xb8;
	[tilespmem:$0xC710] =	vst v63  }
0xfd: {  	_ =	swait.ge [sflag:s20], $0x1C00  }
0xfe: {  	s31 =	rddreg [dreg:$0x2];
	[sflag:s20] =	ssyncset.done $0x0  }
0xff: {  	[sflag:s20] =	ssyncadd.s32 $0xFFFFE400;
	s23 =	sadd.s32 s22, s31  }
0x100: {  	[hbm4b:s23+s2] =	stream.linear.scatter [tilespmem:s8], [sflag:$0x2], $0x1C00, $0x38;
	[tilespmem:$0xC710] =	vst v63  }
0x101: {  	_ =	swait.ge [sflag:s6], $0x1C00  }
0x102: {  	[sflag:s6] =	ssyncset.done $0x0  }
0x103: {  	[sflag:s6] =	ssyncadd.s32 $0xFFFFE400  }
0x104: {  	_ =	swait.ge [sflag:s20], $0x1C00  }
0x105: {  	s24 =	rddreg [dreg:$0xe];
	[sflag:s20] =	ssyncset.done $0x0  }
0x106: {  	[sflag:s20] =	ssyncadd.s32 $0xFFFFE400;
	s23 =	sadd.s32 s22, s24  }
0x107: {  	[hbm4b:s23+s2] =	stream.linear.scatter [tilespmem:s9], [sflag:$0x2], $0x1C00, $0x38;
	[tilespmem:$0xC710] =	vst v63  }
0x108: {  	_ =	swait.ge [sflag:s6], $0x1C00  }
0x109: {  	[sflag:s6] =	ssyncset.done $0x0  }
0x10a: {  	[sflag:s6] =	ssyncadd.s32 $0xFFFFE400  }
0x10b: {  	_ =	swait.ge [sflag:s20], $0x1C00  }
0x10c: {  	s25 =	rddreg [dreg:$0xc];
	[sflag:s20] =	ssyncset.done $0x0  }
0x10d: {  	[sflag:s20] =	ssyncadd.s32 $0xFFFFE400;
	s23 =	sadd.s32 s22, s25  }
0x10e: {  	[hbm4b:s23+s2] =	stream.linear.scatter [tilespmem:s11], [sflag:$0x2], $0x1C00, $0x38;
	[tilespmem:$0xC710] =	vst v63  }
0x10f: {  	_ =	swait.ge [sflag:s6], $0x1C00  }
0x110: {  	[sflag:s6] =	ssyncset.done $0x0  }
0x111: {  	[sflag:s6] =	ssyncadd.s32 $0xFFFFE400  }
0x112: {  	_ =	swait.ge [sflag:s20], $0x1C00  }
0x113: {  	s26 =	rddreg [dreg:$0xa];
	[sflag:s20] =	ssyncset.done $0x0  }
0x114: {  	[sflag:s20] =	ssyncadd.s32 $0xFFFFE400;
	s23 =	sadd.s32 s22, s26  }
0x115: {  	[hbm4b:s23+s2] =	stream.linear.scatter [tilespmem:s13], [sflag:$0x2], $0x1C00, $0x38;
	[tilespmem:$0xC710] =	vst v63  }
0x116: {  	_ =	swait.ge [sflag:s6], $0x1C00  }
0x117: {  	[sflag:s6] =	ssyncset.done $0x0  }
0x118: {  	[sflag:s6] =	ssyncadd.s32 $0xFFFFE400  }
0x119: {  	_ =	swait.ge [sflag:s20], $0x1C00  }
0x11a: {  	s28 =	rddreg [dreg:$0x8];
	[sflag:s20] =	ssyncset.done $0x0  }
0x11b: {  	[sflag:s20] =	ssyncadd.s32 $0xFFFFE400;
	s23 =	sadd.s32 s22, s28  }
0x11c: {  	[hbm4b:s23+s2] =	stream.linear.scatter [tilespmem:s15], [sflag:$0x2], $0x1C00, $0x38;
	[tilespmem:$0xC710] =	vst v63  }
0x11d: {  	_ =	swait.ge [sflag:s6], $0x1C00  }
0x11e: {  	[sflag:s6] =	ssyncset.done $0x0  }
0x11f: {  	[sflag:s6] =	ssyncadd.s32 $0xFFFFE400  }
0x120: {  	_ =	swait.ge [sflag:s20], $0x1C00  }
0x121: {  	s29 =	rddreg [dreg:$0x6];
	[sflag:s20] =	ssyncset.done $0x0  }
0x122: {  	[sflag:s20] =	ssyncadd.s32 $0xFFFFE400;
	s23 =	sadd.s32 s22, s29  }
0x123: {  	[hbm4b:s23+s2] =	stream.linear.scatter [tilespmem:s17], [sflag:$0x2], $0x1C00, $0x38;
	[tilespmem:$0xC710] =	vst v63  }
0x124: {  	_ =	swait.ge [sflag:s6], $0x1C00  }
0x125: {  	[sflag:s6] =	ssyncset.done $0x0  }
0x126: {  	[sflag:s6] =	ssyncadd.s32 $0xFFFFE400  }
0x127: {  	s21 =	sadd.s32 $0x1, s21;
	_ =	swait.ge [sflag:s20], $0x1C00  }
0x128: {  	p0 =	sne.s32 s21, s5;
	s30 =	rddreg [dreg:$0x4];
	[sflag:s20] =	ssyncset.done $0x0  }
.Ltmp1:
0x129: {  	[sflag:s20] =	ssyncadd.s32 $0xFFFFE400;
	s31 =	sadd.s32 s22, s30;
	(pc) =	sbr.rel @p0 .LBB2_1-.Ltmp1, $4  }
0x12a: {  	[hbm4b:s31+s2] =	stream.linear.scatter [tilespmem:s19], [sflag:$0x2], $0x1C00, $0x38;
	[tilespmem:$0xC710] =	vst v63  }
0x12b: {  	_ =	swait.ge [sflag:s6], $0x1C00  }
0x12c: {  	[sflag:s6] =	ssyncset.done $0x0  }
0x12d: {  	[sflag:s6] =	ssyncadd.s32 $0xFFFFE400  }
0x12e: {  	_ =	sfence.sel $0x180000  }
0x12f: {  	[bflag:$0x0] =	sbarrier.arrive $0xFFFF  }
0x130: {  	p0 =	sne.s32 s1, $0x0;
	_ =	strace $0x90000050  }
0x131: {  	s0 =	sadd.s32 @!p0 $0x100000, s0;
	[bflag:$0x2] =	sbarrier.arrive $0xFFFF  }
0x132: {  	[sflag:s0] =	ssyncadd.tile.s32 @!p0 $0x1;
	_ =	shalt  }
.Lfunc_end2:
_tile_overlayer_lowered:
.L_overlay_start_2:
0x133: {  	(tag) =	ssettag $0x2  }
0x134: {  	s0 =	rddreg [dreg:$0x0];
	s2 =	stileid.u32  }
0x135: {  	s1 =	rddreg [dreg:$0x1];
	p0 =	sne.s32 s2, $0x0  }
0x136: {  	s3 =	rddreg [dreg:$0x2];
	[bflag:$0x3] =	sbarrier.arrive $0xFFFF;
	s2 =	simm.s32 @!p0 $0x1C02  }
0x137: {  	[timem:s3], [sflag:s2] =	dma.local @!p0 [hbm:s0], s1  }
0x138: {  	s0 =	simm.s32 @!p0 $0x2  }
0x139: {  	_ =	swait.ge @!p0 [sflag:s0], s1  }
0x13a: {  	s1 =	ssub.s32 @!p0 $0x0, s1;
	[sflag:s0] =	ssyncset.done @!p0 $0x0  }
0x13b: {  	[sflag:s0] =	ssyncadd.s32 @!p0 s1  }
0x13c: {  	[bflag:$0x3] =	sbarrier.arrive $0xFFFF  }
0x13d: {  	_ =	shalt  }

// kernel: kernel.6.cloned.1.call-start
scs
__scs_entry_jumppad:
0x0: {  	(pc) =	sbr.rel $0x88, $3  }
0x1: {  	(tag) =	ssettag $0x0;
	lr =	simm.s32 $0x1  }
0x2: {  	[smem:$0x3F88] =	sst lr;
	_ =	strace $0xD0000000  }
0x3: {  	_ = 	snop  }
0x4: {  	_ = 	snop  }
0x5: {  	_ = 	snop  }
0x6: {  	_ = 	snop  }
0x7: {  	_ = 	snop  }
__scs_overlays_trampoline_lowered:
0x8: {  	[smem:$0x3F97] =	sst s0  }
0x9: {  	[smem:$0x3F98] =	sst s1  }
0xa: {  	[smem:$0x3F99] =	sst s2  }
0xb: {  	[smem:$0x3F9A] =	sst s3  }
0xc: {  	[smem:$0x3F9B] =	sst s4  }
0xd: {  	[smem:$0x3F9C] =	sst s5  }
0xe: {  	[smem:$0x3F9D] =	sst s6  }
0xf: {  	[smem:$0x3F9E] =	sst s7  }
0x10: {  	[smem:$0x3F9F] =	sst s8  }
0x11: {  	[smem:$0x3FA0] =	sst s9;
	s0 =	simm.s32 @!p0 $0x0  }
0x12: {  	s1 =	sld [smem:$0x3F86];
	s0 =	simm.s32 @p0 $0x1  }
0x13: {  	[smem:$0x3FA1] =	sst s0;
	s0 =	simm.s32 @!p1 $0x0  }
0x14: {  	s2 =	sld [smem:$0x3F85];
	s0 =	simm.s32 @p1 $0x1  }
0x15: {  	[smem:$0x3FA2] =	sst s0;
	s0 =	simm.s32 @!p2 $0x0  }
0x16: {  	s3 =	sld [smem:$0x3FDB];
	s0 =	simm.s32 @p2 $0x1  }
0x17: {  	s4 =	simm.s32 $0x1BF5;
	[smem:$0x3FA4] =	sst s0  }
0x18: {  	s0 =	sld [smem:$0x3F87];
	_ =	swait.ge [sflag:s4], $0x0  }
0x19: {  	s7 =	sld [smem:$0x3F88]  }
0x1a: {  	s8 =	sadd.s32 $0xFFFFE003, lr  }
0x1b: {  	s9 =	sadd.s32 $0xFFFFFEF7, lr;
	s5 =	simm.s32 $0xFFFFFFFF;
	p2 =	slt.u32 s8, $0xFFFFF086  }
0x1c: {  	p1 =	slt.u32 s9, $0xF7A;
	s5 =	simm.s32 @!p2 $0x0  }
0x1d: {  	s5 =	simm.s32 @p1 $0x1;
	p0 =	seq.s32 s7, s2  }
0x1e: {  	s7 =	smul.u32 @!p0 $0xF7A, s2;
	p2 =	seq.s32 @!p0 s5, $0x0  }
0x1f: {  	s9 =	smul.u32 $0xF7A, s1;
	s8 =	simm.s32 @!p0 $0x1BF5;
	p2 =	por !p2, p0  }
0x20: {  	[sflag:s8] =	ssyncset.s32 @!p0 $0xFFFFF086;
	s6 =	sadd.s32 @!p0 s3, s7;
	s7 =	simm.s32 @!p0 $0x108  }
0x21: {  	s3 =	sadd.s32 s3, s9;
	s6 =	sadd.s32 @!p0 $0x88, s6;
	s7 =	simm.s32 @p2 $0x1082  }
0x22: {  	[simem:s7], [sflag:s8] =	dma.local @!p0 [hbm:s6], $0xF7A  }
0x23: {  	s9 =	sor.u32 $0xD0000000, s2;
	s6 =	simm.s32 $0x108;
	_ =	swait.ge @!p0 [sflag:s8], $0x0  }
0x24: {  	s3 =	sadd.s32 $0x88, s3;
	s6 =	simm.s32 @!p1 $0x1082;
	[sflag:s4] =	ssyncset.s32 $0xFFFFF086  }
0x25: {  	[simem:s6], [sflag:s4] =	dma.local [hbm:s3], $0xF7A  }
0x26: {  	[smem:$0x3F88] =	sst s1;
	(tag) =	ssettag s2;
	_ =	strace s9  }
0x27: {  	s1 =	sld [smem:$0x3F98]  }
0x28: {  	s2 =	sld [smem:$0x3F99]  }
0x29: {  	s4 =	sld [smem:$0x3F9B]  }
0x2a: {  	p0 =	seq.s32 s5, $0x0;
	s5 =	sld [smem:$0x3F9C]  }
0x2b: {  	s6 =	sld [smem:$0x3F9D]  }
0x2c: {  	s7 =	sld [smem:$0x3F9E]  }
0x2d: {  	s3 =	simm.s32 $0x108;
	s8 =	sld [smem:$0x3F9F]  }
0x2e: {  	s3 =	simm.s32 @!p0 $0x1082;
	s9 =	sld [smem:$0x3FA0]  }
0x2f: {  	lr =	sadd.s32 s0, s3;
	s0 =	sld [smem:$0x3F97]  }
0x30: {  	s3 =	sld [smem:$0x3F9A]  }
0x31: {  	[smem:$0x3FA3] =	sst s10  }
0x32: {  	s10 =	sld [smem:$0x3FA1];
	_ =	sdelay $0x3  }
0x33: {  	p0 =	seq.s32 s10, $0x1;
	s10 =	sld [smem:$0x3FA3];
	_ =	sdelay $0x3  }
0x34: {  	[smem:$0x3FA3] =	sst s10  }
0x35: {  	s10 =	sld [smem:$0x3FA2];
	_ =	sdelay $0x3  }
0x36: {  	p1 =	seq.s32 s10, $0x1;
	s10 =	sld [smem:$0x3FA3];
	_ =	sdelay $0x3  }
0x37: {  	[smem:$0x3FA3] =	sst s10  }
0x38: {  	s10 =	sld [smem:$0x3FA4]  }
0x39: {  	_ = 	snop;
	(pc) =	sbr.ind lr, $3  }
0x3a: {  	_ = 	snop  }
0x3b: {  	_ = 	snop  }
0x3c: {  	p2 =	seq.s32 s10, $0x1;
	s10 =	sld [smem:$0x3FA3]  }
0x3d: {  	_ =	shalt  }
0x3e: {  	_ =	shalt  }
0x3f: {  	_ =	shalt  }
0x40: {  	_ =	shalt  }
0x41: {  	_ =	shalt  }
0x42: {  	_ =	shalt  }
0x43: {  	_ =	shalt  }
0x44: {  	_ =	shalt  }
0x45: {  	_ =	shalt  }
0x46: {  	_ =	shalt  }
0x47: {  	_ =	shalt  }
0x48: {  	_ =	shalt  }
0x49: {  	_ =	shalt  }
0x4a: {  	_ =	shalt  }
0x4b: {  	_ =	shalt  }
0x4c: {  	_ =	shalt  }
0x4d: {  	_ =	shalt  }
0x4e: {  	_ =	shalt  }
0x4f: {  	_ =	shalt  }
0x50: {  	_ =	shalt  }
0x51: {  	_ =	shalt  }
0x52: {  	_ =	shalt  }
0x53: {  	_ =	shalt  }
0x54: {  	_ =	shalt  }
0x55: {  	_ =	shalt  }
0x56: {  	_ =	shalt  }
0x57: {  	_ =	shalt  }
0x58: {  	_ =	shalt  }
0x59: {  	_ =	shalt  }
0x5a: {  	_ =	shalt  }
0x5b: {  	_ =	shalt  }
0x5c: {  	_ =	shalt  }
0x5d: {  	_ =	shalt  }
0x5e: {  	_ =	shalt  }
0x5f: {  	_ =	shalt  }
0x60: {  	_ =	shalt  }
0x61: {  	_ =	shalt  }
0x62: {  	_ =	shalt  }
0x63: {  	_ =	shalt  }
0x64: {  	_ =	shalt  }
0x65: {  	_ =	shalt  }
0x66: {  	_ =	shalt  }
0x67: {  	_ =	shalt  }
0x68: {  	_ =	shalt  }
0x69: {  	_ =	shalt  }
0x6a: {  	_ =	shalt  }
0x6b: {  	_ =	shalt  }
0x6c: {  	_ =	shalt  }
0x6d: {  	_ =	shalt  }
0x6e: {  	_ =	shalt  }
0x6f: {  	_ =	shalt  }
0x70: {  	_ =	shalt  }
0x71: {  	_ =	shalt  }
0x72: {  	_ =	shalt  }
0x73: {  	_ =	shalt  }
0x74: {  	_ =	shalt  }
0x75: {  	_ =	shalt  }
0x76: {  	_ =	shalt  }
0x77: {  	_ =	shalt  }
0x78: {  	_ =	shalt  }
0x79: {  	_ =	shalt  }
0x7a: {  	_ =	shalt  }
0x7b: {  	_ =	shalt  }
0x7c: {  	_ =	shalt  }
0x7d: {  	_ =	shalt  }
0x7e: {  	_ =	shalt  }
0x7f: {  	_ =	shalt  }
0x80: {  	_ =	shalt  }
0x81: {  	_ =	shalt  }
0x82: {  	_ =	shalt  }
0x83: {  	_ =	shalt  }
0x84: {  	_ =	shalt  }
0x85: {  	_ =	shalt  }
0x86: {  	_ =	shalt  }
0x87: {  	_ =	shalt  }
.Lfunc_end0:
.L_simem_size_0:
called_computation.1_lowered:
.L_overlay_start_0:
0x88: {  	s2 =	sld [smem:$0x3FD9]  }
0x89: {  	s3 =	sld [smem:$0x3FFE];
	_ =	sdelay $0x1  }
0x8a: {  	s1 =	srdreg.scid  }
0x8b: {  	s0 =	sand.u32 $0x1, s1  }
0x8c: {  	s17 =	sshll.u32 s0, $0xA;
	s2 =	sadd.s32 s3, s2  }
0x8d: {  	s2 =	sadd.s32 s2, s17  }
0x8e: {  	[smem:$0x3FAF] =	sst s2  }
0x8f: {  	_ = 	snop  }
0x90: {  	(tm) =	ssettm $0x1  }
0x91: {  	s18 =	sld [smem:$0x3FFB];
	_ =	sdelay $0x3  }
0x92: {  	_ =	strace s18  }
0x93: {  	s2 =	sld [smem:$0x3FFC];
	_ =	sdelay $0x3  }
0x94: {  	_ =	strace s2  }
0x95: {  	s2 =	sld [smem:$0x3FFD];
	_ =	sdelay $0x3  }
0x96: {  	_ =	strace s2  }
0x97: {  	_ =	strace $0x8FFFFFFF  }
0x98: {  	s19 =	sld [smem:$0x3FDB];
	_ =	sdelay $0x1  }
0x99: {  	s20 =	simm.s32 $_scs_section_size  }
0x9a: {  	s4 =	simm.s32 $_size__tile_overlayer_lowered;
	s5 =	simm.s32 $_tile_overlayer_lowered  }
0x9b: {  	s6 =	simm.s32 $0x1BFF;
	s21 =	sshll.u32 s5, $0x1;
	s3 =	sadd.s32 s20, s19  }
0x9c: {  	s22 =	simm.s32 $0x0;
	s4 =	sshll.u32 s4, $0x1;
	s5 =	sadd.s32 s21, s3  }
0x9d: {  	[timem:s22], [sflag:s6] =	dma.local [hbm:s5], s4  }
0x9e: {  	_ =	swait.ge [sflag:s6], s4  }
0x9f: {  	s4 =	ssub.s32 $0x0, s4;
	[sflag:s6] =	ssyncset.done $0x0  }
0xa0: {  	[sflag:s6] =	ssyncadd.s32 s4;
	_ =	sdelay $0x1  }
0xa1: {  	s23 =	simm.s32 $0x1B8B  }
0xa2: {  	_ =	swait.ge [sflag:s23], $0x1  }
0xa3: {  	[sflag:s23] =	ssyncset.done $0x0  }
0xa4: {  	[sflag:s23] =	ssyncadd.s32 $0xFFFFFFFF  }
0xa5: {  	s4 =	sld [smem:$0x0]  }
0xa6: {  	s5 =	sand.u32 $0xFFFFFFFE, s1  }
0xa7: {  	p0 =	sne.s32 s1, s5  }
0xa8: {  	s5 =	sshll.u32 @p0 s5, $0xE  }
0xa9: {  	s5 =	sadd.s32 @p0 $0x11B8D, s5;
	s6 =	sshll.u32 @p0 s4, $0x11  }
0xaa: {  	s5 =	sor.u32 @p0 s6, s5  }
0xab: {  	[sflag:s5] =	ssyncadd.remote.s32 @p0 $0x1;
	_ =	sdelay $0x1  }
0xac: {  	s5 =	simm.s32 @p0 $0x1B8D  }
0xad: {  	_ =	swait.eq @p0 [sflag:s5], $0x1  }
0xae: {  	[sflag:s5] =	ssyncadd.s32 @p0 $0xFFFFFFFF  }
0xaf: {  	s6 =	sshll.u32 @!p0 s1, $0xE  }
0xb0: {  	s6 =	sor.u32 @!p0 $0x4000, s6;
	s5 =	simm.s32 @!p0 $0x1B8D  }
0xb1: {  	s4 =	sshll.u32 @!p0 s4, $0x11;
	s6 =	sadd.s32 @!p0 $0x11B8D, s6;
	_ =	swait.eq @!p0 [sflag:s5], $0x1  }
0xb2: {  	s4 =	sor.u32 @!p0 s4, s6;
	[sflag:s5] =	ssyncadd.s32 @!p0 $0xFFFFFFFF  }
0xb3: {  	s25 =	simm.s32 $0x1B8E;
	s24 =	sld [smem:$0x3FFE];
	[sflag:s4] =	ssyncadd.remote.s32 @!p0 $0x1  }
0xb4: {  	s26 =	simm.s32 $execute0_lowered;
	[smem:$0x3FD2] =	sst s25  }
0xb5: {  	s5 =	sshll.u32 s26, $0x1;
	_ =	strace $0x80000049;
	[dreg:$0x1] =	wrdreg $0xFFFFFFFF  }
0xb6: {  	s28 =	simm.s32 $_size_execute0_lowered;
	s3 =	sadd.s32 s3, s5;
	[dreg:$0x0] =	wrdreg $0x0  }
0xb7: {  	s5 =	sshll.u32 s28, $0x1;
	[dreg:$0x2] =	wrdreg s3  }
0xb8: {  	[dreg:$0x3] =	wrdreg s5  }
0xb9: {  	[dreg:$0x4] =	wrdreg $0xC0  }
0xba: {  	_ =	task [dreg:s22], $0x5FFFF  }
0xbb: {  	[dreg:$0x1] =	wrdreg $0xFFFFFFFF  }
0xbc: {  	[dreg:$0x0] =	wrdreg $0x60  }
0xbd: {  	[dreg:$0x2] =	wrdreg s24  }
0xbe: {  	[dreg:$0x3] =	wrdreg $0xA  }
0xbf: {  	_ =	task.clear_ibuf [dreg:s22], $0x4FFFF;
	_ =	strace $0x90000049  }
0xc0: {  	s29 =	simm.s32 $0xA;
	_ =	strace $0x8000004B  }
0xc1: {  	_ =	swait.ge [sflag:s29], $0x1  }
0xc2: {  	[sflag:s29] =	ssyncadd.s32 $0xFFFFFFFF  }
0xc3: {  	_ =	strace $0x9000004B  }
0xc4: {  	_ =	sfence  }
0xc5: {  	s30 =	sld [smem:$0x0];
	_ =	sdelay $0x2  }
0xc6: {  	s31 =	sshll.u32 s1, $0xD;
	s1 =	sshrl.u32 s1, $0x2  }
0xc7: {  	s4 =	sand.u32 $0x4000, s31;
	s1 =	sadd.s32 s1, s30  }
0xc8: {  	s0 =	sor.u32 s4, s0;
	s1 =	sshll.u32 s1, $0x11  }
0xc9: {  	s0 =	sor.u32 s1, s0  }
0xca: {  	s0 =	sadd.s32 $0x8F2B, s0  }
0xcb: {  	[sflag:s0] =	ssyncadd.remote.s32 $0x1  }
0xcc: {  	_ =	sfence.sel $0xFFFF  }
0xcd: {  	[dreg:$0x0] =	wrdreg $0xFFFFFFFF;
	(pc) =	sbr.abs _section_cstart, $3  }
0xce: {  	[dreg:$0x1] =	wrdreg $0xFFFFFFFF  }
0xcf: {  	_ =	task.clear_ibuf [dreg:s22], $0x2FFFF;
	_ =	strace $0x9FFFFFFF  }
0xd0: {  	(tm) =	ssettm $0x7FFFFFFF  }
0xd1: {  	_ =	shalt  }
tec
execute0_lowered:
.L_overlay_start_1:
0x0: {  	(tag) =	ssettag $0x1  }
0x1: {  	s4 =	rddreg [dreg:$0x0]  }
0x2: {  	s0 =	rddreg [dreg:$0x1];
	s1 =	stileid.u32  }
0x3: {  	s3 =	srdreg.scid;
	s5 =	smul.u32 $0x1EA00, s1  }
0x4: {  	s2 =	simm.s32 $0x0;
	s6 =	sand.u32 $0x1, s3;
	s7 =	smul.u32 $0x3D40, s1  }
0x5: {  	[smem:$0x7FF] =	sst s2;
	s3 =	sadd.s32 $0x198800, s4;
	s8 =	smul.u32 $0x1EA0, s6  }
0x6: {  	s9 =	sadd.s32 $0x260800, s4;
	s4 =	sadd.s32 $0x7C00, s4;
	s10 =	smul.u32 $0xF500, s6  }
0x7: {  	_ =	strace $0x8000004A;
	s5 =	sadd.s32 s5, s9;
	s7 =	sadd.s32 s8, s7  }
0x8: {  	s6 =	ssub.s32 $0x2, s6;
	s5 =	sadd.s32 s10, s5;
	s8 =	sadd.s32 $0x2A0, s7  }
0x9: {  	[dreg:$0x2] =	wrdreg s5;
	s30 =	sshrl.u32 s7, $0x3;
	s11 =	sadd.s32 $0x230, s7  }
0xa: {  	s15 =	sadd.s32 $0x1C0, s7;
	s19 =	sadd.s32 $0x150, s7;
	s23 =	sadd.s32 $0xE0, s7  }
0xb: {  	s7 =	sadd.s32 $0x70, s7;
	s31 =	sshll.u32 s8, $0x3;
	[dreg:$0x3] =	wrdreg s30  }
0xc: {  	s12 =	sshrl.u32 s8, $0x3;
	s13 =	sshll.u32 s11, $0x3;
	s16 =	sshrl.u32 s11, $0x3  }
0xd: {  	s17 =	sshll.u32 s15, $0x3;
	s20 =	sshrl.u32 s15, $0x3;
	s21 =	sshll.u32 s19, $0x3  }
0xe: {  	s24 =	sshrl.u32 s19, $0x3;
	s25 =	sshll.u32 s23, $0x3;
	s28 =	sshrl.u32 s23, $0x3  }
0xf: {  	s29 =	sshll.u32 s7, $0x3;
	s30 =	sshrl.u32 s6, $0x1;
	[dreg:$0x5] =	wrdreg s12  }
0x10: {  	s7 =	sshrl.u32 s7, $0x3;
	s8 =	simm.s32 $0x310;
	[dreg:$0x7] =	wrdreg s16  }
0x11: {  	s11 =	simm.s32 $0x3B10;
	s15 =	simm.s32 $0x7310;
	[dreg:$0x9] =	wrdreg s20  }
0x12: {  	s19 =	simm.s32 $0xAB10;
	s10 =	sadd.s32 s31, s9;
	[dreg:$0xb] =	wrdreg s24  }
0x13: {  	s14 =	sadd.s32 s13, s9;
	s18 =	sadd.s32 s17, s9;
	[dreg:$0xd] =	wrdreg s28  }
0x14: {  	s22 =	sadd.s32 s21, s9;
	s26 =	sadd.s32 s25, s9;
	[dreg:$0xf] =	wrdreg s7  }
0x15: {  	s31 =	sadd.s32 s29, s9;
	s6 =	ssub.s32 s6, s30;
	[dreg:$0x4] =	wrdreg s10  }
0x16: {  	s7 =	simm.s32 $0x70;
	s9 =	simm.s32 $0x1F10;
	[dreg:$0x6] =	wrdreg s14  }
0x17: {  	s12 =	simm.s32 $0x150;
	s13 =	simm.s32 $0x5710;
	[dreg:$0x8] =	wrdreg s18  }
0x18: {  	s16 =	simm.s32 $0x230;
	s17 =	simm.s32 $0x8F10;
	[dreg:$0xa] =	wrdreg s22  }
0x19: {  	s20 =	simm.s32 $0x1;
	s21 =	simm.s32 $0x0;
	[dreg:$0xc] =	wrdreg s26  }
0x1a: {  	[dreg:$0xe] =	wrdreg s31;
	s5 =	smax.u32 s6, $0x1;
	s6 =	simm.s32 $0x2  }
0x1b: {  	s10 =	simm.s32 $0xE0;
	s14 =	simm.s32 $0x1C0;
	s18 =	simm.s32 $0x2A0  }
.LBB2_1:
0x1c: {  	s22 =	rddreg [dreg:$0x3]  }
0x1d: {  	s22 =	sadd.s32 s4, s22  }
0x1e: {  	[tilespmem:s2], [sflag:$0x2] =	stream.linear.gather [hbm4b:s22+s2], $0x70, $0x38;
	[tilespmem:$0xC710] =	vst v63  }
0x1f: {  	_ =	swait.ge [sflag:s6], $0x70  }
0x20: {  	[sflag:s6] =	ssyncset.done $0x0  }
0x21: {  	s26 =	rddreg [dreg:$0xf];
	[sflag:s6] =	ssyncadd.s32 $0xFFFFFF90  }
0x22: {  	[tilespmem:s8], [sflag:$0x1] =	stream.indirect.gather [hbm4b:s3+s7], $0x40, s2, s7, $0xb8;
	[tilespmem:$0xC710] =	vst v63  }
0x23: {  	s22 =	sadd.s32 s4, s26  }
0x24: {  	[tilespmem:s7], [sflag:$0x2] =	stream.linear.gather [hbm4b:s22+s2], $0x70, $0x38;
	[tilespmem:$0xC710] =	vst v63  }
0x25: {  	_ =	swait.ge [sflag:s6], $0x70  }
0x26: {  	[sflag:s6] =	ssyncset.done $0x0  }
0x27: {  	s28 =	rddreg [dreg:$0xd];
	[sflag:s6] =	ssyncadd.s32 $0xFFFFFF90  }
0x28: {  	[tilespmem:s9], [sflag:$0x1] =	stream.indirect.gather [hbm4b:s3+s7], $0x40, s7, s7, $0xb8;
	[tilespmem:$0xC710] =	vst v63  }
0x29: {  	s22 =	sadd.s32 s4, s28  }
0x2a: {  	[tilespmem:s10], [sflag:$0x2] =	stream.linear.gather [hbm4b:s22+s2], $0x70, $0x38;
	[tilespmem:$0xC710] =	vst v63  }
0x2b: {  	_ =	swait.ge [sflag:s6], $0x70  }
0x2c: {  	[sflag:s6] =	ssyncset.done $0x0  }
0x2d: {  	s29 =	rddreg [dreg:$0xb];
	[sflag:s6] =	ssyncadd.s32 $0xFFFFFF90  }
0x2e: {  	[tilespmem:s11], [sflag:$0x1] =	stream.indirect.gather [hbm4b:s3+s7], $0x40, s10, s7, $0xb8;
	[tilespmem:$0xC710] =	vst v63  }
0x2f: {  	s22 =	sadd.s32 s4, s29  }
0x30: {  	[tilespmem:s12], [sflag:$0x2] =	stream.linear.gather [hbm4b:s22+s2], $0x70, $0x38;
	[tilespmem:$0xC710] =	vst v63  }
0x31: {  	_ =	swait.ge [sflag:s6], $0x70  }
0x32: {  	[sflag:s6] =	ssyncset.done $0x0  }
0x33: {  	s30 =	rddreg [dreg:$0x9];
	[sflag:s6] =	ssyncadd.s32 $0xFFFFFF90  }
0x34: {  	[tilespmem:s13], [sflag:$0x1] =	stream.indirect.gather [hbm4b:s3+s7], $0x40, s12, s7, $0xb8;
	[tilespmem:$0xC710] =	vst v63  }
0x35: {  	s22 =	sadd.s32 s4, s30  }
0x36: {  	[tilespmem:s14], [sflag:$0x2] =	stream.linear.gather [hbm4b:s22+s2], $0x70, $0x38;
	[tilespmem:$0xC710] =	vst v63  }
0x37: {  	_ =	swait.ge [sflag:s6], $0x70  }
0x38: {  	[sflag:s6] =	ssyncset.done $0x0  }
0x39: {  	s31 =	rddreg [dreg:$0x7];
	[sflag:s6] =	ssyncadd.s32 $0xFFFFFF90  }
0x3a: {  	[tilespmem:s15], [sflag:$0x1] =	stream.indirect.gather [hbm4b:s3+s7], $0x40, s14, s7, $0xb8;
	[tilespmem:$0xC710] =	vst v63  }
0x3b: {  	s22 =	sadd.s32 s4, s31  }
0x3c: {  	[tilespmem:s16], [sflag:$0x2] =	stream.linear.gather [hbm4b:s22+s2], $0x70, $0x38;
	[tilespmem:$0xC710] =	vst v63  }
0x3d: {  	_ =	swait.ge [sflag:s6], $0x70  }
0x3e: {  	[sflag:s6] =	ssyncset.done $0x0  }
0x3f: {  	s23 =	rddreg [dreg:$0x5];
	[sflag:s6] =	ssyncadd.s32 $0xFFFFFF90  }
0x40: {  	[tilespmem:s17], [sflag:$0x1] =	stream.indirect.gather [hbm4b:s3+s7], $0x40, s16, s7, $0xb8;
	[tilespmem:$0xC710] =	vst v63  }
0x41: {  	s22 =	sadd.s32 s4, s23  }
0x42: {  	[tilespmem:s18], [sflag:$0x2] =	stream.linear.gather [hbm4b:s22+s2], $0x70, $0x38;
	[tilespmem:$0xC710] =	vst v63  }
0x43: {  	_ =	swait.ge [sflag:s6], $0x70  }
0x44: {  	[sflag:s6] =	ssyncset.done $0x0  }
0x45: {  	[sflag:s6] =	ssyncadd.s32 $0xFFFFFF90  }
0x46: {  	[tilespmem:s19], [sflag:$0x1] =	stream.indirect.gather [hbm4b:s3+s7], $0x40, s18, s7, $0xb8;
	[tilespmem:$0xC710] =	vst v63  }
0x47: {  	_ =	swait.ge [sflag:s20], $0x1C00  }
0x48: {  	s24 =	rddreg [dreg:$0x2];
	[sflag:s20] =	ssyncset.done $0x0  }
0x49: {  	[sflag:s20] =	ssyncadd.s32 $0xFFFFE400;
	s22 =	sadd.s32 $0x0, s24  }
0x4a: {  	[hbm4b:s22+s2] =	stream.linear.scatter [tilespmem:s8], [sflag:$0x2], $0x1C00, $0x38;
	[tilespmem:$0xC710] =	vst v63  }
0x4b: {  	_ =	swait.ge [sflag:s6], $0x1C00  }
0x4c: {  	[sflag:s6] =	ssyncset.done $0x0  }
0x4d: {  	[sflag:s6] =	ssyncadd.s32 $0xFFFFE400  }
0x4e: {  	_ =	swait.ge [sflag:s20], $0x1C00  }
0x4f: {  	s25 =	rddreg [dreg:$0xe];
	[sflag:s20] =	ssyncset.done $0x0  }
0x50: {  	[sflag:s20] =	ssyncadd.s32 $0xFFFFE400;
	s22 =	sadd.s32 $0x0, s25  }
0x51: {  	[hbm4b:s22+s2] =	stream.linear.scatter [tilespmem:s9], [sflag:$0x2], $0x1C00, $0x38;
	[tilespmem:$0xC710] =	vst v63  }
0x52: {  	_ =	swait.ge [sflag:s6], $0x1C00  }
0x53: {  	[sflag:s6] =	ssyncset.done $0x0  }
0x54: {  	[sflag:s6] =	ssyncadd.s32 $0xFFFFE400  }
0x55: {  	_ =	swait.ge [sflag:s20], $0x1C00  }
0x56: {  	s26 =	rddreg [dreg:$0xc];
	[sflag:s20] =	ssyncset.done $0x0  }
0x57: {  	[sflag:s20] =	ssyncadd.s32 $0xFFFFE400;
	s22 =	sadd.s32 $0x0, s26  }
0x58: {  	[hbm4b:s22+s2] =	stream.linear.scatter [tilespmem:s11], [sflag:$0x2], $0x1C00, $0x38;
	[tilespmem:$0xC710] =	vst v63  }
0x59: {  	_ =	swait.ge [sflag:s6], $0x1C00  }
0x5a: {  	[sflag:s6] =	ssyncset.done $0x0  }
0x5b: {  	[sflag:s6] =	ssyncadd.s32 $0xFFFFE400  }
0x5c: {  	_ =	swait.ge [sflag:s20], $0x1C00  }
0x5d: {  	s28 =	rddreg [dreg:$0xa];
	[sflag:s20] =	ssyncset.done $0x0  }
0x5e: {  	[sflag:s20] =	ssyncadd.s32 $0xFFFFE400;
	s22 =	sadd.s32 $0x0, s28  }
0x5f: {  	[hbm4b:s22+s2] =	stream.linear.scatter [tilespmem:s13], [sflag:$0x2], $0x1C00, $0x38;
	[tilespmem:$0xC710] =	vst v63  }
0x60: {  	_ =	swait.ge [sflag:s6], $0x1C00  }
0x61: {  	[sflag:s6] =	ssyncset.done $0x0  }
0x62: {  	[sflag:s6] =	ssyncadd.s32 $0xFFFFE400  }
0x63: {  	_ =	swait.ge [sflag:s20], $0x1C00  }
0x64: {  	s29 =	rddreg [dreg:$0x8];
	[sflag:s20] =	ssyncset.done $0x0  }
0x65: {  	[sflag:s20] =	ssyncadd.s32 $0xFFFFE400;
	s22 =	sadd.s32 $0x0, s29  }
0x66: {  	[hbm4b:s22+s2] =	stream.linear.scatter [tilespmem:s15], [sflag:$0x2], $0x1C00, $0x38;
	[tilespmem:$0xC710] =	vst v63  }
0x67: {  	_ =	swait.ge [sflag:s6], $0x1C00  }
0x68: {  	[sflag:s6] =	ssyncset.done $0x0  }
0x69: {  	[sflag:s6] =	ssyncadd.s32 $0xFFFFE400  }
0x6a: {  	_ =	swait.ge [sflag:s20], $0x1C00  }
0x6b: {  	s30 =	rddreg [dreg:$0x6];
	[sflag:s20] =	ssyncset.done $0x0  }
0x6c: {  	[sflag:s20] =	ssyncadd.s32 $0xFFFFE400;
	s22 =	sadd.s32 $0x0, s30  }
0x6d: {  	[hbm4b:s22+s2] =	stream.linear.scatter [tilespmem:s17], [sflag:$0x2], $0x1C00, $0x38;
	[tilespmem:$0xC710] =	vst v63  }
0x6e: {  	_ =	swait.ge [sflag:s6], $0x1C00  }
0x6f: {  	[sflag:s6] =	ssyncset.done $0x0  }
0x70: {  	[sflag:s6] =	ssyncadd.s32 $0xFFFFE400  }
0x71: {  	_ =	swait.ge [sflag:s20], $0x1C00  }
0x72: {  	s31 =	rddreg [dreg:$0x4];
	[sflag:s20] =	ssyncset.done $0x0  }
0x73: {  	[sflag:s20] =	ssyncadd.s32 $0xFFFFE400;
	s22 =	sadd.s32 $0x0, s31  }
0x74: {  	[hbm4b:s22+s2] =	stream.linear.scatter [tilespmem:s19], [sflag:$0x2], $0x1C00, $0x38;
	[tilespmem:$0xC710] =	vst v63  }
0x75: {  	s23 =	simm.s32 $0x3100;
	s24 =	smov.u32 s4;
	_ =	swait.ge [sflag:s6], $0x1C00  }
0x76: {  	s22 =	simm.s32 $0x1880;
	s26 =	rddreg [dreg:$0x3];
	[sflag:s6] =	ssyncset.done $0x0  }
.LBB2_2:
0x77: {  	s24 =	sadd.s32 $0x62, s24  }
0x78: {  	[sflag:s6] =	ssyncadd.s32 $0xFFFFE400;
	s26 =	sadd.s32 s24, s26  }
0x79: {  	[tilespmem:s2], [sflag:$0x2] =	stream.linear.gather [hbm4b:s26+s2], $0x70, $0x38;
	[tilespmem:$0xC710] =	vst v63  }
0x7a: {  	_ =	swait.ge [sflag:s6], $0x70  }
0x7b: {  	[sflag:s6] =	ssyncset.done $0x0  }
0x7c: {  	s31 =	rddreg [dreg:$0xf];
	[sflag:s6] =	ssyncadd.s32 $0xFFFFFF90  }
0x7d: {  	[tilespmem:s8], [sflag:$0x1] =	stream.indirect.gather [hbm4b:s3+s7], $0x40, s2, s7, $0xb8;
	[tilespmem:$0xC710] =	vst v63  }
0x7e: {  	s26 =	sadd.s32 s24, s31  }
0x7f: {  	[tilespmem:s7], [sflag:$0x2] =	stream.linear.gather [hbm4b:s26+s2], $0x70, $0x38;
	[tilespmem:$0xC710] =	vst v63  }
0x80: {  	_ =	swait.ge [sflag:s6], $0x70  }
0x81: {  	[sflag:s6] =	ssyncset.done $0x0  }
0x82: {  	s28 =	rddreg [dreg:$0xd];
	[sflag:s6] =	ssyncadd.s32 $0xFFFFFF90  }
0x83: {  	[tilespmem:s9], [sflag:$0x1] =	stream.indirect.gather [hbm4b:s3+s7], $0x40, s7, s7, $0xb8;
	[tilespmem:$0xC710] =	vst v63  }
0x84: {  	s26 =	sadd.s32 s24, s28  }
0x85: {  	[tilespmem:s10], [sflag:$0x2] =	stream.linear.gather [hbm4b:s26+s2], $0x70, $0x38;
	[tilespmem:$0xC710] =	vst v63  }
0x86: {  	_ =	swait.ge [sflag:s6], $0x70  }
0x87: {  	[sflag:s6] =	ssyncset.done $0x0  }
0x88: {  	s29 =	rddreg [dreg:$0xb];
	[sflag:s6] =	ssyncadd.s32 $0xFFFFFF90  }
0x89: {  	[tilespmem:s11], [sflag:$0x1] =	stream.indirect.gather [hbm4b:s3+s7], $0x40, s10, s7, $0xb8;
	[tilespmem:$0xC710] =	vst v63  }
0x8a: {  	s26 =	sadd.s32 s24, s29  }
0x8b: {  	[tilespmem:s12], [sflag:$0x2] =	stream.linear.gather [hbm4b:s26+s2], $0x70, $0x38;
	[tilespmem:$0xC710] =	vst v63  }
0x8c: {  	_ =	swait.ge [sflag:s6], $0x70  }
0x8d: {  	[sflag:s6] =	ssyncset.done $0x0  }
0x8e: {  	s30 =	rddreg [dreg:$0x9];
	[sflag:s6] =	ssyncadd.s32 $0xFFFFFF90  }
0x8f: {  	[tilespmem:s13], [sflag:$0x1] =	stream.indirect.gather [hbm4b:s3+s7], $0x40, s12, s7, $0xb8;
	[tilespmem:$0xC710] =	vst v63  }
0x90: {  	s26 =	sadd.s32 s24, s30  }
0x91: {  	[tilespmem:s14], [sflag:$0x2] =	stream.linear.gather [hbm4b:s26+s2], $0x70, $0x38;
	[tilespmem:$0xC710] =	vst v63  }
0x92: {  	_ =	swait.ge [sflag:s6], $0x70  }
0x93: {  	[sflag:s6] =	ssyncset.done $0x0  }
0x94: {  	s31 =	rddreg [dreg:$0x7];
	[sflag:s6] =	ssyncadd.s32 $0xFFFFFF90  }
0x95: {  	[tilespmem:s15], [sflag:$0x1] =	stream.indirect.gather [hbm4b:s3+s7], $0x40, s14, s7, $0xb8;
	[tilespmem:$0xC710] =	vst v63  }
0x96: {  	s26 =	sadd.s32 s24, s31  }
0x97: {  	[tilespmem:s16], [sflag:$0x2] =	stream.linear.gather [hbm4b:s26+s2], $0x70, $0x38;
	[tilespmem:$0xC710] =	vst v63  }
0x98: {  	_ =	swait.ge [sflag:s6], $0x70  }
0x99: {  	[sflag:s6] =	ssyncset.done $0x0  }
0x9a: {  	s28 =	rddreg [dreg:$0x5];
	[sflag:s6] =	ssyncadd.s32 $0xFFFFFF90  }
0x9b: {  	[tilespmem:s17], [sflag:$0x1] =	stream.indirect.gather [hbm4b:s3+s7], $0x40, s16, s7, $0xb8;
	[tilespmem:$0xC710] =	vst v63  }
0x9c: {  	s26 =	sadd.s32 s24, s28  }
0x9d: {  	[tilespmem:s18], [sflag:$0x2] =	stream.linear.gather [hbm4b:s26+s2], $0x70, $0x38;
	[tilespmem:$0xC710] =	vst v63  }
0x9e: {  	_ =	swait.ge [sflag:s6], $0x70  }
0x9f: {  	[sflag:s6] =	ssyncset.done $0x0  }
0xa0: {  	[sflag:s6] =	ssyncadd.s32 $0xFFFFFF90  }
0xa1: {  	[tilespmem:s19], [sflag:$0x1] =	stream.indirect.gather [hbm4b:s3+s7], $0x40, s18, s7, $0xb8;
	[tilespmem:$0xC710] =	vst v63  }
0xa2: {  	_ =	swait.ge [sflag:s20], $0x1C00  }
0xa3: {  	s29 =	rddreg [dreg:$0x2];
	[sflag:s20] =	ssyncset.done $0x0  }
0xa4: {  	[sflag:s20] =	ssyncadd.s32 $0xFFFFE400;
	s26 =	sadd.s32 s22, s29  }
0xa5: {  	[hbm4b:s26+s2] =	stream.linear.scatter [tilespmem:s8], [sflag:$0x2], $0x1C00, $0x38;
	[tilespmem:$0xC710] =	vst v63  }
0xa6: {  	_ =	swait.ge [sflag:s6], $0x1C00  }
0xa7: {  	[sflag:s6] =	ssyncset.done $0x0  }
0xa8: {  	[sflag:s6] =	ssyncadd.s32 $0xFFFFE400  }
0xa9: {  	_ =	swait.ge [sflag:s20], $0x1C00  }
0xaa: {  	s30 =	rddreg [dreg:$0xe];
	[sflag:s20] =	ssyncset.done $0x0  }
0xab: {  	[sflag:s20] =	ssyncadd.s32 $0xFFFFE400;
	s26 =	sadd.s32 s22, s30  }
0xac: {  	[hbm4b:s26+s2] =	stream.linear.scatter [tilespmem:s9], [sflag:$0x2], $0x1C00, $0x38;
	[tilespmem:$0xC710] =	vst v63  }
0xad: {  	_ =	swait.ge [sflag:s6], $0x1C00  }
0xae: {  	[sflag:s6] =	ssyncset.done $0x0  }
0xaf: {  	[sflag:s6] =	ssyncadd.s32 $0xFFFFE400  }
0xb0: {  	_ =	swait.ge [sflag:s20], $0x1C00  }
0xb1: {  	s31 =	rddreg [dreg:$0xc];
	[sflag:s20] =	ssyncset.done $0x0  }
0xb2: {  	[sflag:s20] =	ssyncadd.s32 $0xFFFFE400;
	s26 =	sadd.s32 s22, s31  }
0xb3: {  	[hbm4b:s26+s2] =	stream.linear.scatter [tilespmem:s11], [sflag:$0x2], $0x1C00, $0x38;
	[tilespmem:$0xC710] =	vst v63  }
0xb4: {  	_ =	swait.ge [sflag:s6], $0x1C00  }
0xb5: {  	[sflag:s6] =	ssyncset.done $0x0  }
0xb6: {  	[sflag:s6] =	ssyncadd.s32 $0xFFFFE400  }
0xb7: {  	_ =	swait.ge [sflag:s20], $0x1C00  }
0xb8: {  	s28 =	rddreg [dreg:$0xa];
	[sflag:s20] =	ssyncset.done $0x0  }
0xb9: {  	[sflag:s20] =	ssyncadd.s32 $0xFFFFE400;
	s26 =	sadd.s32 s22, s28  }
0xba: {  	[hbm4b:s26+s2] =	stream.linear.scatter [tilespmem:s13], [sflag:$0x2], $0x1C00, $0x38;
	[tilespmem:$0xC710] =	vst v63  }
0xbb: {  	_ =	swait.ge [sflag:s6], $0x1C00  }
0xbc: {  	[sflag:s6] =	ssyncset.done $0x0  }
0xbd: {  	[sflag:s6] =	ssyncadd.s32 $0xFFFFE400  }
0xbe: {  	_ =	swait.ge [sflag:s20], $0x1C00  }
0xbf: {  	s29 =	rddreg [dreg:$0x8];
	[sflag:s20] =	ssyncset.done $0x0  }
0xc0: {  	[sflag:s20] =	ssyncadd.s32 $0xFFFFE400;
	s26 =	sadd.s32 s22, s29  }
0xc1: {  	[hbm4b:s26+s2] =	stream.linear.scatter [tilespmem:s15], [sflag:$0x2], $0x1C00, $0x38;
	[tilespmem:$0xC710] =	vst v63  }
0xc2: {  	_ =	swait.ge [sflag:s6], $0x1C00  }
0xc3: {  	[sflag:s6] =	ssyncset.done $0x0  }
0xc4: {  	[sflag:s6] =	ssyncadd.s32 $0xFFFFE400  }
0xc5: {  	_ =	swait.ge [sflag:s20], $0x1C00  }
0xc6: {  	s30 =	rddreg [dreg:$0x6];
	[sflag:s20] =	ssyncset.done $0x0  }
0xc7: {  	[sflag:s20] =	ssyncadd.s32 $0xFFFFE400;
	s26 =	sadd.s32 s22, s30  }
0xc8: {  	[hbm4b:s26+s2] =	stream.linear.scatter [tilespmem:s17], [sflag:$0x2], $0x1C00, $0x38;
	[tilespmem:$0xC710] =	vst v63  }
0xc9: {  	_ =	swait.ge [sflag:s6], $0x1C00  }
0xca: {  	[sflag:s6] =	ssyncset.done $0x0  }
0xcb: {  	[sflag:s6] =	ssyncadd.s32 $0xFFFFE400  }
0xcc: {  	p0 =	sne.s32 s23, $0xDC80;
	_ =	swait.ge [sflag:s20], $0x1C00  }
.Ltmp0:
0xcd: {  	s31 =	rddreg [dreg:$0x4];
	[sflag:s20] =	ssyncset.done $0x0;
	(pc) =	sbr.rel @p0 .LBB2_2-.Ltmp0, $4  }
0xce: {  	[sflag:s20] =	ssyncadd.s32 $0xFFFFE400;
	s26 =	sadd.s32 s22, s31  }
0xcf: {  	[hbm4b:s26+s2] =	stream.linear.scatter [tilespmem:s19], [sflag:$0x2], $0x1C00, $0x38;
	[tilespmem:$0xC710] =	vst v63  }
0xd0: {  	s25 =	smov.u32 s23;
	s23 =	sadd.s32 $0x1880, s23;
	_ =	swait.ge [sflag:s6], $0x1C00  }
0xd1: {  	s22 =	smov.u32 s25;
	s26 =	rddreg [dreg:$0x3];
	[sflag:s6] =	ssyncset.done $0x0  }
0xd2: {  	s23 =	sadd.s32 $0x62, s24  }
0xd3: {  	[sflag:s6] =	ssyncadd.s32 $0xFFFFE400;
	s24 =	sadd.s32 s23, s26  }
0xd4: {  	[tilespmem:s2], [sflag:$0x2] =	stream.linear.gather [hbm4b:s24+s2], $0x70, $0x38;
	[tilespmem:$0xC710] =	vst v63  }
0xd5: {  	_ =	swait.ge [sflag:s6], $0x70  }
0xd6: {  	[sflag:s6] =	ssyncset.done $0x0  }
0xd7: {  	s31 =	rddreg [dreg:$0xf];
	[sflag:s6] =	ssyncadd.s32 $0xFFFFFF90  }
0xd8: {  	[tilespmem:s8], [sflag:$0x1] =	stream.indirect.gather [hbm4b:s3+s7], $0x40, s2, s7, $0xb8;
	[tilespmem:$0xC710] =	vst v63  }
0xd9: {  	s24 =	sadd.s32 s23, s31  }
0xda: {  	[tilespmem:s7], [sflag:$0x2] =	stream.linear.gather [hbm4b:s24+s2], $0x70, $0x38;
	[tilespmem:$0xC710] =	vst v63  }
0xdb: {  	_ =	swait.ge [sflag:s6], $0x70  }
0xdc: {  	[sflag:s6] =	ssyncset.done $0x0  }
0xdd: {  	s25 =	rddreg [dreg:$0xd];
	[sflag:s6] =	ssyncadd.s32 $0xFFFFFF90  }
0xde: {  	[tilespmem:s9], [sflag:$0x1] =	stream.indirect.gather [hbm4b:s3+s7], $0x40, s7, s7, $0xb8;
	[tilespmem:$0xC710] =	vst v63  }
0xdf: {  	s24 =	sadd.s32 s23, s25  }
0xe0: {  	[tilespmem:s10], [sflag:$0x2] =	stream.linear.gather [hbm4b:s24+s2], $0x70, $0x38;
	[tilespmem:$0xC710] =	vst v63  }
0xe1: {  	_ =	swait.ge [sflag:s6], $0x70  }
0xe2: {  	[sflag:s6] =	ssyncset.done $0x0  }
0xe3: {  	s26 =	rddreg [dreg:$0xb];
	[sflag:s6] =	ssyncadd.s32 $0xFFFFFF90  }
0xe4: {  	[tilespmem:s11], [sflag:$0x1] =	stream.indirect.gather [hbm4b:s3+s7], $0x40, s10, s7, $0xb8;
	[tilespmem:$0xC710] =	vst v63  }
0xe5: {  	s24 =	sadd.s32 s23, s26  }
0xe6: {  	[tilespmem:s12], [sflag:$0x2] =	stream.linear.gather [hbm4b:s24+s2], $0x70, $0x38;
	[tilespmem:$0xC710] =	vst v63  }
0xe7: {  	_ =	swait.ge [sflag:s6], $0x70  }
0xe8: {  	[sflag:s6] =	ssyncset.done $0x0  }
0xe9: {  	s28 =	rddreg [dreg:$0x9];
	[sflag:s6] =	ssyncadd.s32 $0xFFFFFF90  }
0xea: {  	[tilespmem:s13], [sflag:$0x1] =	stream.indirect.gather [hbm4b:s3+s7], $0x40, s12, s7, $0xb8;
	[tilespmem:$0xC710] =	vst v63  }
0xeb: {  	s24 =	sadd.s32 s23, s28  }
0xec: {  	[tilespmem:s14], [sflag:$0x2] =	stream.linear.gather [hbm4b:s24+s2], $0x70, $0x38;
	[tilespmem:$0xC710] =	vst v63  }
0xed: {  	_ =	swait.ge [sflag:s6], $0x70  }
0xee: {  	[sflag:s6] =	ssyncset.done $0x0  }
0xef: {  	s29 =	rddreg [dreg:$0x7];
	[sflag:s6] =	ssyncadd.s32 $0xFFFFFF90  }
0xf0: {  	[tilespmem:s15], [sflag:$0x1] =	stream.indirect.gather [hbm4b:s3+s7], $0x40, s14, s7, $0xb8;
	[tilespmem:$0xC710] =	vst v63  }
0xf1: {  	s24 =	sadd.s32 s23, s29  }
0xf2: {  	[tilespmem:s16], [sflag:$0x2] =	stream.linear.gather [hbm4b:s24+s2], $0x70, $0x38;
	[tilespmem:$0xC710] =	vst v63  }
0xf3: {  	_ =	swait.ge [sflag:s6], $0x70  }
0xf4: {  	[sflag:s6] =	ssyncset.done $0x0  }
0xf5: {  	s30 =	rddreg [dreg:$0x5];
	[sflag:s6] =	ssyncadd.s32 $0xFFFFFF90  }
0xf6: {  	[tilespmem:s17], [sflag:$0x1] =	stream.indirect.gather [hbm4b:s3+s7], $0x40, s16, s7, $0xb8;
	[tilespmem:$0xC710] =	vst v63  }
0xf7: {  	s23 =	sadd.s32 s23, s30  }
0xf8: {  	[tilespmem:s18], [sflag:$0x2] =	stream.linear.gather [hbm4b:s23+s2], $0x70, $0x38;
	[tilespmem:$0xC710] =	vst v63  }
0xf9: {  	_ =	swait.ge [sflag:s6], $0x70  }
0xfa: {  	[sflag:s6] =	ssyncset.done $0x0  }
0xfb: {  	[sflag:s6] =	ssyncadd.s32 $0xFFFFFF90  }
0xfc: {  	[tilespmem:s19], [sflag:$0x1] =	stream.indirect.gather [hbm4b:s3+s7], $0x40, s18, s7, $0xb8;
	[tilespmem:$0xC710] =	vst v63  }
0xfd: {  	_ =	swait.ge [sflag:s20], $0x1C00  }
0xfe: {  	s31 =	rddreg [dreg:$0x2];
	[sflag:s20] =	ssyncset.done $0x0  }
0xff: {  	[sflag:s20] =	ssyncadd.s32 $0xFFFFE400;
	s23 =	sadd.s32 s22, s31  }
0x100: {  	[hbm4b:s23+s2] =	stream.linear.scatter [tilespmem:s8], [sflag:$0x2], $0x1C00, $0x38;
	[tilespmem:$0xC710] =	vst v63  }
0x101: {  	_ =	swait.ge [sflag:s6], $0x1C00  }
0x102: {  	[sflag:s6] =	ssyncset.done $0x0  }
0x103: {  	[sflag:s6] =	ssyncadd.s32 $0xFFFFE400  }
0x104: {  	_ =	swait.ge [sflag:s20], $0x1C00  }
0x105: {  	s24 =	rddreg [dreg:$0xe];
	[sflag:s20] =	ssyncset.done $0x0  }
0x106: {  	[sflag:s20] =	ssyncadd.s32 $0xFFFFE400;
	s23 =	sadd.s32 s22, s24  }
0x107: {  	[hbm4b:s23+s2] =	stream.linear.scatter [tilespmem:s9], [sflag:$0x2], $0x1C00, $0x38;
	[tilespmem:$0xC710] =	vst v63  }
0x108: {  	_ =	swait.ge [sflag:s6], $0x1C00  }
0x109: {  	[sflag:s6] =	ssyncset.done $0x0  }
0x10a: {  	[sflag:s6] =	ssyncadd.s32 $0xFFFFE400  }
0x10b: {  	_ =	swait.ge [sflag:s20], $0x1C00  }
0x10c: {  	s25 =	rddreg [dreg:$0xc];
	[sflag:s20] =	ssyncset.done $0x0  }
0x10d: {  	[sflag:s20] =	ssyncadd.s32 $0xFFFFE400;
	s23 =	sadd.s32 s22, s25  }
0x10e: {  	[hbm4b:s23+s2] =	stream.linear.scatter [tilespmem:s11], [sflag:$0x2], $0x1C00, $0x38;
	[tilespmem:$0xC710] =	vst v63  }
0x10f: {  	_ =	swait.ge [sflag:s6], $0x1C00  }
0x110: {  	[sflag:s6] =	ssyncset.done $0x0  }
0x111: {  	[sflag:s6] =	ssyncadd.s32 $0xFFFFE400  }
0x112: {  	_ =	swait.ge [sflag:s20], $0x1C00  }
0x113: {  	s26 =	rddreg [dreg:$0xa];
	[sflag:s20] =	ssyncset.done $0x0  }
0x114: {  	[sflag:s20] =	ssyncadd.s32 $0xFFFFE400;
	s23 =	sadd.s32 s22, s26  }
0x115: {  	[hbm4b:s23+s2] =	stream.linear.scatter [tilespmem:s13], [sflag:$0x2], $0x1C00, $0x38;
	[tilespmem:$0xC710] =	vst v63  }
0x116: {  	_ =	swait.ge [sflag:s6], $0x1C00  }
0x117: {  	[sflag:s6] =	ssyncset.done $0x0  }
0x118: {  	[sflag:s6] =	ssyncadd.s32 $0xFFFFE400  }
0x119: {  	_ =	swait.ge [sflag:s20], $0x1C00  }
0x11a: {  	s28 =	rddreg [dreg:$0x8];
	[sflag:s20] =	ssyncset.done $0x0  }
0x11b: {  	[sflag:s20] =	ssyncadd.s32 $0xFFFFE400;
	s23 =	sadd.s32 s22, s28  }
0x11c: {  	[hbm4b:s23+s2] =	stream.linear.scatter [tilespmem:s15], [sflag:$0x2], $0x1C00, $0x38;
	[tilespmem:$0xC710] =	vst v63  }
0x11d: {  	_ =	swait.ge [sflag:s6], $0x1C00  }
0x11e: {  	[sflag:s6] =	ssyncset.done $0x0  }
0x11f: {  	[sflag:s6] =	ssyncadd.s32 $0xFFFFE400  }
0x120: {  	_ =	swait.ge [sflag:s20], $0x1C00  }
0x121: {  	s29 =	rddreg [dreg:$0x6];
	[sflag:s20] =	ssyncset.done $0x0  }
0x122: {  	[sflag:s20] =	ssyncadd.s32 $0xFFFFE400;
	s23 =	sadd.s32 s22, s29  }
0x123: {  	[hbm4b:s23+s2] =	stream.linear.scatter [tilespmem:s17], [sflag:$0x2], $0x1C00, $0x38;
	[tilespmem:$0xC710] =	vst v63  }
0x124: {  	_ =	swait.ge [sflag:s6], $0x1C00  }
0x125: {  	[sflag:s6] =	ssyncset.done $0x0  }
0x126: {  	[sflag:s6] =	ssyncadd.s32 $0xFFFFE400  }
0x127: {  	s21 =	sadd.s32 $0x1, s21;
	_ =	swait.ge [sflag:s20], $0x1C00  }
0x128: {  	p0 =	sne.s32 s21, s5;
	s30 =	rddreg [dreg:$0x4];
	[sflag:s20] =	ssyncset.done $0x0  }
.Ltmp1:
0x129: {  	[sflag:s20] =	ssyncadd.s32 $0xFFFFE400;
	s31 =	sadd.s32 s22, s30;
	(pc) =	sbr.rel @p0 .LBB2_1-.Ltmp1, $4  }
0x12a: {  	[hbm4b:s31+s2] =	stream.linear.scatter [tilespmem:s19], [sflag:$0x2], $0x1C00, $0x38;
	[tilespmem:$0xC710] =	vst v63  }
0x12b: {  	_ =	swait.ge [sflag:s6], $0x1C00  }
0x12c: {  	[sflag:s6] =	ssyncset.done $0x0  }
0x12d: {  	[sflag:s6] =	ssyncadd.s32 $0xFFFFE400  }
0x12e: {  	_ =	sfence.sel $0x180000  }
0x12f: {  	[bflag:$0x0] =	sbarrier.arrive $0xFFFF  }
0x130: {  	p0 =	sne.s32 s1, $0x0;
	_ =	strace $0x9000004A  }
0x131: {  	s0 =	sadd.s32 @!p0 $0x100000, s0;
	[bflag:$0x2] =	sbarrier.arrive $0xFFFF  }
0x132: {  	[sflag:s0] =	ssyncadd.tile.s32 @!p0 $0x1;
	_ =	shalt  }
.Lfunc_end2:
_tile_overlayer_lowered:
.L_overlay_start_2:
0x133: {  	(tag) =	ssettag $0x2  }
0x134: {  	s0 =	rddreg [dreg:$0x0];
	s2 =	stileid.u32  }
0x135: {  	s1 =	rddreg [dreg:$0x1];
	p0 =	sne.s32 s2, $0x0  }
0x136: {  	s3 =	rddreg [dreg:$0x2];
	[bflag:$0x3] =	sbarrier.arrive $0xFFFF;
	s2 =	simm.s32 @!p0 $0x1C02  }
0x137: {  	[timem:s3], [sflag:s2] =	dma.local @!p0 [hbm:s0], s1  }
0x138: {  	s0 =	simm.s32 @!p0 $0x2  }
0x139: {  	_ =	swait.ge @!p0 [sflag:s0], s1  }
0x13a: {  	s1 =	ssub.s32 @!p0 $0x0, s1;
	[sflag:s0] =	ssyncset.done @!p0 $0x0  }
0x13b: {  	[sflag:s0] =	ssyncadd.s32 @!p0 s1  }
0x13c: {  	[bflag:$0x3] =	sbarrier.arrive $0xFFFF  }
0x13d: {  	_ =	shalt  }

// kernel: kernel.9.cloned.1.call-start
scs
__scs_entry_jumppad:
0x0: {  	(pc) =	sbr.rel $0x88, $3  }
0x1: {  	(tag) =	ssettag $0x0;
	lr =	simm.s32 $0x1  }
0x2: {  	[smem:$0x3F88] =	sst lr;
	_ =	strace $0xD0000000  }
0x3: {  	_ = 	snop  }
0x4: {  	_ = 	snop  }
0x5: {  	_ = 	snop  }
0x6: {  	_ = 	snop  }
0x7: {  	_ = 	snop  }
__scs_overlays_trampoline_lowered:
0x8: {  	[smem:$0x3F97] =	sst s0  }
0x9: {  	[smem:$0x3F98] =	sst s1  }
0xa: {  	[smem:$0x3F99] =	sst s2  }
0xb: {  	[smem:$0x3F9A] =	sst s3  }
0xc: {  	[smem:$0x3F9B] =	sst s4  }
0xd: {  	[smem:$0x3F9C] =	sst s5  }
0xe: {  	[smem:$0x3F9D] =	sst s6  }
0xf: {  	[smem:$0x3F9E] =	sst s7  }
0x10: {  	[smem:$0x3F9F] =	sst s8  }
0x11: {  	[smem:$0x3FA0] =	sst s9;
	s0 =	simm.s32 @!p0 $0x0  }
0x12: {  	s1 =	sld [smem:$0x3F86];
	s0 =	simm.s32 @p0 $0x1  }
0x13: {  	[smem:$0x3FA1] =	sst s0;
	s0 =	simm.s32 @!p1 $0x0  }
0x14: {  	s2 =	sld [smem:$0x3F85];
	s0 =	simm.s32 @p1 $0x1  }
0x15: {  	[smem:$0x3FA2] =	sst s0;
	s0 =	simm.s32 @!p2 $0x0  }
0x16: {  	s3 =	sld [smem:$0x3FDB];
	s0 =	simm.s32 @p2 $0x1  }
0x17: {  	s4 =	simm.s32 $0x1BF5;
	[smem:$0x3FA4] =	sst s0  }
0x18: {  	s0 =	sld [smem:$0x3F87];
	_ =	swait.ge [sflag:s4], $0x0  }
0x19: {  	s7 =	sld [smem:$0x3F88]  }
0x1a: {  	s8 =	sadd.s32 $0xFFFFE003, lr  }
0x1b: {  	s9 =	sadd.s32 $0xFFFFFEF7, lr;
	s5 =	simm.s32 $0xFFFFFFFF;
	p2 =	slt.u32 s8, $0xFFFFF086  }
0x1c: {  	p1 =	slt.u32 s9, $0xF7A;
	s5 =	simm.s32 @!p2 $0x0  }
0x1d: {  	s5 =	simm.s32 @p1 $0x1;
	p0 =	seq.s32 s7, s2  }
0x1e: {  	s7 =	smul.u32 @!p0 $0xF7A, s2;
	p2 =	seq.s32 @!p0 s5, $0x0  }
0x1f: {  	s9 =	smul.u32 $0xF7A, s1;
	s8 =	simm.s32 @!p0 $0x1BF5;
	p2 =	por !p2, p0  }
0x20: {  	[sflag:s8] =	ssyncset.s32 @!p0 $0xFFFFF086;
	s6 =	sadd.s32 @!p0 s3, s7;
	s7 =	simm.s32 @!p0 $0x108  }
0x21: {  	s3 =	sadd.s32 s3, s9;
	s6 =	sadd.s32 @!p0 $0x88, s6;
	s7 =	simm.s32 @p2 $0x1082  }
0x22: {  	[simem:s7], [sflag:s8] =	dma.local @!p0 [hbm:s6], $0xF7A  }
0x23: {  	s9 =	sor.u32 $0xD0000000, s2;
	s6 =	simm.s32 $0x108;
	_ =	swait.ge @!p0 [sflag:s8], $0x0  }
0x24: {  	s3 =	sadd.s32 $0x88, s3;
	s6 =	simm.s32 @!p1 $0x1082;
	[sflag:s4] =	ssyncset.s32 $0xFFFFF086  }
0x25: {  	[simem:s6], [sflag:s4] =	dma.local [hbm:s3], $0xF7A  }
0x26: {  	[smem:$0x3F88] =	sst s1;
	(tag) =	ssettag s2;
	_ =	strace s9  }
0x27: {  	s1 =	sld [smem:$0x3F98]  }
0x28: {  	s2 =	sld [smem:$0x3F99]  }
0x29: {  	s4 =	sld [smem:$0x3F9B]  }
0x2a: {  	p0 =	seq.s32 s5, $0x0;
	s5 =	sld [smem:$0x3F9C]  }
0x2b: {  	s6 =	sld [smem:$0x3F9D]  }
0x2c: {  	s7 =	sld [smem:$0x3F9E]  }
0x2d: {  	s3 =	simm.s32 $0x108;
	s8 =	sld [smem:$0x3F9F]  }
0x2e: {  	s3 =	simm.s32 @!p0 $0x1082;
	s9 =	sld [smem:$0x3FA0]  }
0x2f: {  	lr =	sadd.s32 s0, s3;
	s0 =	sld [smem:$0x3F97]  }
0x30: {  	s3 =	sld [smem:$0x3F9A]  }
0x31: {  	[smem:$0x3FA3] =	sst s10  }
0x32: {  	s10 =	sld [smem:$0x3FA1];
	_ =	sdelay $0x3  }
0x33: {  	p0 =	seq.s32 s10, $0x1;
	s10 =	sld [smem:$0x3FA3];
	_ =	sdelay $0x3  }
0x34: {  	[smem:$0x3FA3] =	sst s10  }
0x35: {  	s10 =	sld [smem:$0x3FA2];
	_ =	sdelay $0x3  }
0x36: {  	p1 =	seq.s32 s10, $0x1;
	s10 =	sld [smem:$0x3FA3];
	_ =	sdelay $0x3  }
0x37: {  	[smem:$0x3FA3] =	sst s10  }
0x38: {  	s10 =	sld [smem:$0x3FA4]  }
0x39: {  	_ = 	snop;
	(pc) =	sbr.ind lr, $3  }
0x3a: {  	_ = 	snop  }
0x3b: {  	_ = 	snop  }
0x3c: {  	p2 =	seq.s32 s10, $0x1;
	s10 =	sld [smem:$0x3FA3]  }
0x3d: {  	_ =	shalt  }
0x3e: {  	_ =	shalt  }
0x3f: {  	_ =	shalt  }
0x40: {  	_ =	shalt  }
0x41: {  	_ =	shalt  }
0x42: {  	_ =	shalt  }
0x43: {  	_ =	shalt  }
0x44: {  	_ =	shalt  }
0x45: {  	_ =	shalt  }
0x46: {  	_ =	shalt  }
0x47: {  	_ =	shalt  }
0x48: {  	_ =	shalt  }
0x49: {  	_ =	shalt  }
0x4a: {  	_ =	shalt  }
0x4b: {  	_ =	shalt  }
0x4c: {  	_ =	shalt  }
0x4d: {  	_ =	shalt  }
0x4e: {  	_ =	shalt  }
0x4f: {  	_ =	shalt  }
0x50: {  	_ =	shalt  }
0x51: {  	_ =	shalt  }
0x52: {  	_ =	shalt  }
0x53: {  	_ =	shalt  }
0x54: {  	_ =	shalt  }
0x55: {  	_ =	shalt  }
0x56: {  	_ =	shalt  }
0x57: {  	_ =	shalt  }
0x58: {  	_ =	shalt  }
0x59: {  	_ =	shalt  }
0x5a: {  	_ =	shalt  }
0x5b: {  	_ =	shalt  }
0x5c: {  	_ =	shalt  }
0x5d: {  	_ =	shalt  }
0x5e: {  	_ =	shalt  }
0x5f: {  	_ =	shalt  }
0x60: {  	_ =	shalt  }
0x61: {  	_ =	shalt  }
0x62: {  	_ =	shalt  }
0x63: {  	_ =	shalt  }
0x64: {  	_ =	shalt  }
0x65: {  	_ =	shalt  }
0x66: {  	_ =	shalt  }
0x67: {  	_ =	shalt  }
0x68: {  	_ =	shalt  }
0x69: {  	_ =	shalt  }
0x6a: {  	_ =	shalt  }
0x6b: {  	_ =	shalt  }
0x6c: {  	_ =	shalt  }
0x6d: {  	_ =	shalt  }
0x6e: {  	_ =	shalt  }
0x6f: {  	_ =	shalt  }
0x70: {  	_ =	shalt  }
0x71: {  	_ =	shalt  }
0x72: {  	_ =	shalt  }
0x73: {  	_ =	shalt  }
0x74: {  	_ =	shalt  }
0x75: {  	_ =	shalt  }
0x76: {  	_ =	shalt  }
0x77: {  	_ =	shalt  }
0x78: {  	_ =	shalt  }
0x79: {  	_ =	shalt  }
0x7a: {  	_ =	shalt  }
0x7b: {  	_ =	shalt  }
0x7c: {  	_ =	shalt  }
0x7d: {  	_ =	shalt  }
0x7e: {  	_ =	shalt  }
0x7f: {  	_ =	shalt  }
0x80: {  	_ =	shalt  }
0x81: {  	_ =	shalt  }
0x82: {  	_ =	shalt  }
0x83: {  	_ =	shalt  }
0x84: {  	_ =	shalt  }
0x85: {  	_ =	shalt  }
0x86: {  	_ =	shalt  }
0x87: {  	_ =	shalt  }
.Lfunc_end0:
.L_simem_size_0:
called_computation.2_lowered:
.L_overlay_start_0:
0x88: {  	s2 =	sld [smem:$0x3FD9]  }
0x89: {  	s3 =	sld [smem:$0x3FFE];
	_ =	sdelay $0x1  }
0x8a: {  	s1 =	srdreg.scid  }
0x8b: {  	s0 =	sand.u32 $0x1, s1  }
0x8c: {  	s17 =	sshll.u32 s0, $0xA;
	s2 =	sadd.s32 s3, s2  }
0x8d: {  	s2 =	sadd.s32 s2, s17  }
0x8e: {  	[smem:$0x3FAF] =	sst s2  }
0x8f: {  	_ = 	snop  }
0x90: {  	(tm) =	ssettm $0x1  }
0x91: {  	s18 =	sld [smem:$0x3FFB];
	_ =	sdelay $0x3  }
0x92: {  	_ =	strace s18  }
0x93: {  	s2 =	sld [smem:$0x3FFC];
	_ =	sdelay $0x3  }
0x94: {  	_ =	strace s2  }
0x95: {  	s2 =	sld [smem:$0x3FFD];
	_ =	sdelay $0x3  }
0x96: {  	_ =	strace s2  }
0x97: {  	_ =	strace $0x8FFFFFFF  }
0x98: {  	s19 =	sld [smem:$0x3FDB];
	_ =	sdelay $0x1  }
0x99: {  	s20 =	simm.s32 $_scs_section_size  }
0x9a: {  	s4 =	simm.s32 $_size__tile_overlayer_lowered;
	s5 =	simm.s32 $_tile_overlayer_lowered  }
0x9b: {  	s6 =	simm.s32 $0x1BFF;
	s21 =	sshll.u32 s5, $0x1;
	s3 =	sadd.s32 s20, s19  }
0x9c: {  	s22 =	simm.s32 $0x0;
	s4 =	sshll.u32 s4, $0x1;
	s5 =	sadd.s32 s21, s3  }
0x9d: {  	[timem:s22], [sflag:s6] =	dma.local [hbm:s5], s4  }
0x9e: {  	_ =	swait.ge [sflag:s6], s4  }
0x9f: {  	s4 =	ssub.s32 $0x0, s4;
	[sflag:s6] =	ssyncset.done $0x0  }
0xa0: {  	[sflag:s6] =	ssyncadd.s32 s4;
	_ =	sdelay $0x1  }
0xa1: {  	s23 =	simm.s32 $0x1B8B  }
0xa2: {  	_ =	swait.ge [sflag:s23], $0x1  }
0xa3: {  	[sflag:s23] =	ssyncset.done $0x0  }
0xa4: {  	[sflag:s23] =	ssyncadd.s32 $0xFFFFFFFF  }
0xa5: {  	s4 =	sld [smem:$0x0]  }
0xa6: {  	s5 =	sand.u32 $0xFFFFFFFE, s1  }
0xa7: {  	p0 =	sne.s32 s1, s5  }
0xa8: {  	s5 =	sshll.u32 @p0 s5, $0xE  }
0xa9: {  	s5 =	sadd.s32 @p0 $0x11B8D, s5;
	s6 =	sshll.u32 @p0 s4, $0x11  }
0xaa: {  	s5 =	sor.u32 @p0 s6, s5  }
0xab: {  	[sflag:s5] =	ssyncadd.remote.s32 @p0 $0x1;
	_ =	sdelay $0x1  }
0xac: {  	s5 =	simm.s32 @p0 $0x1B8D  }
0xad: {  	_ =	swait.eq @p0 [sflag:s5], $0x1  }
0xae: {  	[sflag:s5] =	ssyncadd.s32 @p0 $0xFFFFFFFF  }
0xaf: {  	s6 =	sshll.u32 @!p0 s1, $0xE  }
0xb0: {  	s6 =	sor.u32 @!p0 $0x4000, s6;
	s5 =	simm.s32 @!p0 $0x1B8D  }
0xb1: {  	s4 =	sshll.u32 @!p0 s4, $0x11;
	s6 =	sadd.s32 @!p0 $0x11B8D, s6;
	_ =	swait.eq @!p0 [sflag:s5], $0x1  }
0xb2: {  	s4 =	sor.u32 @!p0 s4, s6;
	[sflag:s5] =	ssyncadd.s32 @!p0 $0xFFFFFFFF  }
0xb3: {  	s25 =	simm.s32 $0x1B8E;
	s24 =	sld [smem:$0x3FFE];
	[sflag:s4] =	ssyncadd.remote.s32 @!p0 $0x1  }
0xb4: {  	s26 =	simm.s32 $execute0_lowered;
	[smem:$0x3FD2] =	sst s25  }
0xb5: {  	s5 =	sshll.u32 s26, $0x1;
	_ =	strace $0x8000004C;
	[dreg:$0x1] =	wrdreg $0xFFFFFFFF  }
0xb6: {  	s28 =	simm.s32 $_size_execute0_lowered;
	s3 =	sadd.s32 s3, s5;
	[dreg:$0x0] =	wrdreg $0x0  }
0xb7: {  	s5 =	sshll.u32 s28, $0x1;
	[dreg:$0x2] =	wrdreg s3  }
0xb8: {  	[dreg:$0x3] =	wrdreg s5  }
0xb9: {  	[dreg:$0x4] =	wrdreg $0xC0  }
0xba: {  	_ =	task [dreg:s22], $0x5FFFF  }
0xbb: {  	[dreg:$0x1] =	wrdreg $0xFFFFFFFF  }
0xbc: {  	[dreg:$0x0] =	wrdreg $0x60  }
0xbd: {  	[dreg:$0x2] =	wrdreg s24  }
0xbe: {  	[dreg:$0x3] =	wrdreg $0xB  }
0xbf: {  	_ =	task.clear_ibuf [dreg:s22], $0x4FFFF;
	_ =	strace $0x9000004C  }
0xc0: {  	s29 =	simm.s32 $0xB;
	_ =	strace $0x8000004E  }
0xc1: {  	_ =	swait.ge [sflag:s29], $0x1  }
0xc2: {  	[sflag:s29] =	ssyncadd.s32 $0xFFFFFFFF  }
0xc3: {  	_ =	strace $0x9000004E  }
0xc4: {  	_ =	sfence  }
0xc5: {  	s30 =	sld [smem:$0x0];
	_ =	sdelay $0x2  }
0xc6: {  	s31 =	sshll.u32 s1, $0xD;
	s1 =	sshrl.u32 s1, $0x2  }
0xc7: {  	s4 =	sand.u32 $0x4000, s31;
	s1 =	sadd.s32 s1, s30  }
0xc8: {  	s0 =	sor.u32 s4, s0;
	s1 =	sshll.u32 s1, $0x11  }
0xc9: {  	s0 =	sor.u32 s1, s0  }
0xca: {  	s0 =	sadd.s32 $0x8F2B, s0  }
0xcb: {  	[sflag:s0] =	ssyncadd.remote.s32 $0x1  }
0xcc: {  	_ =	sfence.sel $0xFFFF  }
0xcd: {  	[dreg:$0x0] =	wrdreg $0xFFFFFFFF;
	(pc) =	sbr.abs _section_cstart, $3  }
0xce: {  	[dreg:$0x1] =	wrdreg $0xFFFFFFFF  }
0xcf: {  	_ =	task.clear_ibuf [dreg:s22], $0x2FFFF;
	_ =	strace $0x9FFFFFFF  }
0xd0: {  	(tm) =	ssettm $0x7FFFFFFF  }
0xd1: {  	_ =	shalt  }
tec
execute0_lowered:
.L_overlay_start_1:
0x0: {  	(tag) =	ssettag $0x1  }
0x1: {  	s0 =	srdreg.scid;
	s1 =	stileid.u32  }
0x2: {  	s31 =	sand.u32 $0x1, s0;
	s14 =	sshll.u32 s1, $0x1  }
0x3: {  	s25 =	sor.u32 s31, s14  }
0x4: {  	s19 =	smul.u32 $0x310, s25  }
0x5: {  	s24 =	rddreg [dreg:$0x0]  }
0x6: {  	s2 =	simm.s32 $0x0;
	s20 =	sadd.s32 $0x6E00, s24;
	s15 =	sshrl.u32 s19, $0x3  }
0x7: {  	[smem:$0x7FF] =	sst s2;
	s26 =	sadd.s32 $0x70, s19;
	s0 =	sadd.s32 s20, s15  }
0x8: {  	_ =	strace $0x8000004D;
	s16 =	sshrl.u32 s26, $0x3;
	[dreg:$0x2] =	wrdreg s0  }
0x9: {  	s0 =	sadd.s32 s20, s16;
	s4 =	rddreg [dreg:$0x2]  }
0xa: {  	s3 =	simm.s32 $0x2;
	[dreg:$0x3] =	wrdreg s0  }
0xb: {  	[tilespmem:s2], [sflag:$0x2] =	stream.linear.gather [hbm4b:s4+s2], $0x70, $0x38;
	[tilespmem:$0xC710] =	vst v63  }
0xc: {  	_ =	swait.ge [sflag:s3], $0x70  }
0xd: {  	s5 =	simm.s32 $0x70;
	[sflag:s3] =	ssyncset.done $0x0  }
0xe: {  	s6 =	simm.s32 $0x310;
	s4 =	sadd.s32 $0x5D2800, s24;
	[sflag:s3] =	ssyncadd.s32 $0xFFFFFF90  }
0xf: {  	[tilespmem:s6], [sflag:$0x1] =	stream.indirect.gather [hbm4b:s4+s5], $0x40, s2, s5, $0xb8;
	[tilespmem:$0xC710] =	vst v63  }
0x10: {  	s17 =	rddreg [dreg:$0x3]  }
0x11: {  	[tilespmem:s5], [sflag:$0x2] =	stream.linear.gather [hbm4b:s17+s2], $0x70, $0x38;
	[tilespmem:$0xC710] =	vst v63  }
0x12: {  	_ =	swait.ge [sflag:s3], $0x70  }
0x13: {  	s28 =	sadd.s32 $0xE0, s19;
	[sflag:s3] =	ssyncset.done $0x0  }
0x14: {  	s7 =	simm.s32 $0x1F10;
	s18 =	sshrl.u32 s28, $0x3;
	[sflag:s3] =	ssyncadd.s32 $0xFFFFFF90  }
0x15: {  	[tilespmem:s7], [sflag:$0x1] =	stream.indirect.gather [hbm4b:s4+s5], $0x40, s5, s5, $0xb8;
	[tilespmem:$0xC710] =	vst v63  }
0x16: {  	s9 =	simm.s32 $0xE0;
	s8 =	sadd.s32 s20, s18  }
0x17: {  	[tilespmem:s9], [sflag:$0x2] =	stream.linear.gather [hbm4b:s8+s2], $0x70, $0x38;
	[tilespmem:$0xC710] =	vst v63  }
0x18: {  	_ =	swait.ge [sflag:s3], $0x70  }
0x19: {  	s29 =	sadd.s32 $0x150, s19;
	[sflag:s3] =	ssyncset.done $0x0  }
0x1a: {  	s10 =	simm.s32 $0x3B10;
	s21 =	sshrl.u32 s29, $0x3;
	[sflag:s3] =	ssyncadd.s32 $0xFFFFFF90  }
0x1b: {  	[tilespmem:s10], [sflag:$0x1] =	stream.indirect.gather [hbm4b:s4+s5], $0x40, s9, s5, $0xb8;
	[tilespmem:$0xC710] =	vst v63  }
0x1c: {  	s12 =	simm.s32 $0x150;
	s11 =	sadd.s32 s20, s21  }
0x1d: {  	[tilespmem:s12], [sflag:$0x2] =	stream.linear.gather [hbm4b:s11+s2], $0x70, $0x38;
	[tilespmem:$0xC710] =	vst v63  }
0x1e: {  	_ =	swait.ge [sflag:s3], $0x70  }
0x1f: {  	s30 =	sadd.s32 $0x1C0, s19;
	[sflag:s3] =	ssyncset.done $0x0  }
0x20: {  	s13 =	simm.s32 $0x5710;
	s22 =	sshrl.u32 s30, $0x3;
	[sflag:s3] =	ssyncadd.s32 $0xFFFFFF90  }
0x21: {  	[tilespmem:s13], [sflag:$0x1] =	stream.indirect.gather [hbm4b:s4+s5], $0x40, s12, s5, $0xb8;
	[tilespmem:$0xC710] =	vst v63  }
0x22: {  	s15 =	simm.s32 $0x1C0;
	s14 =	sadd.s32 s20, s22  }
0x23: {  	[tilespmem:s15], [sflag:$0x2] =	stream.linear.gather [hbm4b:s14+s2], $0x70, $0x38;
	[tilespmem:$0xC710] =	vst v63  }
0x24: {  	_ =	swait.ge [sflag:s3], $0x70  }
0x25: {  	s1 =	sadd.s32 $0x230, s19;
	[sflag:s3] =	ssyncset.done $0x0  }
0x26: {  	s16 =	simm.s32 $0x7310;
	s17 =	sshrl.u32 s1, $0x3;
	[sflag:s3] =	ssyncadd.s32 $0xFFFFFF90  }
0x27: {  	[tilespmem:s16], [sflag:$0x1] =	stream.indirect.gather [hbm4b:s4+s5], $0x40, s15, s5, $0xb8;
	[tilespmem:$0xC710] =	vst v63  }
0x28: {  	s18 =	simm.s32 $0x230;
	s17 =	sadd.s32 s20, s17  }
0x29: {  	[tilespmem:s18], [sflag:$0x2] =	stream.linear.gather [hbm4b:s17+s2], $0x70, $0x38;
	[tilespmem:$0xC710] =	vst v63  }
0x2a: {  	_ =	swait.ge [sflag:s3], $0x70  }
0x2b: {  	s23 =	sadd.s32 $0x2A0, s19;
	[sflag:s3] =	ssyncset.done $0x0  }
0x2c: {  	s19 =	simm.s32 $0x8F10;
	s21 =	sshrl.u32 s23, $0x3;
	[sflag:s3] =	ssyncadd.s32 $0xFFFFFF90  }
0x2d: {  	[tilespmem:s19], [sflag:$0x1] =	stream.indirect.gather [hbm4b:s4+s5], $0x40, s18, s5, $0xb8;
	[tilespmem:$0xC710] =	vst v63  }
0x2e: {  	s20 =	sadd.s32 s20, s21;
	s21 =	simm.s32 $0x2A0;
	[dreg:$0x4] =	wrdreg s23  }
0x2f: {  	[tilespmem:s21], [sflag:$0x2] =	stream.linear.gather [hbm4b:s20+s2], $0x70, $0x38;
	[tilespmem:$0xC710] =	vst v63  }
0x30: {  	_ =	swait.ge [sflag:s3], $0x70  }
0x31: {  	[sflag:s3] =	ssyncset.done $0x0  }
0x32: {  	s22 =	simm.s32 $0xAB10;
	s23 =	simm.s32 $0x1;
	[sflag:s3] =	ssyncadd.s32 $0xFFFFFF90  }
0x33: {  	[tilespmem:s22], [sflag:$0x1] =	stream.indirect.gather [hbm4b:s4+s5], $0x40, s21, s5, $0xb8;
	[tilespmem:$0xC710] =	vst v63  }
0x34: {  	s25 =	smul.u32 $0x1880, s25;
	_ =	swait.ge [sflag:s23], $0x1C00  }
0x35: {  	s0 =	sadd.s32 $0x696800, s24;
	[sflag:s23] =	ssyncset.done $0x0  }
0x36: {  	s24 =	sadd.s32 s0, s25;
	[sflag:s23] =	ssyncadd.s32 $0xFFFFE400  }
0x37: {  	[hbm4b:s24+s2] =	stream.linear.scatter [tilespmem:s6], [sflag:$0x2], $0x1C00, $0x38;
	[tilespmem:$0xC710] =	vst v63  }
0x38: {  	_ =	swait.ge [sflag:s3], $0x1C00  }
0x39: {  	[sflag:s3] =	ssyncset.done $0x0  }
0x3a: {  	[sflag:s3] =	ssyncadd.s32 $0xFFFFE400  }
0x3b: {  	_ =	swait.ge [sflag:s23], $0x1C00  }
0x3c: {  	s26 =	sshll.u32 s26, $0x3;
	[sflag:s23] =	ssyncset.done $0x0  }
0x3d: {  	s25 =	sadd.s32 s0, s26;
	[sflag:s23] =	ssyncadd.s32 $0xFFFFE400  }
0x3e: {  	[hbm4b:s25+s2] =	stream.linear.scatter [tilespmem:s7], [sflag:$0x2], $0x1C00, $0x38;
	[tilespmem:$0xC710] =	vst v63  }
0x3f: {  	_ =	swait.ge [sflag:s3], $0x1C00  }
0x40: {  	[sflag:s3] =	ssyncset.done $0x0  }
0x41: {  	[sflag:s3] =	ssyncadd.s32 $0xFFFFE400  }
0x42: {  	_ =	swait.ge [sflag:s23], $0x1C00  }
0x43: {  	s26 =	sshll.u32 s28, $0x3;
	[sflag:s23] =	ssyncset.done $0x0  }
0x44: {  	s26 =	sadd.s32 s0, s26;
	[sflag:s23] =	ssyncadd.s32 $0xFFFFE400  }
0x45: {  	[hbm4b:s26+s2] =	stream.linear.scatter [tilespmem:s10], [sflag:$0x2], $0x1C00, $0x38;
	[tilespmem:$0xC710] =	vst v63  }
0x46: {  	_ =	swait.ge [sflag:s3], $0x1C00  }
0x47: {  	[sflag:s3] =	ssyncset.done $0x0  }
0x48: {  	[sflag:s3] =	ssyncadd.s32 $0xFFFFE400  }
0x49: {  	_ =	swait.ge [sflag:s23], $0x1C00  }
0x4a: {  	s28 =	sshll.u32 s29, $0x3;
	[sflag:s23] =	ssyncset.done $0x0  }
0x4b: {  	s28 =	sadd.s32 s0, s28;
	[sflag:s23] =	ssyncadd.s32 $0xFFFFE400  }
0x4c: {  	[hbm4b:s28+s2] =	stream.linear.scatter [tilespmem:s13], [sflag:$0x2], $0x1C00, $0x38;
	[tilespmem:$0xC710] =	vst v63  }
0x4d: {  	_ =	swait.ge [sflag:s3], $0x1C00  }
0x4e: {  	[sflag:s3] =	ssyncset.done $0x0  }
0x4f: {  	[sflag:s3] =	ssyncadd.s32 $0xFFFFE400  }
0x50: {  	_ =	swait.ge [sflag:s23], $0x1C00  }
0x51: {  	s29 =	sshll.u32 s30, $0x3;
	[sflag:s23] =	ssyncset.done $0x0  }
0x52: {  	s29 =	sadd.s32 s0, s29;
	[sflag:s23] =	ssyncadd.s32 $0xFFFFE400  }
0x53: {  	[hbm4b:s29+s2] =	stream.linear.scatter [tilespmem:s16], [sflag:$0x2], $0x1C00, $0x38;
	[tilespmem:$0xC710] =	vst v63  }
0x54: {  	_ =	swait.ge [sflag:s3], $0x1C00  }
0x55: {  	[sflag:s3] =	ssyncset.done $0x0  }
0x56: {  	[sflag:s3] =	ssyncadd.s32 $0xFFFFE400  }
0x57: {  	_ =	swait.ge [sflag:s23], $0x1C00  }
0x58: {  	s1 =	sshll.u32 s1, $0x3;
	[sflag:s23] =	ssyncset.done $0x0  }
0x59: {  	s30 =	sadd.s32 s0, s1;
	s1 =	ssub.s32 $0x2, s31;
	[sflag:s23] =	ssyncadd.s32 $0xFFFFE400  }
0x5a: {  	[hbm4b:s30+s2] =	stream.linear.scatter [tilespmem:s19], [sflag:$0x2], $0x1C00, $0x38;
	[tilespmem:$0xC710] =	vst v63  }
0x5b: {  	s31 =	sshrl.u32 s1, $0x1;
	_ =	swait.ge [sflag:s3], $0x1C00  }
0x5c: {  	s1 =	ssub.s32 s1, s31;
	[sflag:s3] =	ssyncset.done $0x0  }
0x5d: {  	s1 =	smax.u32 s1, $0x1;
	[sflag:s3] =	ssyncadd.s32 $0xFFFFE400  }
0x5e: {  	p0 =	sne.s32 s1, $0x1;
	_ =	swait.ge [sflag:s23], $0x1C00  }
.Ltmp0:
0x5f: {  	s31 =	rddreg [dreg:$0x4];
	(pc) =	sbr.rel @!p0 .LBB2_2-.Ltmp0, $4  }
0x60: {  	[sflag:s23] =	ssyncset.done $0x0;
	s31 =	sshll.u32 s31, $0x3  }
0x61: {  	[sflag:s23] =	ssyncadd.s32 $0xFFFFE400;
	s31 =	sadd.s32 s0, s31  }
0x62: {  	[hbm4b:s31+s2] =	stream.linear.scatter [tilespmem:s22], [sflag:$0x2], $0x1C00, $0x38;
	[tilespmem:$0xC710] =	vst v63  }
0x63: {  	s1 =	sadd.s32 $0xFFFFFFFF, s1;
	_ =	swait.ge [sflag:s3], $0x1C00  }
.LBB2_1:
0x64: {  	[sflag:s3] =	ssyncset.done $0x0  }
0x65: {  	s0 =	rddreg [dreg:$0x2];
	[sflag:s3] =	ssyncadd.s32 $0xFFFFE400  }
0x66: {  	[tilespmem:s2], [sflag:$0x2] =	stream.linear.gather [hbm4b:s0+s2], $0x70, $0x38;
	[tilespmem:$0xC710] =	vst v63  }
0x67: {  	_ =	swait.ge [sflag:s3], $0x70  }
0x68: {  	[sflag:s3] =	ssyncset.done $0x0  }
0x69: {  	[sflag:s3] =	ssyncadd.s32 $0xFFFFFF90  }
0x6a: {  	[tilespmem:s6], [sflag:$0x1] =	stream.indirect.gather [hbm4b:s4+s5], $0x40, s2, s5, $0xb8;
	[tilespmem:$0xC710] =	vst v63  }
0x6b: {  	s0 =	rddreg [dreg:$0x3]  }
0x6c: {  	[tilespmem:s5], [sflag:$0x2] =	stream.linear.gather [hbm4b:s0+s2], $0x70, $0x38;
	[tilespmem:$0xC710] =	vst v63  }
0x6d: {  	_ =	swait.ge [sflag:s3], $0x70  }
0x6e: {  	[sflag:s3] =	ssyncset.done $0x0  }
0x6f: {  	[sflag:s3] =	ssyncadd.s32 $0xFFFFFF90  }
0x70: {  	[tilespmem:s7], [sflag:$0x1] =	stream.indirect.gather [hbm4b:s4+s5], $0x40, s5, s5, $0xb8;
	[tilespmem:$0xC710] =	vst v63  }
0x71: {  	_ = 	snop  }
0x72: {  	[tilespmem:s9], [sflag:$0x2] =	stream.linear.gather [hbm4b:s8+s2], $0x70, $0x38;
	[tilespmem:$0xC710] =	vst v63  }
0x73: {  	_ =	swait.ge [sflag:s3], $0x70  }
0x74: {  	[sflag:s3] =	ssyncset.done $0x0  }
0x75: {  	[sflag:s3] =	ssyncadd.s32 $0xFFFFFF90  }
0x76: {  	[tilespmem:s10], [sflag:$0x1] =	stream.indirect.gather [hbm4b:s4+s5], $0x40, s9, s5, $0xb8;
	[tilespmem:$0xC710] =	vst v63  }
0x77: {  	_ = 	snop  }
0x78: {  	[tilespmem:s12], [sflag:$0x2] =	stream.linear.gather [hbm4b:s11+s2], $0x70, $0x38;
	[tilespmem:$0xC710] =	vst v63  }
0x79: {  	_ =	swait.ge [sflag:s3], $0x70  }
0x7a: {  	[sflag:s3] =	ssyncset.done $0x0  }
0x7b: {  	[sflag:s3] =	ssyncadd.s32 $0xFFFFFF90  }
0x7c: {  	[tilespmem:s13], [sflag:$0x1] =	stream.indirect.gather [hbm4b:s4+s5], $0x40, s12, s5, $0xb8;
	[tilespmem:$0xC710] =	vst v63  }
0x7d: {  	_ = 	snop  }
0x7e: {  	[tilespmem:s15], [sflag:$0x2] =	stream.linear.gather [hbm4b:s14+s2], $0x70, $0x38;
	[tilespmem:$0xC710] =	vst v63  }
0x7f: {  	_ =	swait.ge [sflag:s3], $0x70  }
0x80: {  	[sflag:s3] =	ssyncset.done $0x0  }
0x81: {  	[sflag:s3] =	ssyncadd.s32 $0xFFFFFF90  }
0x82: {  	[tilespmem:s16], [sflag:$0x1] =	stream.indirect.gather [hbm4b:s4+s5], $0x40, s15, s5, $0xb8;
	[tilespmem:$0xC710] =	vst v63  }
0x83: {  	_ = 	snop  }
0x84: {  	[tilespmem:s18], [sflag:$0x2] =	stream.linear.gather [hbm4b:s17+s2], $0x70, $0x38;
	[tilespmem:$0xC710] =	vst v63  }
0x85: {  	_ =	swait.ge [sflag:s3], $0x70  }
0x86: {  	[sflag:s3] =	ssyncset.done $0x0  }
0x87: {  	[sflag:s3] =	ssyncadd.s32 $0xFFFFFF90  }
0x88: {  	[tilespmem:s19], [sflag:$0x1] =	stream.indirect.gather [hbm4b:s4+s5], $0x40, s18, s5, $0xb8;
	[tilespmem:$0xC710] =	vst v63  }
0x89: {  	_ = 	snop  }
0x8a: {  	[tilespmem:s21], [sflag:$0x2] =	stream.linear.gather [hbm4b:s20+s2], $0x70, $0x38;
	[tilespmem:$0xC710] =	vst v63  }
0x8b: {  	_ =	swait.ge [sflag:s3], $0x70  }
0x8c: {  	[sflag:s3] =	ssyncset.done $0x0  }
0x8d: {  	[sflag:s3] =	ssyncadd.s32 $0xFFFFFF90  }
0x8e: {  	[tilespmem:s22], [sflag:$0x1] =	stream.indirect.gather [hbm4b:s4+s5], $0x40, s21, s5, $0xb8;
	[tilespmem:$0xC710] =	vst v63  }
0x8f: {  	_ =	swait.ge [sflag:s23], $0x1C00  }
0x90: {  	[sflag:s23] =	ssyncset.done $0x0  }
0x91: {  	[sflag:s23] =	ssyncadd.s32 $0xFFFFE400  }
0x92: {  	[hbm4b:s24+s2] =	stream.linear.scatter [tilespmem:s6], [sflag:$0x2], $0x1C00, $0x38;
	[tilespmem:$0xC710] =	vst v63  }
0x93: {  	_ =	swait.ge [sflag:s3], $0x1C00  }
0x94: {  	[sflag:s3] =	ssyncset.done $0x0  }
0x95: {  	[sflag:s3] =	ssyncadd.s32 $0xFFFFE400  }
0x96: {  	_ =	swait.ge [sflag:s23], $0x1C00  }
0x97: {  	[sflag:s23] =	ssyncset.done $0x0  }
0x98: {  	[sflag:s23] =	ssyncadd.s32 $0xFFFFE400  }
0x99: {  	[hbm4b:s25+s2] =	stream.linear.scatter [tilespmem:s7], [sflag:$0x2], $0x1C00, $0x38;
	[tilespmem:$0xC710] =	vst v63  }
0x9a: {  	_ =	swait.ge [sflag:s3], $0x1C00  }
0x9b: {  	[sflag:s3] =	ssyncset.done $0x0  }
0x9c: {  	[sflag:s3] =	ssyncadd.s32 $0xFFFFE400  }
0x9d: {  	_ =	swait.ge [sflag:s23], $0x1C00  }
0x9e: {  	[sflag:s23] =	ssyncset.done $0x0  }
0x9f: {  	[sflag:s23] =	ssyncadd.s32 $0xFFFFE400  }
0xa0: {  	[hbm4b:s26+s2] =	stream.linear.scatter [tilespmem:s10], [sflag:$0x2], $0x1C00, $0x38;
	[tilespmem:$0xC710] =	vst v63  }
0xa1: {  	_ =	swait.ge [sflag:s3], $0x1C00  }
0xa2: {  	[sflag:s3] =	ssyncset.done $0x0  }
0xa3: {  	[sflag:s3] =	ssyncadd.s32 $0xFFFFE400  }
0xa4: {  	_ =	swait.ge [sflag:s23], $0x1C00  }
0xa5: {  	[sflag:s23] =	ssyncset.done $0x0  }
0xa6: {  	[sflag:s23] =	ssyncadd.s32 $0xFFFFE400  }
0xa7: {  	[hbm4b:s28+s2] =	stream.linear.scatter [tilespmem:s13], [sflag:$0x2], $0x1C00, $0x38;
	[tilespmem:$0xC710] =	vst v63  }
0xa8: {  	_ =	swait.ge [sflag:s3], $0x1C00  }
0xa9: {  	[sflag:s3] =	ssyncset.done $0x0  }
0xaa: {  	[sflag:s3] =	ssyncadd.s32 $0xFFFFE400  }
0xab: {  	_ =	swait.ge [sflag:s23], $0x1C00  }
0xac: {  	[sflag:s23] =	ssyncset.done $0x0  }
0xad: {  	[sflag:s23] =	ssyncadd.s32 $0xFFFFE400  }
0xae: {  	[hbm4b:s29+s2] =	stream.linear.scatter [tilespmem:s16], [sflag:$0x2], $0x1C00, $0x38;
	[tilespmem:$0xC710] =	vst v63  }
0xaf: {  	_ =	swait.ge [sflag:s3], $0x1C00  }
0xb0: {  	[sflag:s3] =	ssyncset.done $0x0  }
0xb1: {  	[sflag:s3] =	ssyncadd.s32 $0xFFFFE400  }
0xb2: {  	_ =	swait.ge [sflag:s23], $0x1C00  }
0xb3: {  	[sflag:s23] =	ssyncset.done $0x0  }
0xb4: {  	[sflag:s23] =	ssyncadd.s32 $0xFFFFE400  }
0xb5: {  	[hbm4b:s30+s2] =	stream.linear.scatter [tilespmem:s19], [sflag:$0x2], $0x1C00, $0x38;
	[tilespmem:$0xC710] =	vst v63  }
0xb6: {  	_ =	swait.ge [sflag:s3], $0x1C00  }
0xb7: {  	[sflag:s3] =	ssyncset.done $0x0  }
0xb8: {  	p0 =	sne.s32 s1, $0x1;
	[sflag:s3] =	ssyncadd.s32 $0xFFFFE400  }
.Ltmp1:
0xb9: {  	_ =	swait.ge [sflag:s23], $0x1C00;
	(pc) =	sbr.rel @p0 .LBB2_1-.Ltmp1, $4  }
0xba: {  	[sflag:s23] =	ssyncset.done $0x0  }
0xbb: {  	[sflag:s23] =	ssyncadd.s32 $0xFFFFE400  }
0xbc: {  	[hbm4b:s31+s2] =	stream.linear.scatter [tilespmem:s22], [sflag:$0x2], $0x1C00, $0x38;
	[tilespmem:$0xC710] =	vst v63  }
0xbd: {  	s1 =	sadd.s32 $0xFFFFFFFF, s1;
	_ =	swait.ge [sflag:s3], $0x1C00  }
.LBB2_2:
0xbe: {  	[sflag:s3] =	ssyncset.done $0x0  }
0xbf: {  	[sflag:s3] =	ssyncadd.s32 $0xFFFFE400  }
0xc0: {  	_ =	sfence.sel $0x180000  }
0xc1: {  	[bflag:$0x0] =	sbarrier.arrive $0xFFFF  }
0xc2: {  	_ =	strace $0x9000004D  }
0xc3: {  	s0 =	stileid.u32;
	[bflag:$0x2] =	sbarrier.arrive $0xFFFF  }
0xc4: {  	p0 =	sne.s32 s0, $0x0;
	s0 =	rddreg [dreg:$0x1]  }
0xc5: {  	s0 =	sadd.s32 @!p0 $0x100000, s0  }
0xc6: {  	[sflag:s0] =	ssyncadd.tile.s32 @!p0 $0x1;
	_ =	shalt  }
.Lfunc_end2:
_tile_overlayer_lowered:
.L_overlay_start_2:
0xc7: {  	(tag) =	ssettag $0x2  }
0xc8: {  	s0 =	rddreg [dreg:$0x0];
	s2 =	stileid.u32  }
0xc9: {  	s1 =	rddreg [dreg:$0x1];
	p0 =	sne.s32 s2, $0x0  }
0xca: {  	s3 =	rddreg [dreg:$0x2];
	[bflag:$0x3] =	sbarrier.arrive $0xFFFF;
	s2 =	simm.s32 @!p0 $0x1C02  }
0xcb: {  	[timem:s3], [sflag:s2] =	dma.local @!p0 [hbm:s0], s1  }
0xcc: {  	s0 =	simm.s32 @!p0 $0x2  }
0xcd: {  	_ =	swait.ge @!p0 [sflag:s0], s1  }
0xce: {  	s1 =	ssub.s32 @!p0 $0x0, s1;
	[sflag:s0] =	ssyncset.done @!p0 $0x0  }
0xcf: {  	[sflag:s0] =	ssyncadd.s32 @!p0 s1  }
0xd0: {  	[bflag:$0x3] =	sbarrier.arrive $0xFFFF  }
0xd1: {  	_ =	shalt  }

// kernel: scatter_offload_async_start
scs
__scs_entry_jumppad:
0x0: {  	(pc) =	sbr.rel $0x88, $3  }
0x1: {  	(tag) =	ssettag $0x0;
	lr =	simm.s32 $0x1  }
0x2: {  	[smem:$0x3F88] =	sst lr;
	_ =	strace $0xD0000000  }
0x3: {  	_ = 	snop  }
0x4: {  	_ = 	snop  }
0x5: {  	_ = 	snop  }
0x6: {  	_ = 	snop  }
0x7: {  	_ = 	snop  }
__scs_overlays_trampoline_lowered:
0x8: {  	[smem:$0x3F97] =	sst s0  }
0x9: {  	[smem:$0x3F98] =	sst s1  }
0xa: {  	[smem:$0x3F99] =	sst s2  }
0xb: {  	[smem:$0x3F9A] =	sst s3  }
0xc: {  	[smem:$0x3F9B] =	sst s4  }
0xd: {  	[smem:$0x3F9C] =	sst s5  }
0xe: {  	[smem:$0x3F9D] =	sst s6  }
0xf: {  	[smem:$0x3F9E] =	sst s7  }
0x10: {  	[smem:$0x3F9F] =	sst s8  }
0x11: {  	[smem:$0x3FA0] =	sst s9;
	s0 =	simm.s32 @!p0 $0x0  }
0x12: {  	s1 =	sld [smem:$0x3F86];
	s0 =	simm.s32 @p0 $0x1  }
0x13: {  	[smem:$0x3FA1] =	sst s0;
	s0 =	simm.s32 @!p1 $0x0  }
0x14: {  	s2 =	sld [smem:$0x3F85];
	s0 =	simm.s32 @p1 $0x1  }
0x15: {  	[smem:$0x3FA2] =	sst s0;
	s0 =	simm.s32 @!p2 $0x0  }
0x16: {  	s3 =	sld [smem:$0x3FDB];
	s0 =	simm.s32 @p2 $0x1  }
0x17: {  	s4 =	simm.s32 $0x1BF5;
	[smem:$0x3FA4] =	sst s0  }
0x18: {  	s0 =	sld [smem:$0x3F87];
	_ =	swait.ge [sflag:s4], $0x0  }
0x19: {  	s7 =	sld [smem:$0x3F88]  }
0x1a: {  	s8 =	sadd.s32 $0xFFFFE003, lr  }
0x1b: {  	s9 =	sadd.s32 $0xFFFFFEF7, lr;
	s5 =	simm.s32 $0xFFFFFFFF;
	p2 =	slt.u32 s8, $0xFFFFF086  }
0x1c: {  	p1 =	slt.u32 s9, $0xF7A;
	s5 =	simm.s32 @!p2 $0x0  }
0x1d: {  	s5 =	simm.s32 @p1 $0x1;
	p0 =	seq.s32 s7, s2  }
0x1e: {  	s7 =	smul.u32 @!p0 $0xF7A, s2;
	p2 =	seq.s32 @!p0 s5, $0x0  }
0x1f: {  	s9 =	smul.u32 $0xF7A, s1;
	s8 =	simm.s32 @!p0 $0x1BF5;
	p2 =	por !p2, p0  }
0x20: {  	[sflag:s8] =	ssyncset.s32 @!p0 $0xFFFFF086;
	s6 =	sadd.s32 @!p0 s3, s7;
	s7 =	simm.s32 @!p0 $0x108  }
0x21: {  	s3 =	sadd.s32 s3, s9;
	s6 =	sadd.s32 @!p0 $0x88, s6;
	s7 =	simm.s32 @p2 $0x1082  }
0x22: {  	[simem:s7], [sflag:s8] =	dma.local @!p0 [hbm:s6], $0xF7A  }
0x23: {  	s9 =	sor.u32 $0xD0000000, s2;
	s6 =	simm.s32 $0x108;
	_ =	swait.ge @!p0 [sflag:s8], $0x0  }
0x24: {  	s3 =	sadd.s32 $0x88, s3;
	s6 =	simm.s32 @!p1 $0x1082;
	[sflag:s4] =	ssyncset.s32 $0xFFFFF086  }
0x25: {  	[simem:s6], [sflag:s4] =	dma.local [hbm:s3], $0xF7A  }
0x26: {  	[smem:$0x3F88] =	sst s1;
	(tag) =	ssettag s2;
	_ =	strace s9  }
0x27: {  	s1 =	sld [smem:$0x3F98]  }
0x28: {  	s2 =	sld [smem:$0x3F99]  }
0x29: {  	s4 =	sld [smem:$0x3F9B]  }
0x2a: {  	p0 =	seq.s32 s5, $0x0;
	s5 =	sld [smem:$0x3F9C]  }
0x2b: {  	s6 =	sld [smem:$0x3F9D]  }
0x2c: {  	s7 =	sld [smem:$0x3F9E]  }
0x2d: {  	s3 =	simm.s32 $0x108;
	s8 =	sld [smem:$0x3F9F]  }
0x2e: {  	s3 =	simm.s32 @!p0 $0x1082;
	s9 =	sld [smem:$0x3FA0]  }
0x2f: {  	lr =	sadd.s32 s0, s3;
	s0 =	sld [smem:$0x3F97]  }
0x30: {  	s3 =	sld [smem:$0x3F9A]  }
0x31: {  	[smem:$0x3FA3] =	sst s10  }
0x32: {  	s10 =	sld [smem:$0x3FA1];
	_ =	sdelay $0x3  }
0x33: {  	p0 =	seq.s32 s10, $0x1;
	s10 =	sld [smem:$0x3FA3];
	_ =	sdelay $0x3  }
0x34: {  	[smem:$0x3FA3] =	sst s10  }
0x35: {  	s10 =	sld [smem:$0x3FA2];
	_ =	sdelay $0x3  }
0x36: {  	p1 =	seq.s32 s10, $0x1;
	s10 =	sld [smem:$0x3FA3];
	_ =	sdelay $0x3  }
0x37: {  	[smem:$0x3FA3] =	sst s10  }
0x38: {  	s10 =	sld [smem:$0x3FA4]  }
0x39: {  	_ = 	snop;
	(pc) =	sbr.ind lr, $3  }
0x3a: {  	_ = 	snop  }
0x3b: {  	_ = 	snop  }
0x3c: {  	p2 =	seq.s32 s10, $0x1;
	s10 =	sld [smem:$0x3FA3]  }
0x3d: {  	_ =	shalt  }
0x3e: {  	_ =	shalt  }
0x3f: {  	_ =	shalt  }
0x40: {  	_ =	shalt  }
0x41: {  	_ =	shalt  }
0x42: {  	_ =	shalt  }
0x43: {  	_ =	shalt  }
0x44: {  	_ =	shalt  }
0x45: {  	_ =	shalt  }
0x46: {  	_ =	shalt  }
0x47: {  	_ =	shalt  }
0x48: {  	_ =	shalt  }
0x49: {  	_ =	shalt  }
0x4a: {  	_ =	shalt  }
0x4b: {  	_ =	shalt  }
0x4c: {  	_ =	shalt  }
0x4d: {  	_ =	shalt  }
0x4e: {  	_ =	shalt  }
0x4f: {  	_ =	shalt  }
0x50: {  	_ =	shalt  }
0x51: {  	_ =	shalt  }
0x52: {  	_ =	shalt  }
0x53: {  	_ =	shalt  }
0x54: {  	_ =	shalt  }
0x55: {  	_ =	shalt  }
0x56: {  	_ =	shalt  }
0x57: {  	_ =	shalt  }
0x58: {  	_ =	shalt  }
0x59: {  	_ =	shalt  }
0x5a: {  	_ =	shalt  }
0x5b: {  	_ =	shalt  }
0x5c: {  	_ =	shalt  }
0x5d: {  	_ =	shalt  }
0x5e: {  	_ =	shalt  }
0x5f: {  	_ =	shalt  }
0x60: {  	_ =	shalt  }
0x61: {  	_ =	shalt  }
0x62: {  	_ =	shalt  }
0x63: {  	_ =	shalt  }
0x64: {  	_ =	shalt  }
0x65: {  	_ =	shalt  }
0x66: {  	_ =	shalt  }
0x67: {  	_ =	shalt  }
0x68: {  	_ =	shalt  }
0x69: {  	_ =	shalt  }
0x6a: {  	_ =	shalt  }
0x6b: {  	_ =	shalt  }
0x6c: {  	_ =	shalt  }
0x6d: {  	_ =	shalt  }
0x6e: {  	_ =	shalt  }
0x6f: {  	_ =	shalt  }
0x70: {  	_ =	shalt  }
0x71: {  	_ =	shalt  }
0x72: {  	_ =	shalt  }
0x73: {  	_ =	shalt  }
0x74: {  	_ =	shalt  }
0x75: {  	_ =	shalt  }
0x76: {  	_ =	shalt  }
0x77: {  	_ =	shalt  }
0x78: {  	_ =	shalt  }
0x79: {  	_ =	shalt  }
0x7a: {  	_ =	shalt  }
0x7b: {  	_ =	shalt  }
0x7c: {  	_ =	shalt  }
0x7d: {  	_ =	shalt  }
0x7e: {  	_ =	shalt  }
0x7f: {  	_ =	shalt  }
0x80: {  	_ =	shalt  }
0x81: {  	_ =	shalt  }
0x82: {  	_ =	shalt  }
0x83: {  	_ =	shalt  }
0x84: {  	_ =	shalt  }
0x85: {  	_ =	shalt  }
0x86: {  	_ =	shalt  }
0x87: {  	_ =	shalt  }
.Lfunc_end0:
.L_simem_size_0:
called_computation_lowered:
.L_overlay_start_0:
0x88: {  	s0 =	sld [smem:$0x3FD9]  }
0x89: {  	s1 =	sld [smem:$0x3FFE];
	_ =	sdelay $0x3  }
0x8a: {  	s0 =	sadd.s32 s1, s0  }
0x8b: {  	[smem:$0x3FAF] =	sst s0  }
0x8c: {  	_ = 	snop  }
0x8d: {  	(tm) =	ssettm $0x1  }
0x8e: {  	s15 =	sld [smem:$0x3FFB];
	_ =	sdelay $0x3  }
0x8f: {  	_ =	strace s15  }
0x90: {  	s0 =	sld [smem:$0x3FFC];
	_ =	sdelay $0x3  }
0x91: {  	_ =	strace s0  }
0x92: {  	s0 =	sld [smem:$0x3FFD];
	_ =	sdelay $0x3  }
0x93: {  	_ =	strace s0  }
0x94: {  	_ =	strace $0x8FFFFFFF  }
0x95: {  	s16 =	sld [smem:$0x3FDB];
	_ =	sdelay $0x1  }
0x96: {  	s17 =	simm.s32 $_scs_section_size  }
0x97: {  	s2 =	simm.s32 $_size__tile_overlayer_lowered;
	s3 =	simm.s32 $_tile_overlayer_lowered  }
0x98: {  	s20 =	simm.s32 $0x1BFF;
	s19 =	sshll.u32 s3, $0x1;
	s0 =	sadd.s32 s17, s16  }
0x99: {  	s4 =	simm.s32 $0x0;
	s18 =	sshll.u32 s2, $0x1;
	s2 =	sadd.s32 s19, s0  }
0x9a: {  	[timem:s4], [sflag:s20] =	dma.local [hbm:s2], s18  }
0x9b: {  	_ =	swait.ge [sflag:s20], s18  }
0x9c: {  	s1 =	ssub.s32 $0x0, s18;
	[sflag:s20] =	ssyncset.done $0x0  }
0x9d: {  	[sflag:s20] =	ssyncadd.s32 s1;
	_ =	sdelay $0x1  }
0x9e: {  	s21 =	simm.s32 $0x1B8B  }
0x9f: {  	_ =	swait.ge [sflag:s21], $0x1  }
0xa0: {  	[sflag:s21] =	ssyncset.done $0x0  }
0xa1: {  	s23 =	simm.s32 $0x1B8E;
	s22 =	sld [smem:$0x3FFE];
	[sflag:s21] =	ssyncadd.s32 $0xFFFFFFFF  }
0xa2: {  	s24 =	simm.s32 $execute0_lowered;
	[smem:$0x3FD2] =	sst s23  }
0xa3: {  	s2 =	sshll.u32 s24, $0x1;
	_ =	strace $0x80000046;
	[dreg:$0x1] =	wrdreg $0xFFFFFFFF  }
0xa4: {  	s25 =	simm.s32 $_size_execute0_lowered;
	s0 =	sadd.s32 s0, s2;
	[dreg:$0x0] =	wrdreg $0x0  }
0xa5: {  	s2 =	sshll.u32 s25, $0x1;
	[dreg:$0x2] =	wrdreg s0  }
0xa6: {  	[dreg:$0x3] =	wrdreg s2  }
0xa7: {  	[dreg:$0x4] =	wrdreg $0xC0  }
0xa8: {  	_ =	task [dreg:s4], $0x5FFFF  }
0xa9: {  	[dreg:$0x1] =	wrdreg $0xFFFFFFFF  }
0xaa: {  	[dreg:$0x0] =	wrdreg $0x60  }
0xab: {  	[dreg:$0x2] =	wrdreg s22  }
0xac: {  	[dreg:$0x3] =	wrdreg $0x9  }
0xad: {  	_ =	task.clear_ibuf [dreg:s4], $0x4FFFF;
	_ =	strace $0x90000046  }
0xae: {  	s26 =	simm.s32 $0x9;
	_ =	strace $0x80000048  }
0xaf: {  	_ =	swait.ge [sflag:s26], $0x1  }
0xb0: {  	[sflag:s26] =	ssyncadd.s32 $0xFFFFFFFF  }
0xb1: {  	_ =	strace $0x90000048  }
0xb2: {  	_ =	sfence  }
0xb3: {  	s28 =	sld [smem:$0x0];
	_ =	sdelay $0x1  }
0xb4: {  	s29 =	srdreg.scid  }
0xb5: {  	s30 =	sshll.u32 s29, $0xD;
	s31 =	sshrl.u32 s29, $0x2  }
0xb6: {  	s1 =	sand.u32 $0x1, s29;
	s2 =	sand.u32 $0x4000, s30;
	s0 =	sadd.s32 s31, s28  }
0xb7: {  	s1 =	sor.u32 s2, s1;
	s0 =	sshll.u32 s0, $0x11  }
0xb8: {  	s0 =	sor.u32 s0, s1  }
0xb9: {  	s0 =	sadd.s32 $0x8F2B, s0  }
0xba: {  	[sflag:s0] =	ssyncadd.remote.s32 $0x1  }
0xbb: {  	_ =	sfence.sel $0xFFFF  }
0xbc: {  	[dreg:$0x0] =	wrdreg $0xFFFFFFFF;
	(pc) =	sbr.abs _section_cstart, $3  }
0xbd: {  	[dreg:$0x1] =	wrdreg $0xFFFFFFFF  }
0xbe: {  	_ =	task.clear_ibuf [dreg:s4], $0x2FFFF;
	_ =	strace $0x9FFFFFFF  }
0xbf: {  	(tm) =	ssettm $0x7FFFFFFF  }
tec
execute0_lowered:
.L_overlay_start_1:
0x0: {  	(tag) =	ssettag $0x1  }
0x1: {  	s0 =	rddreg [dreg:$0x0];
	_ =	strace $0x80000047;
	s3 =	simm.s32 $0x1  }
0x2: {  	v1 =	vimm.s32 $0xFFFFFFFF;
	[sflag:s3] =	ssyncpa.u1 $0x0  }
0x3: {  	[tilespmem:$0x10] =	vst v1  }
0x4: {  	v0 =	vimm.s32 $0x80000000;
	[tilespmem:$0x20] =	vst v1  }
0x5: {  	[tilespmem:$0x30] =	vst v0  }
0x6: {  	s2 =	simm.s32 $0x2;
	s26 =	stileid.u32;
	[tilespmem:$0x40] =	vst v0  }
0x7: {  	s5 =	simm.s32 $0x7;
	s7 =	simm.s32 $0x8;
	s31 =	simm.s32 $0x9;
	[tilespmem:$0x50] =	vst v0  }
0x8: {  	s14 =	simm.s32 $0x0;
	s15 =	simm.s32 $0x100;
	s19 =	simm.s32 $0x3820;
	[tilespmem:$0x60] =	vst v1  }
0x9: {  	s20 =	simm.s32 $0xF;
	s21 =	simm.s32 $0x50;
	s22 =	simm.s32 $0x197F;
	[tilespmem:$0x70] =	vst v1  }
0xa: {  	s23 =	simm.s32 $0x20;
	s24 =	simm.s32 $0x30;
	s25 =	simm.s32 $0x31FF;
	[tilespmem:$0x80] =	vst v1  }
0xb: {  	s30 =	simm.s32 $0x0;
	s29 =	simm.s32 $0x0;
	s6 =	smul.u32 $0x620, s26;
	v1 =	vimm.s32 $0x0;
	[tilespmem:$0xB0] =	vst v0  }
.Ltmp0:
0xc: {  	s1 =	sadd.s32 $0x25D600, s0;
	s4 =	sadd.s32 $0xF800, s0;
	[tilespmem:$0x90] =	vst v1;
	(pc) =	sbr.rel .LBB2_1-.Ltmp0, $4  }
0xd: {  	s8 =	sadd.s32 $0x25C800, s0;
	s10 =	sshll.u32 s26, $0x1;
	[tilespmem:$0xA0] =	vst v1;
	[sflag:s2] =	ssyncpa.u1 $0x0  }
0xe: {  	s12 =	sshllo.u32 s26, $0x1;
	s26 =	simm.s32 $0x80;
	[sflag:s5] =	ssyncpa.u1 $0x0  }
0xf: {  	vm0 =	vmmov $0xffff;
	v2 =	vlaneseq.u32;
	s11 =	sor.u32 $0x81, s10;
	s13 =	sor.u32 $0x80, s10;
	[sflag:s7] =	ssyncpa.u1 $0x0  }
0x10: {  	vm1 =	vmxor vm1, vm1;
	vm2 =	vmmov $0x1;
	vm3 =	vcmask $0x3F3C;
	s9 =	sadd.s32 $0x620, s6;
	s28 =	smov.u32 s6;
	[sflag:s31] =	ssyncpa.u1 $0x0  }
.LBB2_3:
0x11: {  	s0 =	sshrl.u32 s28, $0x3  }
0x12: {  	s2 =	sand.u32 $0x7, s28;
	s0 =	sadd.s32 s4, s0  }
0x13: {  	[tilespmem:s15], [sflag:$0x7] =	stream.linear.gather [hbm4b:s0+s2], $0x620, $0x38;
	[tilespmem:$0x3840] =	vst v63  }
.LBB2_4:
0x14: {  	s0 =	sadd.s32 $0x620, s28  }
0x15: {  	s2 =	smov.u32 s6;
	s29 =	sadd.s32 $0x1, s29;
	p0 =	slt.s32 s0, s9  }
0x16: {  	s2 =	smov.u32 @p0 s0;
	p0 =	sne.s32 s29, $0x4  }
.Ltmp1:
0x17: {  	_ = 	snop;
	(pc) =	sbr.rel @!p0 .LBB2_13-.Ltmp1, $2  }
0x18: {  	_ =	sdelay $0x2  }
0x19: {  	s30 =	smov.u32 s28;
	s28 =	smov.u32 s2  }
.LBB2_1:
0x1a: {  	p0 =	sgt.s32 s29, $0x1  }
.Ltmp2:
0x1b: {  	_ = 	snop;
	(pc) =	sbr.rel @p0 .LBB2_11-.Ltmp2, $1  }
0x1c: {  	_ =	sdelay $0x3  }
0x1d: {  	p0 =	seq.s32 s29, $0x0  }
.Ltmp3:
0x1e: {  	_ = 	snop;
	(pc) =	sbr.rel @p0 .LBB2_3-.Ltmp3, $1  }
0x1f: {  	_ =	sdelay $0x3  }
0x20: {  	_ =	swait.ge [sflag:s5], $0x620  }
0x21: {  	[sflag:s5] =	ssyncset.done $0x0  }
0x22: {  	[sflag:s5] =	ssyncadd.s32 $0xFFFFF9E0;
	(ifvalue) =	ssetifvalue $0xFFFFFFFF;
	v3 =	vld.msk [tilespmem:s15+$0x0 ss:$0x1], $0xffff;
	_ =	sdelay $0x4  }
0x23: {  	v4 =	vperm.xlane v3, v1  }
0x24: {  	vm4 =	vlt.u32 v3, $0x18800  }
0x25: {  	v3 =	vnsel vm4, $0xFFFFFFFE, v3;
	vm4 =	vlt.u32 v4, $0x18800  }
0x26: {  	[tilespmem:$0x70] =	vst v3;
	v3 =	vnsel vm4, $0xFFFFFFFE, v4  }
0x27: {  	s17 =	simm.s32 $0x710;
	[tilespmem:$0x80] =	vst v3  }
0x28: {  	v3 =	vld.msk [tilespmem:s17+$0x0 ss:$0x1], $0xffff;
	_ =	sdelay $0x4  }
0x29: {  	(xrf1) =	vunique.msk.u32 $0xffff, v3;
	_ =	sdelay $0xd  }
0x2a: {  	v4 =	vimm.s32 $0xFFFFFFFF;
	v5, _, _ =	vpop (xrf1)  }
0x2b: {  	vm5 =	vne.s32 v3, v4;
	vm4 =	veq.s32 v5, v2  }
0x2c: {  	vm6 =	vlt.u32 v3, $0x18800;
	vm4 =	vmand vm5, vm4  }
0x2d: {  	vm4 =	vmand vm6, vm4  }
0x2e: {  	v4 =	vnsel vm4, $0xFFFFFFFF, v3;
	_ =	sdelay $0x3  }
0x2f: {  	s0 =	simm.s32 $0x1970;
	(ifvalue) =	ssetifvalue $0xFFFFFFFF  }
0x30: {  	v3 =	vperm.xlane v3, v1;
	[tilespmem:s0], [sflag:$0x8] =	stream.indirect_vreg.gather [hbm4b:s1+s14], $0x1, v4, vm0, $0x4038;
	v4 =	vnsel vm6, $0xFFFFFFFE, v4;
	[tilespmem:$0x3840] =	vst v63  }
0x31: {  	s2 =	simm.s32 $0x0;
	s16 =	simm.s32 $0x700;
	[tilespmem:s17+$0x0] =	vst v4  }
.LBB2_6:
0x32: {  	v4 =	vld.msk [tilespmem:s16+$0x0 ss:$0x1], $0xffff;
	s2 =	sadd.s32 $0x10, s2;
	v5 =	vmov v3;
	s17 =	smov.u32 s16  }
0x33: {  	p0 =	slt.u32 s2, $0x610;
	_ =	sdelay $0x4  }
0x34: {  	v3 =	vperm.xlane v4, v1;
	(xrf1) =	vunique.msk.u32 $0xffff, v4;
	_ =	sdelay $0xd  }
0x35: {  	v6, _, _ =	vpop (xrf1)  }
0x36: {  	vm5 =	vne.s32 v4, v5;
	vm4 =	veq.s32 v6, v2  }
0x37: {  	vm6 =	vlt.u32 v4, $0x18800;
	vm4 =	vmand vm5, vm4  }
0x38: {  	vm4 =	vmand vm6, vm4  }
0x39: {  	v4 =	vnsel vm4, $0xFFFFFFFF, v4  }
.Ltmp4:
0x3a: {  	v5 =	vnsel vm6, $0xFFFFFFFE, v4;
	(pc) =	sbr.rel @p0 .LBB2_6-.Ltmp4, $3  }
0x3b: {  	_ =	sdelay $0x1  }
0x3c: {  	s16 =	sadd.s32 $0xFFFFFFF0, s16;
	s0 =	sadd.s32 $0xFFFFFFF0, s0;
	(ifvalue) =	ssetifvalue $0xFFFFFFFF  }
0x3d: {  	[tilespmem:s0], [sflag:$0x8] =	stream.indirect_vreg.gather [hbm4b:s1+s14], $0x1, v4, vm0, $0x4038;
	[tilespmem:s17+$0x0] =	vst v5  }
.Ltmp5:
0x3e: {  	(pc) =	sbr.rel .LBB2_4-.Ltmp5, $4  }
0x3f: {  	_ = 	snop  }
0x40: {  	s0 =	sshrl.u32 s30, $0x3  }
0x41: {  	s2 =	simm.s32 $0x1FA0;
	s0 =	sadd.s32 s8, s0  }
0x42: {  	[tilespmem:s2], [sflag:$0x8] =	stream.linear.gather [hbm:s0], $0x620, $0x38;
	[tilespmem:$0x3840] =	vst v63  }
.LBB2_11:
0x43: {  	p0 =	seq.s32 s29, $0x2  }
.Ltmp6:
0x44: {  	_ = 	snop;
	(pc) =	sbr.rel @!p0 .LBB2_12-.Ltmp6, $1  }
0x45: {  	_ =	sdelay $0x3  }
0x46: {  	_ =	swait.ge [sflag:s7], $0xC40  }
0x47: {  	[sflag:s7] =	ssyncset.done $0x0  }
0x48: {  	s0 =	simm.s32 $0x71F;
	[sflag:s7] =	ssyncadd.s32 $0xFFFFF3C0  }
0x49: {  	[spmem:s11] =	stream.linear.scatter [tilespmem:s0], [sflag:$0x1], $0x1, $0x38;
	[tilespmem:$0x3840] =	vst v63  }
0x4a: {  	_ =	swait.ge [sflag:s3], $0x1  }
0x4b: {  	[sflag:s3] =	ssyncset.done $0x0  }
0x4c: {  	[sflag:s3] =	ssyncadd.s32 $0xFFFFFFFF  }
0x4d: {  	v4 =	vld [tilespmem:$0x10]  }
0x4e: {  	v5 =	vld [tilespmem:$0x70]  }
0x4f: {  	v3 =	vld [tilespmem:$0x80];
	_ =	sdelay $0x2  }
0x50: {  	(v2sf) =	vpush v4, $0x0  }
0x51: {  	(v2sf) =	vpush v5, $0x0  }
0x52: {  	(v2sf) =	vpush v3, $0x0;
	_ =	sdelay $0xc  }
0x53: {  	s18 =	spop (v2sf)  }
0x54: {  	s2 =	spop (v2sf)  }
0x55: {  	s30 =	spop (v2sf)  }
0x56: {  	p0 =	seq.s32 s18, s2;
	p1 =	seq.s32 s30, s18  }
0x57: {  	p1 =	por p0, p1  }
0x58: {  	s2 =	simm.s32 $0x10;
	v4 =	vpsel p1, $0xFFFFFFFF, v4  }
0x59: {  	[tilespmem:s2+$0x0] =	vst.msk $0x1, v4  }
0x5a: {  	v4 =	vld [tilespmem:$0x30]  }
0x5b: {  	v5 =	vld [tilespmem:$0x1FA0]  }
0x5c: {  	v6 =	vld [tilespmem:$0x40];
	_ =	sdelay $0x3  }
0x5d: {  	vm4 =	vmmov vm1;
	vm6 =	vmmov vm2;
	vm5 =	vgt.s32 v4, v5  }
0x5e: {  	s16 =	simm.s32 $0x1FA0;
	vm4 =	vmmov @p0 vm2;
	v5 =	vsel vm5, v4, v5;
	vm5 =	vgt.s32 v4, v6  }
0x5f: {  	vm6 =	vmmov @p1 vm1;
	v4 =	vsel vm5, v4, v6;
	[tilespmem:s16+$0x0] =	vst.msk vm4, v5  }
0x60: {  	[tilespmem:s19+$0x0] =	vst.msk vm6, v4  }
0x61: {  	v4 =	vld [tilespmem:$0x1970];
	_ =	sdelay $0x4  }
0x62: {  	v4 =	vshift.insert v4, v1, s20;
	_ =	sdelay $0x1  }
0x63: {  	v5 =	vimm.s32 $0x80000000;
	[tilespmem:s21+$0x0] =	vst.msk $0x1, v4  }
0x64: {  	[tilespmem:s22+$0x0] =	vst.msk $0x1, v5  }
0x65: {  	v4 =	vld [tilespmem:$0x710];
	_ =	sdelay $0x4  }
0x66: {  	v4 =	vshift.insert v4, v1, s20;
	_ =	sdelay $0x1  }
0x67: {  	[tilespmem:s23+$0x0] =	vst.msk $0x1, v4  }
0x68: {  	v6 =	vld [tilespmem:s16+$0x0]  }
0x69: {  	s17 =	simm.s32 $0x100  }
0x6a: {  	v7 =	vld [tilespmem:s17+$0x0];
	_ =	sdelay $0x2  }
0x6b: {  	vm4 =	vgt.s32 v6, v5  }
0x6c: {  	v5 =	vsel vm4, v6, v5  }
0x6d: {  	vm4 =	vne.s32 v7, $0xFFFFFFFF;
	v5 =	vxor.u32 $0x80000000, v5  }
0x6e: {  	(xrf0) =	vmax.seg.scan.u32 vm4, v5  }
0x6f: {  	s18 =	simm.s32 $0x1360  }
0x70: {  	v8 =	vld [tilespmem:s18+$0x0]  }
0x71: {  	v6 =	vld [tilespmem:$0xA0];
	_ =	sdelay $0x2  }
0x72: {  	v5 =	vperm.xlane v4, v1;
	v9, _, _ =	vpop (xrf0)  }
0x73: {  	vm6 =	veq.s32 v7, v3;
	v9 =	vxor.u32 $0x80000000, v9  }
0x74: {  	vm8 =	veq.s32 v7, v5;
	vm5 =	veq.s32 v6, $0x1;
	vm7 =	vgt.s32 v9, v8  }
0x75: {  	vm8 =	vmor vm8, vm6;
	v6 =	vsel vm7, v9, v8;
	vm7 =	vgt.u32 v7, $0xFFFFFFFD  }
0x76: {  	v10 =	vld [tilespmem:$0x90];
	vm9 =	vmand vm4, vm3;
	vm4 =	vmor vm5, vm6;
	vm5 =	vmor vm8, vm7  }
0x77: {  	v8 =	vsel vm5, $0xFFFFFFFF, v7;
	_ =	sdelay $0x1  }
0x78: {  	s31 =	simm.s32 $0x2BE0  }
0x79: {  	s0 =	simm.s32 $0x0;
	s2 =	simm.s32 $0x1FB0;
	s16 =	simm.s32 $0x110;
	v11 =	vsel vm9, $0x80000000, v9;
	v6 =	vsel vm6, v9, v6  }
0x7a: {  	s17 =	simm.s32 $0x2BF0;
	s18 =	simm.s32 $0x1370;
	[tilespmem:s31+$0x0] =	vst v6;
	v6 =	vsel vm6, v9, v10;
	v7 =	vshift.insert v11, v0, s20;
	(ifvalue) =	ssetifvalue $0xFFFFFFFF  }
.LBB2_9:
0x7b: {  	[hbm4b:s1+s14] =	stream.indirect_vreg.scatter [tilespmem:s31], [sflag:$0x2], $0x1, v8, vm0, $0x4038;
	[tilespmem:$0x3840] =	vst v63  }
0x7c: {  	s0 =	sadd.s32 $0x10, s0;
	s31 =	smov.u32 s17;
	v8 =	vld [tilespmem:s2+$0x0]  }
0x7d: {  	p0 =	slt.u32 s0, $0x610  }
0x7e: {  	v9 =	vld [tilespmem:s16+$0x0];
	_ =	sdelay $0x2  }
0x7f: {  	vm5 =	vgt.s32 v8, v7  }
0x80: {  	v7 =	vsel vm5, v8, v7  }
0x81: {  	vm5 =	vne.s32 v9, $0xFFFFFFFF;
	v7 =	vxor.u32 $0x80000000, v7  }
0x82: {  	(xrf0) =	vmax.seg.scan.u32 vm5, v7;
	_ =	sdelay $0x2  }
0x83: {  	v7 =	vld [tilespmem:s18+$0x0];
	_ =	sdelay $0x1  }
0x84: {  	vm6 =	veq.s32 v9, v3;
	vm7 =	veq.s32 v9, v5  }
0x85: {  	vm8 =	vgt.u32 v9, $0xFFFFFFFD;
	vm4 =	vmor vm4, vm6;
	vm7 =	vmor vm7, vm6;
	v8, _, _ =	vpop (xrf0)  }
0x86: {  	vm5 =	vmand vm5, vm3;
	vm7 =	vmor vm7, vm8;
	v10 =	vxor.u32 $0x80000000, v8  }
.Ltmp7:
0x87: {  	v8 =	vsel vm7, $0xFFFFFFFF, v9;
	vm7 =	vgt.s32 v10, v7;
	v9 =	vsel vm5, $0x80000000, v10;
	(pc) =	sbr.rel @p0 .LBB2_9-.Ltmp7, $4  }
0x88: {  	v6 =	vsel vm6, v10, v6;
	v11 =	vsel vm7, v10, v7;
	v7 =	vshift.insert v9, v0, s20  }
0x89: {  	v9 =	vsel vm6, v10, v11  }
0x8a: {  	s2 =	sadd.s32 $0x10, s2;
	s16 =	sadd.s32 $0x10, s16;
	[tilespmem:s17+$0x0] =	vst v9  }
0x8b: {  	s18 =	sadd.s32 $0x10, s18;
	s17 =	sadd.s32 $0x10, s17;
	(ifvalue) =	ssetifvalue $0xFFFFFFFF  }
0x8c: {  	_ =	sdelay $0x3  }
0x8d: {  	[hbm4b:s1+s14] =	stream.indirect_vreg.scatter [tilespmem:s31], [sflag:$0x2], $0x1, v8, vm0, $0x4038;
	[tilespmem:$0x3840] =	vst v63  }
0x8e: {  	v3 =	vld [tilespmem:$0x31F0];
	_ =	sdelay $0x4  }
0x8f: {  	v3 =	vshift.insert v3, v1, s20;
	_ =	sdelay $0x1  }
0x90: {  	[tilespmem:s24+$0x0] =	vst.msk $0x1, v3  }
0x91: {  	v3 =	vsel vm4, $0x1, v1;
	[tilespmem:$0x90] =	vst v6  }
0x92: {  	[tilespmem:$0xA0] =	vst v3  }
0x93: {  	[spmem:s12] =	stream.linear.scatter [tilespmem:s25], [sflag:$0x1], $0x1, $0x38;
	[tilespmem:$0x3840] =	vst v63  }
0x94: {  	v3 =	vmctz.xlane vm4;
	_ =	swait.ge [sflag:s3], $0x1  }
0x95: {  	(v2sf) =	vpush v4, $0x0  }
0x96: {  	(v2sf) =	vpush v3, $0x0;
	_ =	sdelay $0xd  }
0x97: {  	s0 =	spop (v2sf)  }
0x98: {  	s2 =	spop (v2sf)  }
0x99: {  	[sflag:s3] =	ssyncset.done $0x0;
	p0 =	sne.s32 s30, s0;
	p1 =	slt.s32 s2, $0xF  }
0x9a: {  	[sflag:s3] =	ssyncadd.s32 $0xFFFFFFFF;
	v3 =	vimm.s32 @!p0 $0xFFFFFFFF;
	s2 =	simm.s32 @!p1 $0xF  }
0x9b: {  	[tilespmem:$0x80] =	vst @!p0 v3;
	s31 =	sadd.s32 $0x90, s2  }
0x9c: {  	[spmem:s10] =	stream.linear.scatter [tilespmem:s31], [sflag:$0x1], $0x1, $0x38;
	[tilespmem:$0x3840] =	vst v63  }
0x9d: {  	_ =	swait.ge [sflag:s3], $0x1  }
0x9e: {  	[sflag:s3] =	ssyncset.done $0x0  }
0x9f: {  	[sflag:s3] =	ssyncadd.s32 $0xFFFFFFFF  }
0xa0: {  	[spmem:s13] =	stream.linear.scatter [tilespmem:s26], [sflag:$0x1], $0x1, $0x38;
	[tilespmem:$0x3840] =	vst v63  }
0xa1: {  	_ =	swait.ge [sflag:s3], $0x1  }
0xa2: {  	[sflag:s3] =	ssyncset.done $0x0  }
0xa3: {  	[sflag:s3] =	ssyncadd.s32 $0xFFFFFFFF;
	(ifvalue) =	ssetifvalue $0xFFFFFFFF;
	v3 =	vld [tilespmem:$0x10];
	_ =	sdelay $0x3  }
.Ltmp8:
0xa4: {  	_ = 	snop;
	(pc) =	sbr.rel .LBB2_4-.Ltmp8, $3  }
0xa5: {  	_ =	sdelay $0x1  }
0xa6: {  	(ifvalue) =	ssetifvalue $0xFFFFFFFF  }
0xa7: {  	[hbm4b:s1+s14] =	stream.indirect_vreg.scatter [tilespmem:s19], [sflag:$0x9], $0x1, v3, vm0, $0x4038;
	[tilespmem:$0x3840] =	vst v63  }
.LBB2_12:
0xa8: {  	s0 =	simm.s32 $0x2  }
0xa9: {  	_ =	swait.ge [sflag:s0], $0x620  }
0xaa: {  	[sflag:s0] =	ssyncset.done $0x0  }
0xab: {  	s31 =	simm.s32 $0x9;
	[sflag:s0] =	ssyncadd.s32 $0xFFFFF9E0  }
0xac: {  	_ =	swait.ge [sflag:s31], $0x10  }
0xad: {  	[sflag:s31] =	ssyncset.done $0x0  }
0xae: {  	[sflag:s31] =	ssyncadd.s32 $0xFFFFFFF0  }
.LBB2_13:
0xaf: {  	_ =	sfence.sel $0x180000  }
0xb0: {  	s0 =	simm.s32 $0x7;
	[bflag:$0x0] =	sbarrier.arrive $0xFFFF  }
0xb1: {  	s26 =	simm.s32 $0x8;
	[sflag:s0] =	ssyncpa.u1 $0x1  }
0xb2: {  	s28 =	simm.s32 $0x9;
	[sflag:s26] =	ssyncpa.u1 $0x1  }
0xb3: {  	[sflag:s28] =	ssyncpa.u1 $0x1  }
0xb4: {  	_ =	sfence.stream.spmem  }
0xb5: {  	s29 =	simm.s32 $0x3;
	[bflag:$0x0] =	sbarrier.arrive $0xFFFF  }
0xb6: {  	s30 =	simm.s32 $0x4;
	[sflag:s29] =	ssyncpa.u1 $0x1  }
0xb7: {  	s31 =	simm.s32 $0x3C;
	s2 =	stileid.u32;
	[sflag:s30] =	ssyncpa.u1 $0x1  }
0xb8: {  	p0 =	sne.s32 s2, $0x0;
	[sflag:s31] =	ssyncpa.u1 $0x1  }
0xb9: {  	s0 =	simm.s32 @p0 $0x1;
	_ =	sfence @p0  }
0xba: {  	[sflag:s0] =	ssyncpa.u1 @p0 $0x1;
	s0 =	simm.s32 @p0 $0x2  }
0xbb: {  	[sflag:s0] =	ssyncpa.u1 @p0 $0x1  }
0xbc: {  	_ =	strace @p0 $0x90000047  }
0xbd: {  	[bflag:$0x2] =	sbarrier.arrive @p0 $0xFFFF  }
0xbe: {  	_ =	shalt @p0  }
.LBB2_14:
0xbf: {  	_ =	sfence.stream.spmem;
	s0 =	simm.s32 $0x5  }
0xc0: {  	s2 =	simm.s32 $0x80;
	s3 =	simm.s32 $0xC0;
	[sflag:s0] =	ssyncpa.u1 $0x0  }
0xc1: {  	[tilespmem:s3], [sflag:$0x5] =	stream.linear.gather [spmem:s2], $0x20, $0x38;
	[tilespmem:$0x3840] =	vst v63  }
0xc2: {  	s30 =	simm.s32 $0xE0;
	s2 =	simm.s32 $0x0  }
0xc3: {  	[tilespmem:s30], [sflag:$0x5] =	stream.linear.gather [spmem:s2], $0x20, $0x38;
	[tilespmem:$0x3840] =	vst v63  }
.Ltmp9:
0xc4: {  	_ = 	snop;
	(pc) =	sbr.rel .LBB2_15-.Ltmp9, $4  }
0xc5: {  	_ =	swait.ge [sflag:s0], $0x40  }
0xc6: {  	[sflag:s0] =	ssyncset.done $0x0  }
0xc7: {  	s31 =	simm.s32 $0x6;
	[sflag:s0] =	ssyncadd.s32 $0xFFFFFFC0  }
0xc8: {  	s3 =	simm.s32 $0x0;
	[sflag:s31] =	ssyncpa.u1 $0x0  }
.LBB2_20:
0xc9: {  	p0 =	sgt.u32 s4, $0x187FF  }
0xca: {  	s0 =	sshrl.u32 @!p0 s4, $0x3  }
0xcb: {  	s4 =	sand.u32 @!p0 $0x7, s4;
	s5 =	simm.s32 @!p0 $0xB0;
	s0 =	sadd.s32 @!p0 s1, s0  }
0xcc: {  	[tilespmem:s5], [sflag:$0x6] =	stream.linear.gather @!p0 [hbm4b:s0+s4], $0x1, $0x38;
	[tilespmem:$0x3840] =	vst v63  }
0xcd: {  	s0 =	simm.s32 @!p0 $0x6  }
0xce: {  	_ =	swait.ge @!p0 [sflag:s0], $0x1  }
0xcf: {  	[sflag:s0] =	ssyncset.done @!p0 $0x0  }
0xd0: {  	[sflag:s0] =	ssyncadd.s32 @!p0 $0xFFFFFFFF  }
0xd1: {  	v1 =	vld.msk @!p0 [tilespmem:$0xB0], $0x1  }
0xd2: {  	v2 =	vld.msk @!p0 [tilespmem:s3+$0xE0], $0x1;
	_ =	sdelay $0x4  }
0xd3: {  	vm0 =	vgt.s32 @!p0 v2, v1  }
0xd4: {  	v1 =	vsel @!p0 vm0, v2, v1  }
0xd5: {  	[tilespmem:s3+$0xE0] =	vst.msk @!p0 $0x1, v1  }
0xd6: {  	[tilespmem:s2+$0xC0] =	vst.msk $0x1, v0  }
0xd7: {  	v0 =	vld.msk [tilespmem:s3+$0xE0], $0x1;
	_ =	sdelay $0x4  }
0xd8: {  	[tilespmem:s2+$0xE0] =	vst.msk $0x1, v0;
	s2 =	sadd.s32 $0x1, s2  }
.LBB2_22:
0xd9: {  	s3 =	sadd.s32 $0x1, s3  }
0xda: {  	p0 =	sne.s32 s3, $0x20  }
.Ltmp10:
0xdb: {  	_ = 	snop;
	(pc) =	sbr.rel @!p0 .LBB2_23-.Ltmp10, $1  }
0xdc: {  	_ =	sdelay $0x3  }
.LBB2_15:
0xdd: {  	v0 =	vld.msk [tilespmem:s3+$0xC0], $0x1;
	_ =	sdelay $0x4  }
0xde: {  	(v2sf) =	vpush v0, $0x0;
	_ =	sdelay $0xe  }
0xdf: {  	s4 =	spop (v2sf)  }
0xe0: {  	p0 =	seq.s32 s4, $0xFFFFFFFF  }
.Ltmp11:
0xe1: {  	_ = 	snop;
	(pc) =	sbr.rel @p0 .LBB2_22-.Ltmp11, $1  }
0xe2: {  	_ =	sdelay $0x3  }
0xe3: {  	p0 =	slt.s32 s2, $0x1  }
.Ltmp12:
0xe4: {  	_ = 	snop;
	(pc) =	sbr.rel @p0 .LBB2_20-.Ltmp12, $1  }
0xe5: {  	_ =	sdelay $0x3  }
0xe6: {  	s0 =	simm.s32 $0xC0;
	p0 =	por $0x0, $0x0  }
0xe7: {  	v1 =	vld.msk @!p0 [tilespmem:s0+$0x0], $0x1;
	_ =	sdelay $0x4  }
0xe8: {  	(v2sf) =	vpush @!p0 v1, $0x0;
	_ =	sdelay $0xd  }
0xe9: {  	p2 =	sne.s32 s2, $0x1  }
.Ltmp13:
0xea: {  	s5 =	spop @!p0 (v2sf);
	(pc) =	sbr.rel @!p2 .LBB2_19-.Ltmp13, $4  }
0xeb: {  	p1 =	seq.s32 @!p0 s4, s5  }
0xec: {  	s5 =	simm.s32 $0x0;
	p1 =	por !p1, p0  }
0xed: {  	s7 =	simm.s32 $0xFFFFFFFF;
	s5 =	simm.s32 @p1 $0xFFFFFFFF  }
0xee: {  	s6 =	simm.s32 $0x1;
	s5 =	smov.u32 @p0 s7  }
.LBB2_18:
0xef: {  	s7 =	smov.u32 s5;
	p0 =	sne.s32 s5, $0xFFFFFFFF  }
0xf0: {  	s0 =	sadd.s32 $0x1, s0;
	s5 =	smov.u32 s6;
	s6 =	sadd.s32 $0x1, s6  }
0xf1: {  	p1 =	sne.s32 s2, s6;
	v1 =	vld.msk @!p0 [tilespmem:s0+$0x0], $0x1;
	_ =	sdelay $0x4  }
0xf2: {  	(v2sf) =	vpush @!p0 v1, $0x0;
	_ =	sdelay $0xe  }
.Ltmp14:
0xf3: {  	s8 =	spop @!p0 (v2sf);
	(pc) =	sbr.rel @p1 .LBB2_18-.Ltmp14, $4  }
0xf4: {  	p2 =	seq.s32 @!p0 s4, s8  }
0xf5: {  	p2 =	por !p2, p0  }
0xf6: {  	s5 =	simm.s32 @p2 $0xFFFFFFFF  }
0xf7: {  	s5 =	smov.u32 @p0 s7  }
.LBB2_19:
0xf8: {  	p0 =	sne.s32 s5, $0xFFFFFFFF  }
.Ltmp15:
0xf9: {  	_ = 	snop;
	(pc) =	sbr.rel @!p0 .LBB2_20-.Ltmp15, $1  }
0xfa: {  	_ =	sdelay $0x3  }
0xfb: {  	v0 =	vld.msk [tilespmem:s3+$0xE0], $0x1  }
0xfc: {  	v1 =	vld.msk [tilespmem:s5+$0xE0], $0x1;
	_ =	sdelay $0x2  }
.Ltmp16:
0xfd: {  	_ = 	snop;
	(pc) =	sbr.rel .LBB2_22-.Ltmp16, $4  }
0xfe: {  	_ = 	snop  }
0xff: {  	vm0 =	vgt.s32 v1, v0  }
0x100: {  	v0 =	vsel vm0, v1, v0  }
0x101: {  	[tilespmem:s5+$0xE0] =	vst.msk $0x1, v0  }
.LBB2_23:
0x102: {  	p0 =	slt.s32 s2, $0x1  }
.Ltmp17:
0x103: {  	_ = 	snop;
	(pc) =	sbr.rel @p0 .LBB2_27-.Ltmp17, $3  }
0x104: {  	_ =	sdelay $0x1  }
0x105: {  	s0 =	simm.s32 $0x6  }
0x106: {  	[sflag:s0] =	ssyncpa.u1 $0x1;
	s0 =	simm.s32 $0x0  }
0x107: {  	s3 =	simm.s32 $0xC0  }
0x108: {  	v0 =	vld.msk [tilespmem:s3+$0x0], $0x1;
	_ =	sdelay $0x4  }
0x109: {  	(v2sf) =	vpush v0, $0x0;
	_ =	sdelay $0xe  }
0x10a: {  	s2 =	sadd.s32 $0xFFFFFFFF, s2;
	s4 =	spop (v2sf)  }
0x10b: {  	p1 =	sne.s32 s2, $0x0;
	p0 =	sgt.u32 s4, $0x187FF  }
.Ltmp18:
0x10c: {  	s5 =	sshrl.u32 @!p0 s4, $0x3;
	(pc) =	sbr.rel @!p1 .LBB2_26-.Ltmp18, $4  }
0x10d: {  	s3 =	simm.s32 $0xE0;
	s4 =	sand.u32 @!p0 $0x7, s4;
	s5 =	sadd.s32 @!p0 s1, s5  }
0x10e: {  	[hbm4b:s5+s4] =	stream.linear.scatter @!p0 [tilespmem:s3], [sflag:$0x5], $0x1, $0x38;
	[tilespmem:$0x3840] =	vst v63  }
0x10f: {  	s5 =	simm.s32 $0x0  }
0x110: {  	s4 =	simm.s32 $0xC1;
	s5 =	simm.s32 @!p0 $0x4  }
.LBB2_25:
0x111: {  	v0 =	vld.msk [tilespmem:s4+$0x0], $0x1;
	s2 =	sadd.s32 $0xFFFFFFFF, s2;
	s0 =	sadd.s32 s0, s5  }
0x112: {  	p0 =	sne.s32 s2, $0x0;
	_ =	sdelay $0x3  }
0x113: {  	(v2sf) =	vpush v0, $0x0;
	_ =	sdelay $0xe  }
.Ltmp19:
0x114: {  	s6 =	spop (v2sf);
	(pc) =	sbr.rel @p0 .LBB2_25-.Ltmp19, $4  }
0x115: {  	s5 =	simm.s32 $0x0;
	p1 =	sgt.u32 s6, $0x187FF  }
0x116: {  	s3 =	sadd.s32 $0x1, s3;
	s5 =	simm.s32 @!p1 $0x4;
	s7 =	sshrl.u32 @!p1 s6, $0x3  }
0x117: {  	s4 =	sadd.s32 $0x1, s4;
	s6 =	sand.u32 @!p1 $0x7, s6;
	s7 =	sadd.s32 @!p1 s1, s7  }
0x118: {  	[hbm4b:s7+s6] =	stream.linear.scatter @!p1 [tilespmem:s3], [sflag:$0x5], $0x1, $0x38;
	[tilespmem:$0x3840] =	vst v63  }
.LBB2_26:
0x119: {  	s0 =	sadd.s32 s0, s5  }
0x11a: {  	s0 =	sshrl.u32 s0, $0x2  }
.LBB2_27:
0x11b: {  	s1 =	simm.s32 $0x5  }
0x11c: {  	_ =	swait.ge [sflag:s1], s0  }
0x11d: {  	s28 =	ssub.s32 $0x0, s0;
	[sflag:s1] =	ssyncset.done $0x0  }
0x11e: {  	[sflag:s1] =	ssyncadd.s32 s28  }
0x11f: {  	[sflag:s1] =	ssyncpa.u1 $0x1  }
0x120: {  	s29 =	simm.s32 $0x1;
	_ =	sfence  }
0x121: {  	s30 =	simm.s32 $0x2;
	[sflag:s29] =	ssyncpa.u1 $0x1  }
0x122: {  	[sflag:s30] =	ssyncpa.u1 $0x1  }
0x123: {  	_ =	strace $0x90000047  }
0x124: {  	[bflag:$0x2] =	sbarrier.arrive $0xFFFF  }
0x125: {  	s31 =	rddreg [dreg:$0x1]  }
0x126: {  	s0 =	sadd.s32 $0x100000, s31  }
0x127: {  	[sflag:s0] =	ssyncadd.tile.s32 $0x1;
	_ =	shalt  }
.Lfunc_end2:
_tile_overlayer_lowered:
.L_overlay_start_2:
0x128: {  	(tag) =	ssettag $0x2  }
0x129: {  	s0 =	rddreg [dreg:$0x0];
	s2 =	stileid.u32  }
0x12a: {  	s1 =	rddreg [dreg:$0x1];
	p0 =	sne.s32 s2, $0x0  }
0x12b: {  	s3 =	rddreg [dreg:$0x2];
	[bflag:$0x3] =	sbarrier.arrive $0xFFFF;
	s2 =	simm.s32 @!p0 $0x1C01  }
0x12c: {  	[timem:s3], [sflag:s2] =	dma.local @!p0 [hbm:s0], s1  }
0x12d: {  	s0 =	simm.s32 @!p0 $0x1  }
0x12e: {  	_ =	swait.ge @!p0 [sflag:s0], s1  }
0x12f: {  	s1 =	ssub.s32 @!p0 $0x0, s1;
	[sflag:s0] =	ssyncset.done @!p0 $0x0  }
0x130: {  	[sflag:s0] =	ssyncadd.s32 @!p0 s1  }
0x131: {  	[bflag:$0x3] =	sbarrier.arrive $0xFFFF  }
0x132: {  	_ =	shalt  }

</sc_bundles>
